<compile_context>
chip_gen: v7x
topology: tpu7x:2x2x1
jax: 0.10.2.dev20260603
libtpu: 0.0.44.dev20260713+nightly
codegen_flags: <defaults>
</compile_context>

<pallas_src>
import functools

import jax
import jax.numpy as jnp
from jax import lax
from jax.experimental import pallas as pl
from jax.experimental.pallas import tpu as pltpu
from jax.experimental.pallas import tpu_sc as plsc

B = 4096
L = 200
N = B * L
WORD_DIM = 64
WORD_PAD = 128
FEAT_LEN = 512
FEAT_DIM = 16
OUT_DIM = 96

NC, NS = 2, 16
NW = NC * NS
SUB = 128
NCH = N // (NW * SUB)


def _sc_embed(x2, l2, r2, wv, p1, p2):
    mesh = plsc.VectorSubcoreMesh(core_axis_name="c", subcore_axis_name="s")

    @functools.partial(
        pl.kernel,
        mesh=mesh,
        out_type=jax.ShapeDtypeStruct((N, OUT_DIM), jnp.float32),
        scratch_types=[
            pltpu.VMEM((SUB,), jnp.int32),
            pltpu.VMEM((SUB,), jnp.int32),
            pltpu.VMEM((SUB,), jnp.int32),
            pltpu.VMEM((SUB,), jnp.int32),
            pltpu.VMEM((SUB,), jnp.int32),
            pltpu.VMEM((SUB,), jnp.int32),
            pltpu.VMEM((SUB, WORD_PAD), jnp.float32),
            pltpu.VMEM((SUB, WORD_PAD), jnp.float32),
            pltpu.VMEM((SUB, WORD_PAD), jnp.float32),
            pltpu.VMEM((SUB, WORD_PAD), jnp.float32),
            pltpu.VMEM((SUB, OUT_DIM), jnp.float32),
            pltpu.VMEM((SUB, OUT_DIM), jnp.float32),
            pltpu.VMEM_SHARED((FEAT_LEN, WORD_PAD), jnp.float32),
            pltpu.VMEM_SHARED((FEAT_LEN, WORD_PAD), jnp.float32),
            pltpu.SemaphoreType.DMA,
            pltpu.SemaphoreType.DMA,
            pltpu.SemaphoreType.DMA,
            pltpu.SemaphoreType.DMA,
            pltpu.SemaphoreType.DMA,
            pltpu.SemaphoreType.DMA,
            pltpu.SemaphoreType.DMA,
        ],
    )
    def k(xh, lh, rh, wvh, p1h, p2h, outh,
          xi0, xi1, li0, li1, ri0, ri1,
          wvb0, wvb1, p1b, p2b, rows0, rows1, p1s, p2s,
          si0, si1, sg0, sg1, sp, so0, so1):
        cid = lax.axis_index("c")
        sid = lax.axis_index("s")
        wid = sid * NC + cid
        row0 = wid * NCH

        xi = (xi0, xi1)
        li = (li0, li1)
        ri = (ri0, ri1)
        wvb = (wvb0, wvb1)
        rows = (rows0, rows1)
        s_idx = (si0, si1)
        s_gat = (sg0, sg1)
        s_out = (so0, so1)

        pltpu.sync_copy(p1h, p1s)
        pltpu.sync_copy(p2h, p2s)

        def idx_cp(c, slot):
            r = row0 + c
            s = s_idx[slot]
            return (pltpu.make_async_copy(xh.at[r], xi[slot], s),
                    pltpu.make_async_copy(lh.at[r], li[slot], s),
                    pltpu.make_async_copy(rh.at[r], ri[slot], s))

        def wv_cp(c, slot):
            return (pltpu.make_async_copy(wvh.at[xi[slot]], wvb[slot],
                                          s_gat[slot]),)

        def pf_cp(c, slot):
            return (pltpu.make_async_copy(p1s.at[li[slot]], p1b, sp),
                    pltpu.make_async_copy(p2s.at[ri[slot]], p2b, sp))

        def out_cp(c, slot):
            base = (row0 + c) * SUB
            return (pltpu.make_async_copy(
                rows[slot], outh.at[pl.ds(base, SUB)], s_out[slot]),)

        def start(cs):
            for cp in cs:
                cp.start()

        def wait(cs):
            for cp in cs:
                cp.wait()

        def assemble_pf(slot):
            rb = rows[slot]

            def body(g, carry):
                for u in range(8):
                    j = g * 8 + u
                    rb[j, pl.ds(64, 16)] = p1b[j, pl.ds(0, 16)]
                    rb[j, pl.ds(80, 16)] = p2b[j, pl.ds(0, 16)]
                return carry

            lax.fori_loop(0, SUB // 8, body, 0)

        def assemble_wv(slot):
            rb, wb = rows[slot], wvb[slot]

            def body(g, carry):
                for u in range(8):
                    j = g * 8 + u
                    for c0 in range(4):
                        rb[j, pl.ds(c0 * 16, 16)] = wb[j, pl.ds(c0 * 16, 16)]
                return carry

            lax.fori_loop(0, SUB // 8, body, 0)

        start(idx_cp(0, 0))
        start(idx_cp(1, 1))
        wait(idx_cp(0, 0))
        start(wv_cp(0, 0))
        start(pf_cp(0, 0))

        def do_chunk(c, slot):
            @pl.when(c >= 2)
            def _():
                wait(out_cp(c - 2, slot))

            wait(wv_cp(c, slot))
            wait(pf_cp(c, slot))

            @pl.when(c + 1 < NCH)
            def _():
                wait(idx_cp(c + 1, slot ^ 1))
                start(wv_cp(c + 1, slot ^ 1))

            @pl.when(c + 2 < NCH)
            def _():
                start(idx_cp(c + 2, slot))

            assemble_pf(slot)

            @pl.when(c + 1 < NCH)
            def _():
                start(pf_cp(c + 1, slot ^ 1))

            assemble_wv(slot)
            start(out_cp(c, slot))

        def body(i, carry):
            do_chunk(2 * i, 0)
            do_chunk(2 * i + 1, 1)
            return carry

        lax.fori_loop(0, NCH // 2, body, 0)
        wait(out_cp(NCH - 2, 0))
        wait(out_cp(NCH - 1, 1))

    return k(x2, l2, r2, wv, p1, p2)


def kernel(x, ldist, rdist, Wv, pf1, pf2):
    x2 = x.reshape(N // SUB, SUB).astype(jnp.int32)
    l2 = ldist.reshape(N // SUB, SUB).astype(jnp.int32)
    r2 = rdist.reshape(N // SUB, SUB).astype(jnp.int32)
    wv128 = jnp.pad(Wv, ((0, 0), (0, WORD_PAD - WORD_DIM)))
    p1128 = jnp.pad(pf1, ((0, 0), (0, WORD_PAD - FEAT_DIM)))
    p2128 = jnp.pad(pf2, ((0, 0), (0, WORD_PAD - FEAT_DIM)))
    out2 = _sc_embed(x2, l2, r2, wv128, p1128, p2128)
    return out2.reshape(B, 1, L, OUT_DIM)

# --- scband reference (transcript-rebuilt; emitter-appended) ---
"""Pipeline reference for scband-get-embeddings-22093311770980 (READ-ONLY COPY).

The authoritative reference and input builder live on the scoring server;
editing this copy changes nothing except your own understanding.
"""

import jax, jax.numpy as jnp
import numpy as np

B = 4096
L = 200
VOCAB = 100000
WORD_DIM = 64
FEAT_LEN = 512
FEAT_DIM = 16


def setup_inputs(seed: int = 0) -> dict:
    key = jax.random.key(seed)
    k1, k2, k3, k4, k5, k6 = jax.random.split(key, 6)
    x = jax.random.randint(k1, (B, L), 0, VOCAB, dtype=jnp.int64 if jax.config.jax_enable_x64 else jnp.int32)
    ldist = jax.random.randint(k2, (B, L), 0, FEAT_LEN, dtype=jnp.int64 if jax.config.jax_enable_x64 else jnp.int32)
    rdist = jax.random.randint(k3, (B, L), 0, FEAT_LEN, dtype=jnp.int64 if jax.config.jax_enable_x64 else jnp.int32)
    Wv = jax.random.normal(k4, (VOCAB, WORD_DIM), dtype=jnp.float32) * 0.02
    pf1 = jax.random.normal(k5, (FEAT_LEN, FEAT_DIM), dtype=jnp.float32) * 0.02
    pf2 = jax.random.normal(k6, (FEAT_LEN, FEAT_DIM), dtype=jnp.float32) * 0.02
    return {"x": x, "ldist": ldist, "rdist": rdist, "Wv": Wv, "pf1": pf1, "pf2": pf2}


def reference(x, ldist, rdist, Wv, pf1, pf2):
    # nn.Embedding lookups (padding_idx only affects gradients, not the forward gather)
    x_embed = jnp.take(Wv, x, axis=0)          # [B, L, 64]
    ldist_embed = jnp.take(pf1, ldist, axis=0)  # [B, L, 16]
    rdist_embed = jnp.take(pf2, rdist, axis=0)  # [B, L, 16]
    concat = jnp.concatenate([x_embed, ldist_embed, rdist_embed], axis=-1)  # [B, L, 96]
    return jnp.expand_dims(concat, 1)          # [B, 1, L, 96]

if __name__ == "__main__":
    import jax
    _d = setup_inputs()
    print(jax.jit(kernel)(*tuple(_d.values())))

</pallas_src>

<mosaic_0001>
#map = affine_map<(d0, d1) -> (0, 0)>
module attributes {stable_mosaic.version = 14 : i64} {
  func.func @k(%arg0: i32, %arg1: i32, %arg2: memref<6400x128xi32, #tpu.memory_space<hbm>>, %arg3: memref<6400x128xi32, #tpu.memory_space<hbm>>, %arg4: memref<6400x128xi32, #tpu.memory_space<hbm>>, %arg5: memref<100000x128xf32, #tpu.memory_space<hbm>>, %arg6: memref<512x128xf32, #tpu.memory_space<hbm>>, %arg7: memref<512x128xf32, #tpu.memory_space<hbm>>, %arg8: memref<819200x96xf32, #tpu.memory_space<hbm>>, %arg9: memref<128xi32, #tpu.memory_space<vmem>>, %arg10: memref<128xi32, #tpu.memory_space<vmem>>, %arg11: memref<128xi32, #tpu.memory_space<vmem>>, %arg12: memref<128xi32, #tpu.memory_space<vmem>>, %arg13: memref<128xi32, #tpu.memory_space<vmem>>, %arg14: memref<128xi32, #tpu.memory_space<vmem>>, %arg15: memref<128x128xf32, #tpu.memory_space<vmem>>, %arg16: memref<128x128xf32, #tpu.memory_space<vmem>>, %arg17: memref<128x128xf32, #tpu.memory_space<vmem>>, %arg18: memref<128x128xf32, #tpu.memory_space<vmem>>, %arg19: memref<128x96xf32, #tpu.memory_space<vmem>>, %arg20: memref<128x96xf32, #tpu.memory_space<vmem>>, %arg21: memref<512x128xf32, #tpu.memory_space<vmem_shared>>, %arg22: memref<512x128xf32, #tpu.memory_space<vmem_shared>>, %arg23: memref<!tpu.dma_semaphore, #tpu.memory_space<semaphore_mem>>, %arg24: memref<!tpu.dma_semaphore, #tpu.memory_space<semaphore_mem>>, %arg25: memref<!tpu.dma_semaphore, #tpu.memory_space<semaphore_mem>>, %arg26: memref<!tpu.dma_semaphore, #tpu.memory_space<semaphore_mem>>, %arg27: memref<!tpu.dma_semaphore, #tpu.memory_space<semaphore_mem>>, %arg28: memref<!tpu.dma_semaphore, #tpu.memory_space<semaphore_mem>>, %arg29: memref<!tpu.dma_semaphore, #tpu.memory_space<semaphore_mem>>) attributes {dimension_semantics = [#tpu.dimension_semantics<core_parallel>, #tpu.dimension_semantics<subcore_parallel>], iteration_bounds = array<i64: 2, 16>, scalar_prefetch = 0 : i64, scratch_operands = 21 : i64, tpu.core_type = #tpu.core_type<sc_vector_subcore>, window_params = [{transform_indices = #map}, {transform_indices = #map}, {transform_indices = #map}, {transform_indices = #map}, {transform_indices = #map}, {transform_indices = #map}, {transform_indices = #map}]} {
    %mul3A = arith.constant 2 : i32
    %mul3A_0 = arith.muli %arg1, %mul3A : i32
    %add3A = arith.addi %mul3A_0, %arg0 : i32
    %mul3A_1 = arith.constant 200 : i32
    %mul3A_2 = arith.muli %add3A, %mul3A_1 : i32
    "tpu.region"() ({
      %run_scoped3A = tpu.sem_alloc : memref<!tpu.dma_semaphore, #tpu.memory_space<semaphore_mem>>
      tpu.enqueue_dma source(%arg6 : memref<512x128xf32, #tpu.memory_space<hbm>>) target(%arg21 : memref<512x128xf32, #tpu.memory_space<vmem_shared>>) target_semaphore(%run_scoped3A : memref<!tpu.dma_semaphore, #tpu.memory_space<semaphore_mem>>)
      tpu.wait_dma2 semaphore(%run_scoped3A : memref<!tpu.dma_semaphore, #tpu.memory_space<semaphore_mem>>) src(%arg6 : memref<512x128xf32, #tpu.memory_space<hbm>>) dst(%arg21 : memref<512x128xf32, #tpu.memory_space<vmem_shared>>)
      tpu.yield
    }) : () -> ()
    "tpu.region"() ({
      %run_scoped3A = tpu.sem_alloc : memref<!tpu.dma_semaphore, #tpu.memory_space<semaphore_mem>>
      tpu.enqueue_dma source(%arg7 : memref<512x128xf32, #tpu.memory_space<hbm>>) target(%arg22 : memref<512x128xf32, #tpu.memory_space<vmem_shared>>) target_semaphore(%run_scoped3A : memref<!tpu.dma_semaphore, #tpu.memory_space<semaphore_mem>>)
      tpu.wait_dma2 semaphore(%run_scoped3A : memref<!tpu.dma_semaphore, #tpu.memory_space<semaphore_mem>>) src(%arg7 : memref<512x128xf32, #tpu.memory_space<hbm>>) dst(%arg22 : memref<512x128xf32, #tpu.memory_space<vmem_shared>>)
      tpu.yield
    }) : () -> ()
    %add3A_3 = arith.constant 0 : i32
    %add3A_4 = arith.addi %mul3A_2, %add3A_3 : i32
    %dma_start3A = arith.constant 0 : i32
    %dma_start3A_5 = tpu.memref_slice %arg2[%add3A_4, %dma_start3A] : memref<6400x128xi32, #tpu.memory_space<hbm>> -> memref<1x128xi32, #tpu.memory_space<hbm>>
    %dma_start3A_6 = tpu.memref_squeeze %dma_start3A_5 : memref<1x128xi32, #tpu.memory_space<hbm>> -> memref<128xi32, #tpu.memory_space<hbm>>
    %dma_start3A_7 = arith.constant 0 : i32
    %dma_start3A_8 = tpu.memref_slice %arg2[%add3A_4, %dma_start3A_7] : memref<6400x128xi32, #tpu.memory_space<hbm>> -> memref<1x128xi32, #tpu.memory_space<hbm>>
    %dma_start3A_9 = tpu.memref_squeeze %dma_start3A_8 : memref<1x128xi32, #tpu.memory_space<hbm>> -> memref<128xi32, #tpu.memory_space<hbm>>
    tpu.enqueue_dma source(%dma_start3A_9 : memref<128xi32, #tpu.memory_space<hbm>>) target(%arg9 : memref<128xi32, #tpu.memory_space<vmem>>) target_semaphore(%arg23 : memref<!tpu.dma_semaphore, #tpu.memory_space<semaphore_mem>>)
    %dma_start3A_10 = arith.constant 0 : i32
    %dma_start3A_11 = tpu.memref_slice %arg3[%add3A_4, %dma_start3A_10] : memref<6400x128xi32, #tpu.memory_space<hbm>> -> memref<1x128xi32, #tpu.memory_space<hbm>>
    %dma_start3A_12 = tpu.memref_squeeze %dma_start3A_11 : memref<1x128xi32, #tpu.memory_space<hbm>> -> memref<128xi32, #tpu.memory_space<hbm>>
    %dma_start3A_13 = arith.constant 0 : i32
    %dma_start3A_14 = tpu.memref_slice %arg3[%add3A_4, %dma_start3A_13] : memref<6400x128xi32, #tpu.memory_space<hbm>> -> memref<1x128xi32, #tpu.memory_space<hbm>>
    %dma_start3A_15 = tpu.memref_squeeze %dma_start3A_14 : memref<1x128xi32, #tpu.memory_space<hbm>> -> memref<128xi32, #tpu.memory_space<hbm>>
    tpu.enqueue_dma source(%dma_start3A_15 : memref<128xi32, #tpu.memory_space<hbm>>) target(%arg11 : memref<128xi32, #tpu.memory_space<vmem>>) target_semaphore(%arg23 : memref<!tpu.dma_semaphore, #tpu.memory_space<semaphore_mem>>)
    %dma_start3A_16 = arith.constant 0 : i32
    %dma_start3A_17 = tpu.memref_slice %arg4[%add3A_4, %dma_start3A_16] : memref<6400x128xi32, #tpu.memory_space<hbm>> -> memref<1x128xi32, #tpu.memory_space<hbm>>
    %dma_start3A_18 = tpu.memref_squeeze %dma_start3A_17 : memref<1x128xi32, #tpu.memory_space<hbm>> -> memref<128xi32, #tpu.memory_space<hbm>>
    %dma_start3A_19 = arith.constant 0 : i32
    %dma_start3A_20 = tpu.memref_slice %arg4[%add3A_4, %dma_start3A_19] : memref<6400x128xi32, #tpu.memory_space<hbm>> -> memref<1x128xi32, #tpu.memory_space<hbm>>
    %dma_start3A_21 = tpu.memref_squeeze %dma_start3A_20 : memref<1x128xi32, #tpu.memory_space<hbm>> -> memref<128xi32, #tpu.memory_space<hbm>>
    tpu.enqueue_dma source(%dma_start3A_21 : memref<128xi32, #tpu.memory_space<hbm>>) target(%arg13 : memref<128xi32, #tpu.memory_space<vmem>>) target_semaphore(%arg23 : memref<!tpu.dma_semaphore, #tpu.memory_space<semaphore_mem>>)
    %add3A_22 = arith.constant 1 : i32
    %add3A_23 = arith.addi %mul3A_2, %add3A_22 : i32
    %dma_start3A_24 = arith.constant 0 : i32
    %dma_start3A_25 = tpu.memref_slice %arg2[%add3A_23, %dma_start3A_24] : memref<6400x128xi32, #tpu.memory_space<hbm>> -> memref<1x128xi32, #tpu.memory_space<hbm>>
    %dma_start3A_26 = tpu.memref_squeeze %dma_start3A_25 : memref<1x128xi32, #tpu.memory_space<hbm>> -> memref<128xi32, #tpu.memory_space<hbm>>
    %dma_start3A_27 = arith.constant 0 : i32
    %dma_start3A_28 = tpu.memref_slice %arg2[%add3A_23, %dma_start3A_27] : memref<6400x128xi32, #tpu.memory_space<hbm>> -> memref<1x128xi32, #tpu.memory_space<hbm>>
    %dma_start3A_29 = tpu.memref_squeeze %dma_start3A_28 : memref<1x128xi32, #tpu.memory_space<hbm>> -> memref<128xi32, #tpu.memory_space<hbm>>
    tpu.enqueue_dma source(%dma_start3A_29 : memref<128xi32, #tpu.memory_space<hbm>>) target(%arg10 : memref<128xi32, #tpu.memory_space<vmem>>) target_semaphore(%arg24 : memref<!tpu.dma_semaphore, #tpu.memory_space<semaphore_mem>>)
    %dma_start3A_30 = arith.constant 0 : i32
    %dma_start3A_31 = tpu.memref_slice %arg3[%add3A_23, %dma_start3A_30] : memref<6400x128xi32, #tpu.memory_space<hbm>> -> memref<1x128xi32, #tpu.memory_space<hbm>>
    %dma_start3A_32 = tpu.memref_squeeze %dma_start3A_31 : memref<1x128xi32, #tpu.memory_space<hbm>> -> memref<128xi32, #tpu.memory_space<hbm>>
    %dma_start3A_33 = arith.constant 0 : i32
    %dma_start3A_34 = tpu.memref_slice %arg3[%add3A_23, %dma_start3A_33] : memref<6400x128xi32, #tpu.memory_space<hbm>> -> memref<1x128xi32, #tpu.memory_space<hbm>>
    %dma_start3A_35 = tpu.memref_squeeze %dma_start3A_34 : memref<1x128xi32, #tpu.memory_space<hbm>> -> memref<128xi32, #tpu.memory_space<hbm>>
    tpu.enqueue_dma source(%dma_start3A_35 : memref<128xi32, #tpu.memory_space<hbm>>) target(%arg12 : memref<128xi32, #tpu.memory_space<vmem>>) target_semaphore(%arg24 : memref<!tpu.dma_semaphore, #tpu.memory_space<semaphore_mem>>)
    %dma_start3A_36 = arith.constant 0 : i32
    %dma_start3A_37 = tpu.memref_slice %arg4[%add3A_23, %dma_start3A_36] : memref<6400x128xi32, #tpu.memory_space<hbm>> -> memref<1x128xi32, #tpu.memory_space<hbm>>
    %dma_start3A_38 = tpu.memref_squeeze %dma_start3A_37 : memref<1x128xi32, #tpu.memory_space<hbm>> -> memref<128xi32, #tpu.memory_space<hbm>>
    %dma_start3A_39 = arith.constant 0 : i32
    %dma_start3A_40 = tpu.memref_slice %arg4[%add3A_23, %dma_start3A_39] : memref<6400x128xi32, #tpu.memory_space<hbm>> -> memref<1x128xi32, #tpu.memory_space<hbm>>
    %dma_start3A_41 = tpu.memref_squeeze %dma_start3A_40 : memref<1x128xi32, #tpu.memory_space<hbm>> -> memref<128xi32, #tpu.memory_space<hbm>>
    tpu.enqueue_dma source(%dma_start3A_41 : memref<128xi32, #tpu.memory_space<hbm>>) target(%arg14 : memref<128xi32, #tpu.memory_space<vmem>>) target_semaphore(%arg24 : memref<!tpu.dma_semaphore, #tpu.memory_space<semaphore_mem>>)
    %add3A_42 = arith.constant 0 : i32
    %add3A_43 = arith.addi %mul3A_2, %add3A_42 : i32
    %dma_wait3A = arith.constant 0 : i32
    %dma_wait3A_44 = tpu.memref_slice %arg2[%add3A_43, %dma_wait3A] : memref<6400x128xi32, #tpu.memory_space<hbm>> -> memref<1x128xi32, #tpu.memory_space<hbm>>
    %dma_wait3A_45 = tpu.memref_squeeze %dma_wait3A_44 : memref<1x128xi32, #tpu.memory_space<hbm>> -> memref<128xi32, #tpu.memory_space<hbm>>
    %dma_wait3A_46 = arith.constant 0 : i32
    %dma_wait3A_47 = tpu.memref_slice %arg2[%add3A_43, %dma_wait3A_46] : memref<6400x128xi32, #tpu.memory_space<hbm>> -> memref<1x128xi32, #tpu.memory_space<hbm>>
    %dma_wait3A_48 = tpu.memref_squeeze %dma_wait3A_47 : memref<1x128xi32, #tpu.memory_space<hbm>> -> memref<128xi32, #tpu.memory_space<hbm>>
    tpu.wait_dma2 semaphore(%arg23 : memref<!tpu.dma_semaphore, #tpu.memory_space<semaphore_mem>>) src(%dma_wait3A_48 : memref<128xi32, #tpu.memory_space<hbm>>) dst(%arg9 : memref<128xi32, #tpu.memory_space<vmem>>)
    %dma_wait3A_49 = arith.constant 0 : i32
    %dma_wait3A_50 = tpu.memref_slice %arg3[%add3A_43, %dma_wait3A_49] : memref<6400x128xi32, #tpu.memory_space<hbm>> -> memref<1x128xi32, #tpu.memory_space<hbm>>
    %dma_wait3A_51 = tpu.memref_squeeze %dma_wait3A_50 : memref<1x128xi32, #tpu.memory_space<hbm>> -> memref<128xi32, #tpu.memory_space<hbm>>
    %dma_wait3A_52 = arith.constant 0 : i32
    %dma_wait3A_53 = tpu.memref_slice %arg3[%add3A_43, %dma_wait3A_52] : memref<6400x128xi32, #tpu.memory_space<hbm>> -> memref<1x128xi32, #tpu.memory_space<hbm>>
    %dma_wait3A_54 = tpu.memref_squeeze %dma_wait3A_53 : memref<1x128xi32, #tpu.memory_space<hbm>> -> memref<128xi32, #tpu.memory_space<hbm>>
    tpu.wait_dma2 semaphore(%arg23 : memref<!tpu.dma_semaphore, #tpu.memory_space<semaphore_mem>>) src(%dma_wait3A_54 : memref<128xi32, #tpu.memory_space<hbm>>) dst(%arg11 : memref<128xi32, #tpu.memory_space<vmem>>)
    %dma_wait3A_55 = arith.constant 0 : i32
    %dma_wait3A_56 = tpu.memref_slice %arg4[%add3A_43, %dma_wait3A_55] : memref<6400x128xi32, #tpu.memory_space<hbm>> -> memref<1x128xi32, #tpu.memory_space<hbm>>
    %dma_wait3A_57 = tpu.memref_squeeze %dma_wait3A_56 : memref<1x128xi32, #tpu.memory_space<hbm>> -> memref<128xi32, #tpu.memory_space<hbm>>
    %dma_wait3A_58 = arith.constant 0 : i32
    %dma_wait3A_59 = tpu.memref_slice %arg4[%add3A_43, %dma_wait3A_58] : memref<6400x128xi32, #tpu.memory_space<hbm>> -> memref<1x128xi32, #tpu.memory_space<hbm>>
    %dma_wait3A_60 = tpu.memref_squeeze %dma_wait3A_59 : memref<1x128xi32, #tpu.memory_space<hbm>> -> memref<128xi32, #tpu.memory_space<hbm>>
    tpu.wait_dma2 semaphore(%arg23 : memref<!tpu.dma_semaphore, #tpu.memory_space<semaphore_mem>>) src(%dma_wait3A_60 : memref<128xi32, #tpu.memory_space<hbm>>) dst(%arg13 : memref<128xi32, #tpu.memory_space<vmem>>)
    %dma_start3A_61 = arith.constant 0 : i32
    %dma_start3A_62 = arith.constant 0 : i32
    %dma_start3A_63 = tpu.memref_slice %arg5[%dma_start3A_61, %dma_start3A_62] : memref<100000x128xf32, #tpu.memory_space<hbm>> -> memref<100000x128xf32, #tpu.memory_space<hbm>>
    tpu.enqueue_indirect_dma source(%dma_start3A_63 : memref<100000x128xf32, #tpu.memory_space<hbm>>) target(%arg15 : memref<128x128xf32, #tpu.memory_space<vmem>>) offsets(%arg9 : memref<128xi32, #tpu.memory_space<vmem>>) semaphore(%arg25 : memref<!tpu.dma_semaphore, #tpu.memory_space<semaphore_mem>>)
    %dma_start3A_64 = arith.constant 0 : i32
    %dma_start3A_65 = arith.constant 0 : i32
    %dma_start3A_66 = tpu.memref_slice %arg21[%dma_start3A_64, %dma_start3A_65] : memref<512x128xf32, #tpu.memory_space<vmem_shared>> -> memref<512x128xf32, #tpu.memory_space<vmem_shared>>
    tpu.enqueue_indirect_dma source(%dma_start3A_66 : memref<512x128xf32, #tpu.memory_space<vmem_shared>>) target(%arg17 : memref<128x128xf32, #tpu.memory_space<vmem>>) offsets(%arg11 : memref<128xi32, #tpu.memory_space<vmem>>) semaphore(%arg27 : memref<!tpu.dma_semaphore, #tpu.memory_space<semaphore_mem>>)
    %dma_start3A_67 = arith.constant 0 : i32
    %dma_start3A_68 = arith.constant 0 : i32
    %dma_start3A_69 = tpu.memref_slice %arg22[%dma_start3A_67, %dma_start3A_68] : memref<512x128xf32, #tpu.memory_space<vmem_shared>> -> memref<512x128xf32, #tpu.memory_space<vmem_shared>>
    tpu.enqueue_indirect_dma source(%dma_start3A_69 : memref<512x128xf32, #tpu.memory_space<vmem_shared>>) target(%arg18 : memref<128x128xf32, #tpu.memory_space<vmem>>) offsets(%arg13 : memref<128xi32, #tpu.memory_space<vmem>>) semaphore(%arg27 : memref<!tpu.dma_semaphore, #tpu.memory_space<semaphore_mem>>)
    %scan3A = arith.constant 0 : i32
    %scan3A_70 = arith.constant 0 : i32
    %scan3A_71 = arith.constant 100 : i32
    %scan3A_72 = arith.addi %scan3A_70, %scan3A_71 : i32
    %scan3A_73 = arith.constant 1 : i32
    scf.for %scan3A_91 = %scan3A_70 to %scan3A_72 step %scan3A_73  : i32 {
      %mul3A_92 = arith.constant 2 : i32
      %mul3A_93 = arith.muli %mul3A_92, %scan3A_91 : i32
      %ge3A = arith.constant 2 : i32
      %ge3A_94 = arith.cmpi sge, %mul3A_93, %ge3A : i32
      %convert_element_type3A = arith.extui %ge3A_94 : i1 to i32
      %cond3A = arith.constant 0 : i32
      %cond3A_95 = arith.cmpi ne, %convert_element_type3A, %cond3A : i32
      scf.if %cond3A_95 {
        %sub3A = arith.constant 2 : i32
        %sub3A_202 = arith.subi %mul3A_93, %sub3A : i32
        %add3A_203 = arith.addi %mul3A_2, %sub3A_202 : i32
        %mul3A_204 = arith.constant 128 : i32
        %mul3A_205 = arith.muli %add3A_203, %mul3A_204 : i32
        %dma_wait3A_206 = arith.constant 0 : i32
        %dma_wait3A_207 = tpu.memref_slice %arg8[%mul3A_205, %dma_wait3A_206] : memref<819200x96xf32, #tpu.memory_space<hbm>> -> memref<128x96xf32, #tpu.memory_space<hbm>>
        %dma_wait3A_208 = arith.constant 0 : i32
        %dma_wait3A_209 = tpu.memref_slice %arg8[%mul3A_205, %dma_wait3A_208] : memref<819200x96xf32, #tpu.memory_space<hbm>> -> memref<128x96xf32, #tpu.memory_space<hbm>>
        tpu.wait_dma2 semaphore(%arg28 : memref<!tpu.dma_semaphore, #tpu.memory_space<semaphore_mem>>) src(%arg19 : memref<128x96xf32, #tpu.memory_space<vmem>>) dst(%dma_wait3A_209 : memref<128x96xf32, #tpu.memory_space<hbm>>)
      } else {
      }
      %dma_wait3A_96 = arith.constant 0 : i32
      %dma_wait3A_97 = arith.constant 0 : i32
      %dma_wait3A_98 = tpu.memref_slice %arg5[%dma_wait3A_96, %dma_wait3A_97] : memref<100000x128xf32, #tpu.memory_space<hbm>> -> memref<100000x128xf32, #tpu.memory_space<hbm>>
      tpu.wait_indirect_dma semaphore(%arg25 : memref<!tpu.dma_semaphore, #tpu.memory_space<semaphore_mem>>) src(%dma_wait3A_98 : memref<100000x128xf32, #tpu.memory_space<hbm>>) dst(%arg15 : memref<128x128xf32, #tpu.memory_space<vmem>>)
      %dma_wait3A_99 = arith.constant 0 : i32
      %dma_wait3A_100 = arith.constant 0 : i32
      %dma_wait3A_101 = tpu.memref_slice %arg21[%dma_wait3A_99, %dma_wait3A_100] : memref<512x128xf32, #tpu.memory_space<vmem_shared>> -> memref<512x128xf32, #tpu.memory_space<vmem_shared>>
      tpu.wait_indirect_dma semaphore(%arg27 : memref<!tpu.dma_semaphore, #tpu.memory_space<semaphore_mem>>) src(%dma_wait3A_101 : memref<512x128xf32, #tpu.memory_space<vmem_shared>>) dst(%arg17 : memref<128x128xf32, #tpu.memory_space<vmem>>)
      %dma_wait3A_102 = arith.constant 0 : i32
      %dma_wait3A_103 = arith.constant 0 : i32
      %dma_wait3A_104 = tpu.memref_slice %arg22[%dma_wait3A_102, %dma_wait3A_103] : memref<512x128xf32, #tpu.memory_space<vmem_shared>> -> memref<512x128xf32, #tpu.memory_space<vmem_shared>>
      tpu.wait_indirect_dma semaphore(%arg27 : memref<!tpu.dma_semaphore, #tpu.memory_space<semaphore_mem>>) src(%dma_wait3A_104 : memref<512x128xf32, #tpu.memory_space<vmem_shared>>) dst(%arg18 : memref<128x128xf32, #tpu.memory_space<vmem>>)
      %add3A_105 = arith.constant 1 : i32
      %add3A_106 = arith.addi %mul3A_93, %add3A_105 : i32
      %lt3A = arith.constant 200 : i32
      %lt3A_107 = arith.cmpi slt, %add3A_106, %lt3A : i32
      %convert_element_type3A_108 = arith.extui %lt3A_107 : i1 to i32
      %cond3A_109 = arith.constant 0 : i32
      %cond3A_110 = arith.cmpi ne, %convert_element_type3A_108, %cond3A_109 : i32
      scf.if %cond3A_110 {
        %add3A_202 = arith.constant 1 : i32
        %add3A_203 = arith.addi %mul3A_93, %add3A_202 : i32
        %add3A_204 = arith.addi %mul3A_2, %add3A_203 : i32
        %dma_wait3A_205 = arith.constant 0 : i32
        %dma_wait3A_206 = tpu.memref_slice %arg2[%add3A_204, %dma_wait3A_205] : memref<6400x128xi32, #tpu.memory_space<hbm>> -> memref<1x128xi32, #tpu.memory_space<hbm>>
        %dma_wait3A_207 = tpu.memref_squeeze %dma_wait3A_206 : memref<1x128xi32, #tpu.memory_space<hbm>> -> memref<128xi32, #tpu.memory_space<hbm>>
        %dma_wait3A_208 = arith.constant 0 : i32
        %dma_wait3A_209 = tpu.memref_slice %arg2[%add3A_204, %dma_wait3A_208] : memref<6400x128xi32, #tpu.memory_space<hbm>> -> memref<1x128xi32, #tpu.memory_space<hbm>>
        %dma_wait3A_210 = tpu.memref_squeeze %dma_wait3A_209 : memref<1x128xi32, #tpu.memory_space<hbm>> -> memref<128xi32, #tpu.memory_space<hbm>>
        tpu.wait_dma2 semaphore(%arg24 : memref<!tpu.dma_semaphore, #tpu.memory_space<semaphore_mem>>) src(%dma_wait3A_210 : memref<128xi32, #tpu.memory_space<hbm>>) dst(%arg10 : memref<128xi32, #tpu.memory_space<vmem>>)
        %dma_wait3A_211 = arith.constant 0 : i32
        %dma_wait3A_212 = tpu.memref_slice %arg3[%add3A_204, %dma_wait3A_211] : memref<6400x128xi32, #tpu.memory_space<hbm>> -> memref<1x128xi32, #tpu.memory_space<hbm>>
        %dma_wait3A_213 = tpu.memref_squeeze %dma_wait3A_212 : memref<1x128xi32, #tpu.memory_space<hbm>> -> memref<128xi32, #tpu.memory_space<hbm>>
        %dma_wait3A_214 = arith.constant 0 : i32
        %dma_wait3A_215 = tpu.memref_slice %arg3[%add3A_204, %dma_wait3A_214] : memref<6400x128xi32, #tpu.memory_space<hbm>> -> memref<1x128xi32, #tpu.memory_space<hbm>>
        %dma_wait3A_216 = tpu.memref_squeeze %dma_wait3A_215 : memref<1x128xi32, #tpu.memory_space<hbm>> -> memref<128xi32, #tpu.memory_space<hbm>>
        tpu.wait_dma2 semaphore(%arg24 : memref<!tpu.dma_semaphore, #tpu.memory_space<semaphore_mem>>) src(%dma_wait3A_216 : memref<128xi32, #tpu.memory_space<hbm>>) dst(%arg12 : memref<128xi32, #tpu.memory_space<vmem>>)
        %dma_wait3A_217 = arith.constant 0 : i32
        %dma_wait3A_218 = tpu.memref_slice %arg4[%add3A_204, %dma_wait3A_217] : memref<6400x128xi32, #tpu.memory_space<hbm>> -> memref<1x128xi32, #tpu.memory_space<hbm>>
        %dma_wait3A_219 = tpu.memref_squeeze %dma_wait3A_218 : memref<1x128xi32, #tpu.memory_space<hbm>> -> memref<128xi32, #tpu.memory_space<hbm>>
        %dma_wait3A_220 = arith.constant 0 : i32
        %dma_wait3A_221 = tpu.memref_slice %arg4[%add3A_204, %dma_wait3A_220] : memref<6400x128xi32, #tpu.memory_space<hbm>> -> memref<1x128xi32, #tpu.memory_space<hbm>>
        %dma_wait3A_222 = tpu.memref_squeeze %dma_wait3A_221 : memref<1x128xi32, #tpu.memory_space<hbm>> -> memref<128xi32, #tpu.memory_space<hbm>>
        tpu.wait_dma2 semaphore(%arg24 : memref<!tpu.dma_semaphore, #tpu.memory_space<semaphore_mem>>) src(%dma_wait3A_222 : memref<128xi32, #tpu.memory_space<hbm>>) dst(%arg14 : memref<128xi32, #tpu.memory_space<vmem>>)
        %add3A_223 = arith.constant 1 : i32
        %add3A_224 = arith.addi %mul3A_93, %add3A_223 : i32
        %dma_start3A_225 = arith.constant 0 : i32
        %dma_start3A_226 = arith.constant 0 : i32
        %dma_start3A_227 = tpu.memref_slice %arg5[%dma_start3A_225, %dma_start3A_226] : memref<100000x128xf32, #tpu.memory_space<hbm>> -> memref<100000x128xf32, #tpu.memory_space<hbm>>
        tpu.enqueue_indirect_dma source(%dma_start3A_227 : memref<100000x128xf32, #tpu.memory_space<hbm>>) target(%arg16 : memref<128x128xf32, #tpu.memory_space<vmem>>) offsets(%arg10 : memref<128xi32, #tpu.memory_space<vmem>>) semaphore(%arg26 : memref<!tpu.dma_semaphore, #tpu.memory_space<semaphore_mem>>)
      } else {
      }
      %add3A_111 = arith.constant 2 : i32
      %add3A_112 = arith.addi %mul3A_93, %add3A_111 : i32
      %lt3A_113 = arith.constant 200 : i32
      %lt3A_114 = arith.cmpi slt, %add3A_112, %lt3A_113 : i32
      %convert_element_type3A_115 = arith.extui %lt3A_114 : i1 to i32
      %cond3A_116 = arith.constant 0 : i32
      %cond3A_117 = arith.cmpi ne, %convert_element_type3A_115, %cond3A_116 : i32
      scf.if %cond3A_117 {
        %add3A_202 = arith.constant 2 : i32
        %add3A_203 = arith.addi %mul3A_93, %add3A_202 : i32
        %add3A_204 = arith.addi %mul3A_2, %add3A_203 : i32
        %dma_start3A_205 = arith.constant 0 : i32
        %dma_start3A_206 = tpu.memref_slice %arg2[%add3A_204, %dma_start3A_205] : memref<6400x128xi32, #tpu.memory_space<hbm>> -> memref<1x128xi32, #tpu.memory_space<hbm>>
        %dma_start3A_207 = tpu.memref_squeeze %dma_start3A_206 : memref<1x128xi32, #tpu.memory_space<hbm>> -> memref<128xi32, #tpu.memory_space<hbm>>
        %dma_start3A_208 = arith.constant 0 : i32
        %dma_start3A_209 = tpu.memref_slice %arg2[%add3A_204, %dma_start3A_208] : memref<6400x128xi32, #tpu.memory_space<hbm>> -> memref<1x128xi32, #tpu.memory_space<hbm>>
        %dma_start3A_210 = tpu.memref_squeeze %dma_start3A_209 : memref<1x128xi32, #tpu.memory_space<hbm>> -> memref<128xi32, #tpu.memory_space<hbm>>
        tpu.enqueue_dma source(%dma_start3A_210 : memref<128xi32, #tpu.memory_space<hbm>>) target(%arg9 : memref<128xi32, #tpu.memory_space<vmem>>) target_semaphore(%arg23 : memref<!tpu.dma_semaphore, #tpu.memory_space<semaphore_mem>>)
        %dma_start3A_211 = arith.constant 0 : i32
        %dma_start3A_212 = tpu.memref_slice %arg3[%add3A_204, %dma_start3A_211] : memref<6400x128xi32, #tpu.memory_space<hbm>> -> memref<1x128xi32, #tpu.memory_space<hbm>>
        %dma_start3A_213 = tpu.memref_squeeze %dma_start3A_212 : memref<1x128xi32, #tpu.memory_space<hbm>> -> memref<128xi32, #tpu.memory_space<hbm>>
        %dma_start3A_214 = arith.constant 0 : i32
        %dma_start3A_215 = tpu.memref_slice %arg3[%add3A_204, %dma_start3A_214] : memref<6400x128xi32, #tpu.memory_space<hbm>> -> memref<1x128xi32, #tpu.memory_space<hbm>>
        %dma_start3A_216 = tpu.memref_squeeze %dma_start3A_215 : memref<1x128xi32, #tpu.memory_space<hbm>> -> memref<128xi32, #tpu.memory_space<hbm>>
        tpu.enqueue_dma source(%dma_start3A_216 : memref<128xi32, #tpu.memory_space<hbm>>) target(%arg11 : memref<128xi32, #tpu.memory_space<vmem>>) target_semaphore(%arg23 : memref<!tpu.dma_semaphore, #tpu.memory_space<semaphore_mem>>)
        %dma_start3A_217 = arith.constant 0 : i32
        %dma_start3A_218 = tpu.memref_slice %arg4[%add3A_204, %dma_start3A_217] : memref<6400x128xi32, #tpu.memory_space<hbm>> -> memref<1x128xi32, #tpu.memory_space<hbm>>
        %dma_start3A_219 = tpu.memref_squeeze %dma_start3A_218 : memref<1x128xi32, #tpu.memory_space<hbm>> -> memref<128xi32, #tpu.memory_space<hbm>>
        %dma_start3A_220 = arith.constant 0 : i32
        %dma_start3A_221 = tpu.memref_slice %arg4[%add3A_204, %dma_start3A_220] : memref<6400x128xi32, #tpu.memory_space<hbm>> -> memref<1x128xi32, #tpu.memory_space<hbm>>
        %dma_start3A_222 = tpu.memref_squeeze %dma_start3A_221 : memref<1x128xi32, #tpu.memory_space<hbm>> -> memref<128xi32, #tpu.memory_space<hbm>>
        tpu.enqueue_dma source(%dma_start3A_222 : memref<128xi32, #tpu.memory_space<hbm>>) target(%arg13 : memref<128xi32, #tpu.memory_space<vmem>>) target_semaphore(%arg23 : memref<!tpu.dma_semaphore, #tpu.memory_space<semaphore_mem>>)
      } else {
      }
      %scan3A_118 = arith.constant 0 : i32
      %scan3A_119 = arith.constant 0 : i32
      %scan3A_120 = arith.constant 16 : i32
      %scan3A_121 = arith.addi %scan3A_119, %scan3A_120 : i32
      %scan3A_122 = arith.constant 1 : i32
      scf.for %scan3A_202 = %scan3A_119 to %scan3A_121 step %scan3A_122  : i32 {
        %mul3A_203 = arith.constant 8 : i32
        %mul3A_204 = arith.muli %scan3A_202, %mul3A_203 : i32
        %add3A_205 = arith.constant 0 : i32
        %add3A_206 = arith.addi %mul3A_204, %add3A_205 : i32
        %get3A = arith.index_cast %add3A_206 : i32 to index
        %get3A_207 = arith.constant 0 : index
        %get3A_208 = tpu.vector_load %arg17[%get3A, %get3A_207] {strides = array<i32>} : memref<128x128xf32, #tpu.memory_space<vmem>>, vector<1x16xf32>,
        %get3A_209 = vector.shape_cast %get3A_208 : vector<1x16xf32> to vector<16xf32>
        %swap3A = arith.index_cast %add3A_206 : i32 to index
        %swap3A_210 = arith.constant 64 : index
        %swap3A_211 = tpu.vector_load %arg19[%swap3A, %swap3A_210] {strides = array<i32>} : memref<128x96xf32, #tpu.memory_space<vmem>>, vector<1x16xf32>,
        %swap3A_212 = vector.shape_cast %swap3A_211 : vector<1x16xf32> to vector<16xf32>
        %swap3A_213 = vector.shape_cast %get3A_209 : vector<16xf32> to vector<1x16xf32>
        tpu.vector_store %arg19[%swap3A, %swap3A_210], %swap3A_213 {strides = array<i32>} : memref<128x96xf32, #tpu.memory_space<vmem>>, vector<1x16xf32>,
        %get3A_214 = arith.index_cast %add3A_206 : i32 to index
        %get3A_215 = arith.constant 0 : index
        %get3A_216 = tpu.vector_load %arg18[%get3A_214, %get3A_215] {strides = array<i32>} : memref<128x128xf32, #tpu.memory_space<vmem>>, vector<1x16xf32>,
        %get3A_217 = vector.shape_cast %get3A_216 : vector<1x16xf32> to vector<16xf32>
        %swap3A_218 = arith.index_cast %add3A_206 : i32 to index
        %swap3A_219 = arith.constant 80 : index
        %swap3A_220 = tpu.vector_load %arg19[%swap3A_218, %swap3A_219] {strides = array<i32>} : memref<128x96xf32, #tpu.memory_space<vmem>>, vector<1x16xf32>,
        %swap3A_221 = vector.shape_cast %swap3A_220 : vector<1x16xf32> to vector<16xf32>
        %swap3A_222 = vector.shape_cast %get3A_217 : vector<16xf32> to vector<1x16xf32>
        tpu.vector_store %arg19[%swap3A_218, %swap3A_219], %swap3A_222 {strides = array<i32>} : memref<128x96xf32, #tpu.memory_space<vmem>>, vector<1x16xf32>,
        %mul3A_223 = arith.constant 8 : i32
        %mul3A_224 = arith.muli %scan3A_202, %mul3A_223 : i32
        %add3A_225 = arith.constant 1 : i32
        %add3A_226 = arith.addi %mul3A_224, %add3A_225 : i32
        %get3A_227 = arith.index_cast %add3A_226 : i32 to index
        %get3A_228 = arith.constant 0 : index
        %get3A_229 = tpu.vector_load %arg17[%get3A_227, %get3A_228] {strides = array<i32>} : memref<128x128xf32, #tpu.memory_space<vmem>>, vector<1x16xf32>,
        %get3A_230 = vector.shape_cast %get3A_229 : vector<1x16xf32> to vector<16xf32>
        %swap3A_231 = arith.index_cast %add3A_226 : i32 to index
        %swap3A_232 = arith.constant 64 : index
        %swap3A_233 = tpu.vector_load %arg19[%swap3A_231, %swap3A_232] {strides = array<i32>} : memref<128x96xf32, #tpu.memory_space<vmem>>, vector<1x16xf32>,
        %swap3A_234 = vector.shape_cast %swap3A_233 : vector<1x16xf32> to vector<16xf32>
        %swap3A_235 = vector.shape_cast %get3A_230 : vector<16xf32> to vector<1x16xf32>
        tpu.vector_store %arg19[%swap3A_231, %swap3A_232], %swap3A_235 {strides = array<i32>} : memref<128x96xf32, #tpu.memory_space<vmem>>, vector<1x16xf32>,
        %get3A_236 = arith.index_cast %add3A_226 : i32 to index
        %get3A_237 = arith.constant 0 : index
        %get3A_238 = tpu.vector_load %arg18[%get3A_236, %get3A_237] {strides = array<i32>} : memref<128x128xf32, #tpu.memory_space<vmem>>, vector<1x16xf32>,
        %get3A_239 = vector.shape_cast %get3A_238 : vector<1x16xf32> to vector<16xf32>
        %swap3A_240 = arith.index_cast %add3A_226 : i32 to index
        %swap3A_241 = arith.constant 80 : index
        %swap3A_242 = tpu.vector_load %arg19[%swap3A_240, %swap3A_241] {strides = array<i32>} : memref<128x96xf32, #tpu.memory_space<vmem>>, vector<1x16xf32>,
        %swap3A_243 = vector.shape_cast %swap3A_242 : vector<1x16xf32> to vector<16xf32>
        %swap3A_244 = vector.shape_cast %get3A_239 : vector<16xf32> to vector<1x16xf32>
        tpu.vector_store %arg19[%swap3A_240, %swap3A_241], %swap3A_244 {strides = array<i32>} : memref<128x96xf32, #tpu.memory_space<vmem>>, vector<1x16xf32>,
        %mul3A_245 = arith.constant 8 : i32
        %mul3A_246 = arith.muli %scan3A_202, %mul3A_245 : i32
        %add3A_247 = arith.constant 2 : i32
        %add3A_248 = arith.addi %mul3A_246, %add3A_247 : i32
        %get3A_249 = arith.index_cast %add3A_248 : i32 to index
        %get3A_250 = arith.constant 0 : index
        %get3A_251 = tpu.vector_load %arg17[%get3A_249, %get3A_250] {strides = array<i32>} : memref<128x128xf32, #tpu.memory_space<vmem>>, vector<1x16xf32>,
        %get3A_252 = vector.shape_cast %get3A_251 : vector<1x16xf32> to vector<16xf32>
        %swap3A_253 = arith.index_cast %add3A_248 : i32 to index
        %swap3A_254 = arith.constant 64 : index
        %swap3A_255 = tpu.vector_load %arg19[%swap3A_253, %swap3A_254] {strides = array<i32>} : memref<128x96xf32, #tpu.memory_space<vmem>>, vector<1x16xf32>,
        %swap3A_256 = vector.shape_cast %swap3A_255 : vector<1x16xf32> to vector<16xf32>
        %swap3A_257 = vector.shape_cast %get3A_252 : vector<16xf32> to vector<1x16xf32>
        tpu.vector_store %arg19[%swap3A_253, %swap3A_254], %swap3A_257 {strides = array<i32>} : memref<128x96xf32, #tpu.memory_space<vmem>>, vector<1x16xf32>,
        %get3A_258 = arith.index_cast %add3A_248 : i32 to index
        %get3A_259 = arith.constant 0 : index
        %get3A_260 = tpu.vector_load %arg18[%get3A_258, %get3A_259] {strides = array<i32>} : memref<128x128xf32, #tpu.memory_space<vmem>>, vector<1x16xf32>,
        %get3A_261 = vector.shape_cast %get3A_260 : vector<1x16xf32> to vector<16xf32>
        %swap3A_262 = arith.index_cast %add3A_248 : i32 to index
        %swap3A_263 = arith.constant 80 : index
        %swap3A_264 = tpu.vector_load %arg19[%swap3A_262, %swap3A_263] {strides = array<i32>} : memref<128x96xf32, #tpu.memory_space<vmem>>, vector<1x16xf32>,
        %swap3A_265 = vector.shape_cast %swap3A_264 : vector<1x16xf32> to vector<16xf32>
        %swap3A_266 = vector.shape_cast %get3A_261 : vector<16xf32> to vector<1x16xf32>
        tpu.vector_store %arg19[%swap3A_262, %swap3A_263], %swap3A_266 {strides = array<i32>} : memref<128x96xf32, #tpu.memory_space<vmem>>, vector<1x16xf32>,
        %mul3A_267 = arith.constant 8 : i32
        %mul3A_268 = arith.muli %scan3A_202, %mul3A_267 : i32
        %add3A_269 = arith.constant 3 : i32
        %add3A_270 = arith.addi %mul3A_268, %add3A_269 : i32
        %get3A_271 = arith.index_cast %add3A_270 : i32 to index
        %get3A_272 = arith.constant 0 : index
        %get3A_273 = tpu.vector_load %arg17[%get3A_271, %get3A_272] {strides = array<i32>} : memref<128x128xf32, #tpu.memory_space<vmem>>, vector<1x16xf32>,
        %get3A_274 = vector.shape_cast %get3A_273 : vector<1x16xf32> to vector<16xf32>
        %swap3A_275 = arith.index_cast %add3A_270 : i32 to index
        %swap3A_276 = arith.constant 64 : index
        %swap3A_277 = tpu.vector_load %arg19[%swap3A_275, %swap3A_276] {strides = array<i32>} : memref<128x96xf32, #tpu.memory_space<vmem>>, vector<1x16xf32>,
        %swap3A_278 = vector.shape_cast %swap3A_277 : vector<1x16xf32> to vector<16xf32>
        %swap3A_279 = vector.shape_cast %get3A_274 : vector<16xf32> to vector<1x16xf32>
        tpu.vector_store %arg19[%swap3A_275, %swap3A_276], %swap3A_279 {strides = array<i32>} : memref<128x96xf32, #tpu.memory_space<vmem>>, vector<1x16xf32>,
        %get3A_280 = arith.index_cast %add3A_270 : i32 to index
        %get3A_281 = arith.constant 0 : index
        %get3A_282 = tpu.vector_load %arg18[%get3A_280, %get3A_281] {strides = array<i32>} : memref<128x128xf32, #tpu.memory_space<vmem>>, vector<1x16xf32>,
        %get3A_283 = vector.shape_cast %get3A_282 : vector<1x16xf32> to vector<16xf32>
        %swap3A_284 = arith.index_cast %add3A_270 : i32 to index
        %swap3A_285 = arith.constant 80 : index
        %swap3A_286 = tpu.vector_load %arg19[%swap3A_284, %swap3A_285] {strides = array<i32>} : memref<128x96xf32, #tpu.memory_space<vmem>>, vector<1x16xf32>,
        %swap3A_287 = vector.shape_cast %swap3A_286 : vector<1x16xf32> to vector<16xf32>
        %swap3A_288 = vector.shape_cast %get3A_283 : vector<16xf32> to vector<1x16xf32>
        tpu.vector_store %arg19[%swap3A_284, %swap3A_285], %swap3A_288 {strides = array<i32>} : memref<128x96xf32, #tpu.memory_space<vmem>>, vector<1x16xf32>,
        %mul3A_289 = arith.constant 8 : i32
        %mul3A_290 = arith.muli %scan3A_202, %mul3A_289 : i32
        %add3A_291 = arith.constant 4 : i32
        %add3A_292 = arith.addi %mul3A_290, %add3A_291 : i32
        %get3A_293 = arith.index_cast %add3A_292 : i32 to index
        %get3A_294 = arith.constant 0 : index
        %get3A_295 = tpu.vector_load %arg17[%get3A_293, %get3A_294] {strides = array<i32>} : memref<128x128xf32, #tpu.memory_space<vmem>>, vector<1x16xf32>,
        %get3A_296 = vector.shape_cast %get3A_295 : vector<1x16xf32> to vector<16xf32>
        %swap3A_297 = arith.index_cast %add3A_292 : i32 to index
        %swap3A_298 = arith.constant 64 : index
        %swap3A_299 = tpu.vector_load %arg19[%swap3A_297, %swap3A_298] {strides = array<i32>} : memref<128x96xf32, #tpu.memory_space<vmem>>, vector<1x16xf32>,
        %swap3A_300 = vector.shape_cast %swap3A_299 : vector<1x16xf32> to vector<16xf32>
        %swap3A_301 = vector.shape_cast %get3A_296 : vector<16xf32> to vector<1x16xf32>
        tpu.vector_store %arg19[%swap3A_297, %swap3A_298], %swap3A_301 {strides = array<i32>} : memref<128x96xf32, #tpu.memory_space<vmem>>, vector<1x16xf32>,
        %get3A_302 = arith.index_cast %add3A_292 : i32 to index
        %get3A_303 = arith.constant 0 : index
        %get3A_304 = tpu.vector_load %arg18[%get3A_302, %get3A_303] {strides = array<i32>} : memref<128x128xf32, #tpu.memory_space<vmem>>, vector<1x16xf32>,
        %get3A_305 = vector.shape_cast %get3A_304 : vector<1x16xf32> to vector<16xf32>
        %swap3A_306 = arith.index_cast %add3A_292 : i32 to index
        %swap3A_307 = arith.constant 80 : index
        %swap3A_308 = tpu.vector_load %arg19[%swap3A_306, %swap3A_307] {strides = array<i32>} : memref<128x96xf32, #tpu.memory_space<vmem>>, vector<1x16xf32>,
        %swap3A_309 = vector.shape_cast %swap3A_308 : vector<1x16xf32> to vector<16xf32>
        %swap3A_310 = vector.shape_cast %get3A_305 : vector<16xf32> to vector<1x16xf32>
        tpu.vector_store %arg19[%swap3A_306, %swap3A_307], %swap3A_310 {strides = array<i32>} : memref<128x96xf32, #tpu.memory_space<vmem>>, vector<1x16xf32>,
        %mul3A_311 = arith.constant 8 : i32
        %mul3A_312 = arith.muli %scan3A_202, %mul3A_311 : i32
        %add3A_313 = arith.constant 5 : i32
        %add3A_314 = arith.addi %mul3A_312, %add3A_313 : i32
        %get3A_315 = arith.index_cast %add3A_314 : i32 to index
        %get3A_316 = arith.constant 0 : index
        %get3A_317 = tpu.vector_load %arg17[%get3A_315, %get3A_316] {strides = array<i32>} : memref<128x128xf32, #tpu.memory_space<vmem>>, vector<1x16xf32>,
        %get3A_318 = vector.shape_cast %get3A_317 : vector<1x16xf32> to vector<16xf32>
        %swap3A_319 = arith.index_cast %add3A_314 : i32 to index
        %swap3A_320 = arith.constant 64 : index
        %swap3A_321 = tpu.vector_load %arg19[%swap3A_319, %swap3A_320] {strides = array<i32>} : memref<128x96xf32, #tpu.memory_space<vmem>>, vector<1x16xf32>,
        %swap3A_322 = vector.shape_cast %swap3A_321 : vector<1x16xf32> to vector<16xf32>
        %swap3A_323 = vector.shape_cast %get3A_318 : vector<16xf32> to vector<1x16xf32>
        tpu.vector_store %arg19[%swap3A_319, %swap3A_320], %swap3A_323 {strides = array<i32>} : memref<128x96xf32, #tpu.memory_space<vmem>>, vector<1x16xf32>,
        %get3A_324 = arith.index_cast %add3A_314 : i32 to index
        %get3A_325 = arith.constant 0 : index
        %get3A_326 = tpu.vector_load %arg18[%get3A_324, %get3A_325] {strides = array<i32>} : memref<128x128xf32, #tpu.memory_space<vmem>>, vector<1x16xf32>,
        %get3A_327 = vector.shape_cast %get3A_326 : vector<1x16xf32> to vector<16xf32>
        %swap3A_328 = arith.index_cast %add3A_314 : i32 to index
        %swap3A_329 = arith.constant 80 : index
        %swap3A_330 = tpu.vector_load %arg19[%swap3A_328, %swap3A_329] {strides = array<i32>} : memref<128x96xf32, #tpu.memory_space<vmem>>, vector<1x16xf32>,
        %swap3A_331 = vector.shape_cast %swap3A_330 : vector<1x16xf32> to vector<16xf32>
        %swap3A_332 = vector.shape_cast %get3A_327 : vector<16xf32> to vector<1x16xf32>
        tpu.vector_store %arg19[%swap3A_328, %swap3A_329], %swap3A_332 {strides = array<i32>} : memref<128x96xf32, #tpu.memory_space<vmem>>, vector<1x16xf32>,
        %mul3A_333 = arith.constant 8 : i32
        %mul3A_334 = arith.muli %scan3A_202, %mul3A_333 : i32
        %add3A_335 = arith.constant 6 : i32
        %add3A_336 = arith.addi %mul3A_334, %add3A_335 : i32
        %get3A_337 = arith.index_cast %add3A_336 : i32 to index
        %get3A_338 = arith.constant 0 : index
        %get3A_339 = tpu.vector_load %arg17[%get3A_337, %get3A_338] {strides = array<i32>} : memref<128x128xf32, #tpu.memory_space<vmem>>, vector<1x16xf32>,
        %get3A_340 = vector.shape_cast %get3A_339 : vector<1x16xf32> to vector<16xf32>
        %swap3A_341 = arith.index_cast %add3A_336 : i32 to index
        %swap3A_342 = arith.constant 64 : index
        %swap3A_343 = tpu.vector_load %arg19[%swap3A_341, %swap3A_342] {strides = array<i32>} : memref<128x96xf32, #tpu.memory_space<vmem>>, vector<1x16xf32>,
        %swap3A_344 = vector.shape_cast %swap3A_343 : vector<1x16xf32> to vector<16xf32>
        %swap3A_345 = vector.shape_cast %get3A_340 : vector<16xf32> to vector<1x16xf32>
        tpu.vector_store %arg19[%swap3A_341, %swap3A_342], %swap3A_345 {strides = array<i32>} : memref<128x96xf32, #tpu.memory_space<vmem>>, vector<1x16xf32>,
        %get3A_346 = arith.index_cast %add3A_336 : i32 to index
        %get3A_347 = arith.constant 0 : index
        %get3A_348 = tpu.vector_load %arg18[%get3A_346, %get3A_347] {strides = array<i32>} : memref<128x128xf32, #tpu.memory_space<vmem>>, vector<1x16xf32>,
        %get3A_349 = vector.shape_cast %get3A_348 : vector<1x16xf32> to vector<16xf32>
        %swap3A_350 = arith.index_cast %add3A_336 : i32 to index
        %swap3A_351 = arith.constant 80 : index
        %swap3A_352 = tpu.vector_load %arg19[%swap3A_350, %swap3A_351] {strides = array<i32>} : memref<128x96xf32, #tpu.memory_space<vmem>>, vector<1x16xf32>,
        %swap3A_353 = vector.shape_cast %swap3A_352 : vector<1x16xf32> to vector<16xf32>
        %swap3A_354 = vector.shape_cast %get3A_349 : vector<16xf32> to vector<1x16xf32>
        tpu.vector_store %arg19[%swap3A_350, %swap3A_351], %swap3A_354 {strides = array<i32>} : memref<128x96xf32, #tpu.memory_space<vmem>>, vector<1x16xf32>,
        %mul3A_355 = arith.constant 8 : i32
        %mul3A_356 = arith.muli %scan3A_202, %mul3A_355 : i32
        %add3A_357 = arith.constant 7 : i32
        %add3A_358 = arith.addi %mul3A_356, %add3A_357 : i32
        %get3A_359 = arith.index_cast %add3A_358 : i32 to index
        %get3A_360 = arith.constant 0 : index
        %get3A_361 = tpu.vector_load %arg17[%get3A_359, %get3A_360] {strides = array<i32>} : memref<128x128xf32, #tpu.memory_space<vmem>>, vector<1x16xf32>,
        %get3A_362 = vector.shape_cast %get3A_361 : vector<1x16xf32> to vector<16xf32>
        %swap3A_363 = arith.index_cast %add3A_358 : i32 to index
        %swap3A_364 = arith.constant 64 : index
        %swap3A_365 = tpu.vector_load %arg19[%swap3A_363, %swap3A_364] {strides = array<i32>} : memref<128x96xf32, #tpu.memory_space<vmem>>, vector<1x16xf32>,
        %swap3A_366 = vector.shape_cast %swap3A_365 : vector<1x16xf32> to vector<16xf32>
        %swap3A_367 = vector.shape_cast %get3A_362 : vector<16xf32> to vector<1x16xf32>
        tpu.vector_store %arg19[%swap3A_363, %swap3A_364], %swap3A_367 {strides = array<i32>} : memref<128x96xf32, #tpu.memory_space<vmem>>, vector<1x16xf32>,
        %get3A_368 = arith.index_cast %add3A_358 : i32 to index
        %get3A_369 = arith.constant 0 : index
        %get3A_370 = tpu.vector_load %arg18[%get3A_368, %get3A_369] {strides = array<i32>} : memref<128x128xf32, #tpu.memory_space<vmem>>, vector<1x16xf32>,
        %get3A_371 = vector.shape_cast %get3A_370 : vector<1x16xf32> to vector<16xf32>
        %swap3A_372 = arith.index_cast %add3A_358 : i32 to index
        %swap3A_373 = arith.constant 80 : index
        %swap3A_374 = tpu.vector_load %arg19[%swap3A_372, %swap3A_373] {strides = array<i32>} : memref<128x96xf32, #tpu.memory_space<vmem>>, vector<1x16xf32>,
        %swap3A_375 = vector.shape_cast %swap3A_374 : vector<1x16xf32> to vector<16xf32>
        %swap3A_376 = vector.shape_cast %get3A_371 : vector<16xf32> to vector<1x16xf32>
        tpu.vector_store %arg19[%swap3A_372, %swap3A_373], %swap3A_376 {strides = array<i32>} : memref<128x96xf32, #tpu.memory_space<vmem>>, vector<1x16xf32>,
      }
      %scan3A_123 = arith.constant 16 : i32
      %add3A_124 = arith.constant 1 : i32
      %add3A_125 = arith.addi %mul3A_93, %add3A_124 : i32
      %lt3A_126 = arith.constant 200 : i32
      %lt3A_127 = arith.cmpi slt, %add3A_125, %lt3A_126 : i32
      %convert_element_type3A_128 = arith.extui %lt3A_127 : i1 to i32
      %cond3A_129 = arith.constant 0 : i32
      %cond3A_130 = arith.cmpi ne, %convert_element_type3A_128, %cond3A_129 : i32
      scf.if %cond3A_130 {
        %add3A_202 = arith.constant 1 : i32
        %add3A_203 = arith.addi %mul3A_93, %add3A_202 : i32
        %dma_start3A_204 = arith.constant 0 : i32
        %dma_start3A_205 = arith.constant 0 : i32
        %dma_start3A_206 = tpu.memref_slice %arg21[%dma_start3A_204, %dma_start3A_205] : memref<512x128xf32, #tpu.memory_space<vmem_shared>> -> memref<512x128xf32, #tpu.memory_space<vmem_shared>>
        tpu.enqueue_indirect_dma source(%dma_start3A_206 : memref<512x128xf32, #tpu.memory_space<vmem_shared>>) target(%arg17 : memref<128x128xf32, #tpu.memory_space<vmem>>) offsets(%arg12 : memref<128xi32, #tpu.memory_space<vmem>>) semaphore(%arg27 : memref<!tpu.dma_semaphore, #tpu.memory_space<semaphore_mem>>)
        %dma_start3A_207 = arith.constant 0 : i32
        %dma_start3A_208 = arith.constant 0 : i32
        %dma_start3A_209 = tpu.memref_slice %arg22[%dma_start3A_207, %dma_start3A_208] : memref<512x128xf32, #tpu.memory_space<vmem_shared>> -> memref<512x128xf32, #tpu.memory_space<vmem_shared>>
        tpu.enqueue_indirect_dma source(%dma_start3A_209 : memref<512x128xf32, #tpu.memory_space<vmem_shared>>) target(%arg18 : memref<128x128xf32, #tpu.memory_space<vmem>>) offsets(%arg14 : memref<128xi32, #tpu.memory_space<vmem>>) semaphore(%arg27 : memref<!tpu.dma_semaphore, #tpu.memory_space<semaphore_mem>>)
      } else {
      }
      %scan3A_131 = arith.constant 0 : i32
      %scan3A_132 = arith.constant 0 : i32
      %scan3A_133 = arith.constant 16 : i32
      %scan3A_134 = arith.addi %scan3A_132, %scan3A_133 : i32
      %scan3A_135 = arith.constant 1 : i32
      scf.for %scan3A_202 = %scan3A_132 to %scan3A_134 step %scan3A_135  : i32 {
        %mul3A_203 = arith.constant 8 : i32
        %mul3A_204 = arith.muli %scan3A_202, %mul3A_203 : i32
        %add3A_205 = arith.constant 0 : i32
        %add3A_206 = arith.addi %mul3A_204, %add3A_205 : i32
        %get3A = arith.index_cast %add3A_206 : i32 to index
        %get3A_207 = arith.constant 0 : index
        %get3A_208 = tpu.vector_load %arg15[%get3A, %get3A_207] {strides = array<i32>} : memref<128x128xf32, #tpu.memory_space<vmem>>, vector<1x16xf32>,
        %get3A_209 = vector.shape_cast %get3A_208 : vector<1x16xf32> to vector<16xf32>
        %swap3A = arith.index_cast %add3A_206 : i32 to index
        %swap3A_210 = arith.constant 0 : index
        %swap3A_211 = tpu.vector_load %arg19[%swap3A, %swap3A_210] {strides = array<i32>} : memref<128x96xf32, #tpu.memory_space<vmem>>, vector<1x16xf32>,
        %swap3A_212 = vector.shape_cast %swap3A_211 : vector<1x16xf32> to vector<16xf32>
        %swap3A_213 = vector.shape_cast %get3A_209 : vector<16xf32> to vector<1x16xf32>
        tpu.vector_store %arg19[%swap3A, %swap3A_210], %swap3A_213 {strides = array<i32>} : memref<128x96xf32, #tpu.memory_space<vmem>>, vector<1x16xf32>,
        %get3A_214 = arith.index_cast %add3A_206 : i32 to index
        %get3A_215 = arith.constant 16 : index
        %get3A_216 = tpu.vector_load %arg15[%get3A_214, %get3A_215] {strides = array<i32>} : memref<128x128xf32, #tpu.memory_space<vmem>>, vector<1x16xf32>,
        %get3A_217 = vector.shape_cast %get3A_216 : vector<1x16xf32> to vector<16xf32>
        %swap3A_218 = arith.index_cast %add3A_206 : i32 to index
        %swap3A_219 = arith.constant 16 : index
        %swap3A_220 = tpu.vector_load %arg19[%swap3A_218, %swap3A_219] {strides = array<i32>} : memref<128x96xf32, #tpu.memory_space<vmem>>, vector<1x16xf32>,
        %swap3A_221 = vector.shape_cast %swap3A_220 : vector<1x16xf32> to vector<16xf32>
        %swap3A_222 = vector.shape_cast %get3A_217 : vector<16xf32> to vector<1x16xf32>
        tpu.vector_store %arg19[%swap3A_218, %swap3A_219], %swap3A_222 {strides = array<i32>} : memref<128x96xf32, #tpu.memory_space<vmem>>, vector<1x16xf32>,
        %get3A_223 = arith.index_cast %add3A_206 : i32 to index
        %get3A_224 = arith.constant 32 : index
        %get3A_225 = tpu.vector_load %arg15[%get3A_223, %get3A_224] {strides = array<i32>} : memref<128x128xf32, #tpu.memory_space<vmem>>, vector<1x16xf32>,
        %get3A_226 = vector.shape_cast %get3A_225 : vector<1x16xf32> to vector<16xf32>
        %swap3A_227 = arith.index_cast %add3A_206 : i32 to index
        %swap3A_228 = arith.constant 32 : index
        %swap3A_229 = tpu.vector_load %arg19[%swap3A_227, %swap3A_228] {strides = array<i32>} : memref<128x96xf32, #tpu.memory_space<vmem>>, vector<1x16xf32>,
        %swap3A_230 = vector.shape_cast %swap3A_229 : vector<1x16xf32> to vector<16xf32>
        %swap3A_231 = vector.shape_cast %get3A_226 : vector<16xf32> to vector<1x16xf32>
        tpu.vector_store %arg19[%swap3A_227, %swap3A_228], %swap3A_231 {strides = array<i32>} : memref<128x96xf32, #tpu.memory_space<vmem>>, vector<1x16xf32>,
        %get3A_232 = arith.index_cast %add3A_206 : i32 to index
        %get3A_233 = arith.constant 48 : index
        %get3A_234 = tpu.vector_load %arg15[%get3A_232, %get3A_233] {strides = array<i32>} : memref<128x128xf32, #tpu.memory_space<vmem>>, vector<1x16xf32>,
        %get3A_235 = vector.shape_cast %get3A_234 : vector<1x16xf32> to vector<16xf32>
        %swap3A_236 = arith.index_cast %add3A_206 : i32 to index
        %swap3A_237 = arith.constant 48 : index
        %swap3A_238 = tpu.vector_load %arg19[%swap3A_236, %swap3A_237] {strides = array<i32>} : memref<128x96xf32, #tpu.memory_space<vmem>>, vector<1x16xf32>,
        %swap3A_239 = vector.shape_cast %swap3A_238 : vector<1x16xf32> to vector<16xf32>
        %swap3A_240 = vector.shape_cast %get3A_235 : vector<16xf32> to vector<1x16xf32>
        tpu.vector_store %arg19[%swap3A_236, %swap3A_237], %swap3A_240 {strides = array<i32>} : memref<128x96xf32, #tpu.memory_space<vmem>>, vector<1x16xf32>,
        %mul3A_241 = arith.constant 8 : i32
        %mul3A_242 = arith.muli %scan3A_202, %mul3A_241 : i32
        %add3A_243 = arith.constant 1 : i32
        %add3A_244 = arith.addi %mul3A_242, %add3A_243 : i32
        %get3A_245 = arith.index_cast %add3A_244 : i32 to index
        %get3A_246 = arith.constant 0 : index
        %get3A_247 = tpu.vector_load %arg15[%get3A_245, %get3A_246] {strides = array<i32>} : memref<128x128xf32, #tpu.memory_space<vmem>>, vector<1x16xf32>,
        %get3A_248 = vector.shape_cast %get3A_247 : vector<1x16xf32> to vector<16xf32>
        %swap3A_249 = arith.index_cast %add3A_244 : i32 to index
        %swap3A_250 = arith.constant 0 : index
        %swap3A_251 = tpu.vector_load %arg19[%swap3A_249, %swap3A_250] {strides = array<i32>} : memref<128x96xf32, #tpu.memory_space<vmem>>, vector<1x16xf32>,
        %swap3A_252 = vector.shape_cast %swap3A_251 : vector<1x16xf32> to vector<16xf32>
        %swap3A_253 = vector.shape_cast %get3A_248 : vector<16xf32> to vector<1x16xf32>
        tpu.vector_store %arg19[%swap3A_249, %swap3A_250], %swap3A_253 {strides = array<i32>} : memref<128x96xf32, #tpu.memory_space<vmem>>, vector<1x16xf32>,
        %get3A_254 = arith.index_cast %add3A_244 : i32 to index
        %get3A_255 = arith.constant 16 : index
        %get3A_256 = tpu.vector_load %arg15[%get3A_254, %get3A_255] {strides = array<i32>} : memref<128x128xf32, #tpu.memory_space<vmem>>, vector<1x16xf32>,
        %get3A_257 = vector.shape_cast %get3A_256 : vector<1x16xf32> to vector<16xf32>
        %swap3A_258 = arith.index_cast %add3A_244 : i32 to index
        %swap3A_259 = arith.constant 16 : index
        %swap3A_260 = tpu.vector_load %arg19[%swap3A_258, %swap3A_259] {strides = array<i32>} : memref<128x96xf32, #tpu.memory_space<vmem>>, vector<1x16xf32>,
        %swap3A_261 = vector.shape_cast %swap3A_260 : vector<1x16xf32> to vector<16xf32>
        %swap3A_262 = vector.shape_cast %get3A_257 : vector<16xf32> to vector<1x16xf32>
        tpu.vector_store %arg19[%swap3A_258, %swap3A_259], %swap3A_262 {strides = array<i32>} : memref<128x96xf32, #tpu.memory_space<vmem>>, vector<1x16xf32>,
        %get3A_263 = arith.index_cast %add3A_244 : i32 to index
        %get3A_264 = arith.constant 32 : index
        %get3A_265 = tpu.vector_load %arg15[%get3A_263, %get3A_264] {strides = array<i32>} : memref<128x128xf32, #tpu.memory_space<vmem>>, vector<1x16xf32>,
        %get3A_266 = vector.shape_cast %get3A_265 : vector<1x16xf32> to vector<16xf32>
        %swap3A_267 = arith.index_cast %add3A_244 : i32 to index
        %swap3A_268 = arith.constant 32 : index
        %swap3A_269 = tpu.vector_load %arg19[%swap3A_267, %swap3A_268] {strides = array<i32>} : memref<128x96xf32, #tpu.memory_space<vmem>>, vector<1x16xf32>,
        %swap3A_270 = vector.shape_cast %swap3A_269 : vector<1x16xf32> to vector<16xf32>
        %swap3A_271 = vector.shape_cast %get3A_266 : vector<16xf32> to vector<1x16xf32>
        tpu.vector_store %arg19[%swap3A_267, %swap3A_268], %swap3A_271 {strides = array<i32>} : memref<128x96xf32, #tpu.memory_space<vmem>>, vector<1x16xf32>,
        %get3A_272 = arith.index_cast %add3A_244 : i32 to index
        %get3A_273 = arith.constant 48 : index
        %get3A_274 = tpu.vector_load %arg15[%get3A_272, %get3A_273] {strides = array<i32>} : memref<128x128xf32, #tpu.memory_space<vmem>>, vector<1x16xf32>,
        %get3A_275 = vector.shape_cast %get3A_274 : vector<1x16xf32> to vector<16xf32>
        %swap3A_276 = arith.index_cast %add3A_244 : i32 to index
        %swap3A_277 = arith.constant 48 : index
        %swap3A_278 = tpu.vector_load %arg19[%swap3A_276, %swap3A_277] {strides = array<i32>} : memref<128x96xf32, #tpu.memory_space<vmem>>, vector<1x16xf32>,
        %swap3A_279 = vector.shape_cast %swap3A_278 : vector<1x16xf32> to vector<16xf32>
        %swap3A_280 = vector.shape_cast %get3A_275 : vector<16xf32> to vector<1x16xf32>
        tpu.vector_store %arg19[%swap3A_276, %swap3A_277], %swap3A_280 {strides = array<i32>} : memref<128x96xf32, #tpu.memory_space<vmem>>, vector<1x16xf32>,
        %mul3A_281 = arith.constant 8 : i32
        %mul3A_282 = arith.muli %scan3A_202, %mul3A_281 : i32
        %add3A_283 = arith.constant 2 : i32
        %add3A_284 = arith.addi %mul3A_282, %add3A_283 : i32
        %get3A_285 = arith.index_cast %add3A_284 : i32 to index
        %get3A_286 = arith.constant 0 : index
        %get3A_287 = tpu.vector_load %arg15[%get3A_285, %get3A_286] {strides = array<i32>} : memref<128x128xf32, #tpu.memory_space<vmem>>, vector<1x16xf32>,
        %get3A_288 = vector.shape_cast %get3A_287 : vector<1x16xf32> to vector<16xf32>
        %swap3A_289 = arith.index_cast %add3A_284 : i32 to index
        %swap3A_290 = arith.constant 0 : index
        %swap3A_291 = tpu.vector_load %arg19[%swap3A_289, %swap3A_290] {strides = array<i32>} : memref<128x96xf32, #tpu.memory_space<vmem>>, vector<1x16xf32>,
        %swap3A_292 = vector.shape_cast %swap3A_291 : vector<1x16xf32> to vector<16xf32>
        %swap3A_293 = vector.shape_cast %get3A_288 : vector<16xf32> to vector<1x16xf32>
        tpu.vector_store %arg19[%swap3A_289, %swap3A_290], %swap3A_293 {strides = array<i32>} : memref<128x96xf32, #tpu.memory_space<vmem>>, vector<1x16xf32>,
        %get3A_294 = arith.index_cast %add3A_284 : i32 to index
        %get3A_295 = arith.constant 16 : index
        %get3A_296 = tpu.vector_load %arg15[%get3A_294, %get3A_295] {strides = array<i32>} : memref<128x128xf32, #tpu.memory_space<vmem>>, vector<1x16xf32>,
        %get3A_297 = vector.shape_cast %get3A_296 : vector<1x16xf32> to vector<16xf32>
        %swap3A_298 = arith.index_cast %add3A_284 : i32 to index
        %swap3A_299 = arith.constant 16 : index
        %swap3A_300 = tpu.vector_load %arg19[%swap3A_298, %swap3A_299] {strides = array<i32>} : memref<128x96xf32, #tpu.memory_space<vmem>>, vector<1x16xf32>,
        %swap3A_301 = vector.shape_cast %swap3A_300 : vector<1x16xf32> to vector<16xf32>
        %swap3A_302 = vector.shape_cast %get3A_297 : vector<16xf32> to vector<1x16xf32>
        tpu.vector_store %arg19[%swap3A_298, %swap3A_299], %swap3A_302 {strides = array<i32>} : memref<128x96xf32, #tpu.memory_space<vmem>>, vector<1x16xf32>,
        %get3A_303 = arith.index_cast %add3A_284 : i32 to index
        %get3A_304 = arith.constant 32 : index
        %get3A_305 = tpu.vector_load %arg15[%get3A_303, %get3A_304] {strides = array<i32>} : memref<128x128xf32, #tpu.memory_space<vmem>>, vector<1x16xf32>,
        %get3A_306 = vector.shape_cast %get3A_305 : vector<1x16xf32> to vector<16xf32>
        %swap3A_307 = arith.index_cast %add3A_284 : i32 to index
        %swap3A_308 = arith.constant 32 : index
        %swap3A_309 = tpu.vector_load %arg19[%swap3A_307, %swap3A_308] {strides = array<i32>} : memref<128x96xf32, #tpu.memory_space<vmem>>, vector<1x16xf32>,
        %swap3A_310 = vector.shape_cast %swap3A_309 : vector<1x16xf32> to vector<16xf32>
        %swap3A_311 = vector.shape_cast %get3A_306 : vector<16xf32> to vector<1x16xf32>
        tpu.vector_store %arg19[%swap3A_307, %swap3A_308], %swap3A_311 {strides = array<i32>} : memref<128x96xf32, #tpu.memory_space<vmem>>, vector<1x16xf32>,
        %get3A_312 = arith.index_cast %add3A_284 : i32 to index
        %get3A_313 = arith.constant 48 : index
        %get3A_314 = tpu.vector_load %arg15[%get3A_312, %get3A_313] {strides = array<i32>} : memref<128x128xf32, #tpu.memory_space<vmem>>, vector<1x16xf32>,
        %get3A_315 = vector.shape_cast %get3A_314 : vector<1x16xf32> to vector<16xf32>
        %swap3A_316 = arith.index_cast %add3A_284 : i32 to index
        %swap3A_317 = arith.constant 48 : index
        %swap3A_318 = tpu.vector_load %arg19[%swap3A_316, %swap3A_317] {strides = array<i32>} : memref<128x96xf32, #tpu.memory_space<vmem>>, vector<1x16xf32>,
        %swap3A_319 = vector.shape_cast %swap3A_318 : vector<1x16xf32> to vector<16xf32>
        %swap3A_320 = vector.shape_cast %get3A_315 : vector<16xf32> to vector<1x16xf32>
        tpu.vector_store %arg19[%swap3A_316, %swap3A_317], %swap3A_320 {strides = array<i32>} : memref<128x96xf32, #tpu.memory_space<vmem>>, vector<1x16xf32>,
        %mul3A_321 = arith.constant 8 : i32
        %mul3A_322 = arith.muli %scan3A_202, %mul3A_321 : i32
        %add3A_323 = arith.constant 3 : i32
        %add3A_324 = arith.addi %mul3A_322, %add3A_323 : i32
        %get3A_325 = arith.index_cast %add3A_324 : i32 to index
        %get3A_326 = arith.constant 0 : index
        %get3A_327 = tpu.vector_load %arg15[%get3A_325, %get3A_326] {strides = array<i32>} : memref<128x128xf32, #tpu.memory_space<vmem>>, vector<1x16xf32>,
        %get3A_328 = vector.shape_cast %get3A_327 : vector<1x16xf32> to vector<16xf32>
        %swap3A_329 = arith.index_cast %add3A_324 : i32 to index
        %swap3A_330 = arith.constant 0 : index
        %swap3A_331 = tpu.vector_load %arg19[%swap3A_329, %swap3A_330] {strides = array<i32>} : memref<128x96xf32, #tpu.memory_space<vmem>>, vector<1x16xf32>,
        %swap3A_332 = vector.shape_cast %swap3A_331 : vector<1x16xf32> to vector<16xf32>
        %swap3A_333 = vector.shape_cast %get3A_328 : vector<16xf32> to vector<1x16xf32>
        tpu.vector_store %arg19[%swap3A_329, %swap3A_330], %swap3A_333 {strides = array<i32>} : memref<128x96xf32, #tpu.memory_space<vmem>>, vector<1x16xf32>,
        %get3A_334 = arith.index_cast %add3A_324 : i32 to index
        %get3A_335 = arith.constant 16 : index
        %get3A_336 = tpu.vector_load %arg15[%get3A_334, %get3A_335] {strides = array<i32>} : memref<128x128xf32, #tpu.memory_space<vmem>>, vector<1x16xf32>,
        %get3A_337 = vector.shape_cast %get3A_336 : vector<1x16xf32> to vector<16xf32>
        %swap3A_338 = arith.index_cast %add3A_324 : i32 to index
        %swap3A_339 = arith.constant 16 : index
        %swap3A_340 = tpu.vector_load %arg19[%swap3A_338, %swap3A_339] {strides = array<i32>} : memref<128x96xf32, #tpu.memory_space<vmem>>, vector<1x16xf32>,
        %swap3A_341 = vector.shape_cast %swap3A_340 : vector<1x16xf32> to vector<16xf32>
        %swap3A_342 = vector.shape_cast %get3A_337 : vector<16xf32> to vector<1x16xf32>
        tpu.vector_store %arg19[%swap3A_338, %swap3A_339], %swap3A_342 {strides = array<i32>} : memref<128x96xf32, #tpu.memory_space<vmem>>, vector<1x16xf32>,
        %get3A_343 = arith.index_cast %add3A_324 : i32 to index
        %get3A_344 = arith.constant 32 : index
        %get3A_345 = tpu.vector_load %arg15[%get3A_343, %get3A_344] {strides = array<i32>} : memref<128x128xf32, #tpu.memory_space<vmem>>, vector<1x16xf32>,
        %get3A_346 = vector.shape_cast %get3A_345 : vector<1x16xf32> to vector<16xf32>
        %swap3A_347 = arith.index_cast %add3A_324 : i32 to index
        %swap3A_348 = arith.constant 32 : index
        %swap3A_349 = tpu.vector_load %arg19[%swap3A_347, %swap3A_348] {strides = array<i32>} : memref<128x96xf32, #tpu.memory_space<vmem>>, vector<1x16xf32>,
        %swap3A_350 = vector.shape_cast %swap3A_349 : vector<1x16xf32> to vector<16xf32>
        %swap3A_351 = vector.shape_cast %get3A_346 : vector<16xf32> to vector<1x16xf32>
        tpu.vector_store %arg19[%swap3A_347, %swap3A_348], %swap3A_351 {strides = array<i32>} : memref<128x96xf32, #tpu.memory_space<vmem>>, vector<1x16xf32>,
        %get3A_352 = arith.index_cast %add3A_324 : i32 to index
        %get3A_353 = arith.constant 48 : index
        %get3A_354 = tpu.vector_load %arg15[%get3A_352, %get3A_353] {strides = array<i32>} : memref<128x128xf32, #tpu.memory_space<vmem>>, vector<1x16xf32>,
        %get3A_355 = vector.shape_cast %get3A_354 : vector<1x16xf32> to vector<16xf32>
        %swap3A_356 = arith.index_cast %add3A_324 : i32 to index
        %swap3A_357 = arith.constant 48 : index
        %swap3A_358 = tpu.vector_load %arg19[%swap3A_356, %swap3A_357] {strides = array<i32>} : memref<128x96xf32, #tpu.memory_space<vmem>>, vector<1x16xf32>,
        %swap3A_359 = vector.shape_cast %swap3A_358 : vector<1x16xf32> to vector<16xf32>
        %swap3A_360 = vector.shape_cast %get3A_355 : vector<16xf32> to vector<1x16xf32>
        tpu.vector_store %arg19[%swap3A_356, %swap3A_357], %swap3A_360 {strides = array<i32>} : memref<128x96xf32, #tpu.memory_space<vmem>>, vector<1x16xf32>,
        %mul3A_361 = arith.constant 8 : i32
        %mul3A_362 = arith.muli %scan3A_202, %mul3A_361 : i32
        %add3A_363 = arith.constant 4 : i32
        %add3A_364 = arith.addi %mul3A_362, %add3A_363 : i32
        %get3A_365 = arith.index_cast %add3A_364 : i32 to index
        %get3A_366 = arith.constant 0 : index
        %get3A_367 = tpu.vector_load %arg15[%get3A_365, %get3A_366] {strides = array<i32>} : memref<128x128xf32, #tpu.memory_space<vmem>>, vector<1x16xf32>,
        %get3A_368 = vector.shape_cast %get3A_367 : vector<1x16xf32> to vector<16xf32>
        %swap3A_369 = arith.index_cast %add3A_364 : i32 to index
        %swap3A_370 = arith.constant 0 : index
        %swap3A_371 = tpu.vector_load %arg19[%swap3A_369, %swap3A_370] {strides = array<i32>} : memref<128x96xf32, #tpu.memory_space<vmem>>, vector<1x16xf32>,
        %swap3A_372 = vector.shape_cast %swap3A_371 : vector<1x16xf32> to vector<16xf32>
        %swap3A_373 = vector.shape_cast %get3A_368 : vector<16xf32> to vector<1x16xf32>
        tpu.vector_store %arg19[%swap3A_369, %swap3A_370], %swap3A_373 {strides = array<i32>} : memref<128x96xf32, #tpu.memory_space<vmem>>, vector<1x16xf32>,
        %get3A_374 = arith.index_cast %add3A_364 : i32 to index
        %get3A_375 = arith.constant 16 : index
        %get3A_376 = tpu.vector_load %arg15[%get3A_374, %get3A_375] {strides = array<i32>} : memref<128x128xf32, #tpu.memory_space<vmem>>, vector<1x16xf32>,
        %get3A_377 = vector.shape_cast %get3A_376 : vector<1x16xf32> to vector<16xf32>
        %swap3A_378 = arith.index_cast %add3A_364 : i32 to index
        %swap3A_379 = arith.constant 16 : index
        %swap3A_380 = tpu.vector_load %arg19[%swap3A_378, %swap3A_379] {strides = array<i32>} : memref<128x96xf32, #tpu.memory_space<vmem>>, vector<1x16xf32>,
        %swap3A_381 = vector.shape_cast %swap3A_380 : vector<1x16xf32> to vector<16xf32>
        %swap3A_382 = vector.shape_cast %get3A_377 : vector<16xf32> to vector<1x16xf32>
        tpu.vector_store %arg19[%swap3A_378, %swap3A_379], %swap3A_382 {strides = array<i32>} : memref<128x96xf32, #tpu.memory_space<vmem>>, vector<1x16xf32>,
        %get3A_383 = arith.index_cast %add3A_364 : i32 to index
        %get3A_384 = arith.constant 32 : index
        %get3A_385 = tpu.vector_load %arg15[%get3A_383, %get3A_384] {strides = array<i32>} : memref<128x128xf32, #tpu.memory_space<vmem>>, vector<1x16xf32>,
        %get3A_386 = vector.shape_cast %get3A_385 : vector<1x16xf32> to vector<16xf32>
        %swap3A_387 = arith.index_cast %add3A_364 : i32 to index
        %swap3A_388 = arith.constant 32 : index
        %swap3A_389 = tpu.vector_load %arg19[%swap3A_387, %swap3A_388] {strides = array<i32>} : memref<128x96xf32, #tpu.memory_space<vmem>>, vector<1x16xf32>,
        %swap3A_390 = vector.shape_cast %swap3A_389 : vector<1x16xf32> to vector<16xf32>
        %swap3A_391 = vector.shape_cast %get3A_386 : vector<16xf32> to vector<1x16xf32>
        tpu.vector_store %arg19[%swap3A_387, %swap3A_388], %swap3A_391 {strides = array<i32>} : memref<128x96xf32, #tpu.memory_space<vmem>>, vector<1x16xf32>,
        %get3A_392 = arith.index_cast %add3A_364 : i32 to index
        %get3A_393 = arith.constant 48 : index
        %get3A_394 = tpu.vector_load %arg15[%get3A_392, %get3A_393] {strides = array<i32>} : memref<128x128xf32, #tpu.memory_space<vmem>>, vector<1x16xf32>,
        %get3A_395 = vector.shape_cast %get3A_394 : vector<1x16xf32> to vector<16xf32>
        %swap3A_396 = arith.index_cast %add3A_364 : i32 to index
        %swap3A_397 = arith.constant 48 : index
        %swap3A_398 = tpu.vector_load %arg19[%swap3A_396, %swap3A_397] {strides = array<i32>} : memref<128x96xf32, #tpu.memory_space<vmem>>, vector<1x16xf32>,
        %swap3A_399 = vector.shape_cast %swap3A_398 : vector<1x16xf32> to vector<16xf32>
        %swap3A_400 = vector.shape_cast %get3A_395 : vector<16xf32> to vector<1x16xf32>
        tpu.vector_store %arg19[%swap3A_396, %swap3A_397], %swap3A_400 {strides = array<i32>} : memref<128x96xf32, #tpu.memory_space<vmem>>, vector<1x16xf32>,
        %mul3A_401 = arith.constant 8 : i32
        %mul3A_402 = arith.muli %scan3A_202, %mul3A_401 : i32
        %add3A_403 = arith.constant 5 : i32
        %add3A_404 = arith.addi %mul3A_402, %add3A_403 : i32
        %get3A_405 = arith.index_cast %add3A_404 : i32 to index
        %get3A_406 = arith.constant 0 : index
        %get3A_407 = tpu.vector_load %arg15[%get3A_405, %get3A_406] {strides = array<i32>} : memref<128x128xf32, #tpu.memory_space<vmem>>, vector<1x16xf32>,
        %get3A_408 = vector.shape_cast %get3A_407 : vector<1x16xf32> to vector<16xf32>
        %swap3A_409 = arith.index_cast %add3A_404 : i32 to index
        %swap3A_410 = arith.constant 0 : index
        %swap3A_411 = tpu.vector_load %arg19[%swap3A_409, %swap3A_410] {strides = array<i32>} : memref<128x96xf32, #tpu.memory_space<vmem>>, vector<1x16xf32>,
        %swap3A_412 = vector.shape_cast %swap3A_411 : vector<1x16xf32> to vector<16xf32>
        %swap3A_413 = vector.shape_cast %get3A_408 : vector<16xf32> to vector<1x16xf32>
        tpu.vector_store %arg19[%swap3A_409, %swap3A_410], %swap3A_413 {strides = array<i32>} : memref<128x96xf32, #tpu.memory_space<vmem>>, vector<1x16xf32>,
        %get3A_414 = arith.index_cast %add3A_404 : i32 to index
        %get3A_415 = arith.constant 16 : index
        %get3A_416 = tpu.vector_load %arg15[%get3A_414, %get3A_415] {strides = array<i32>} : memref<128x128xf32, #tpu.memory_space<vmem>>, vector<1x16xf32>,
        %get3A_417 = vector.shape_cast %get3A_416 : vector<1x16xf32> to vector<16xf32>
        %swap3A_418 = arith.index_cast %add3A_404 : i32 to index
        %swap3A_419 = arith.constant 16 : index
        %swap3A_420 = tpu.vector_load %arg19[%swap3A_418, %swap3A_419] {strides = array<i32>} : memref<128x96xf32, #tpu.memory_space<vmem>>, vector<1x16xf32>,
        %swap3A_421 = vector.shape_cast %swap3A_420 : vector<1x16xf32> to vector<16xf32>
        %swap3A_422 = vector.shape_cast %get3A_417 : vector<16xf32> to vector<1x16xf32>
        tpu.vector_store %arg19[%swap3A_418, %swap3A_419], %swap3A_422 {strides = array<i32>} : memref<128x96xf32, #tpu.memory_space<vmem>>, vector<1x16xf32>,
        %get3A_423 = arith.index_cast %add3A_404 : i32 to index
        %get3A_424 = arith.constant 32 : index
        %get3A_425 = tpu.vector_load %arg15[%get3A_423, %get3A_424] {strides = array<i32>} : memref<128x128xf32, #tpu.memory_space<vmem>>, vector<1x16xf32>,
        %get3A_426 = vector.shape_cast %get3A_425 : vector<1x16xf32> to vector<16xf32>
        %swap3A_427 = arith.index_cast %add3A_404 : i32 to index
        %swap3A_428 = arith.constant 32 : index
        %swap3A_429 = tpu.vector_load %arg19[%swap3A_427, %swap3A_428] {strides = array<i32>} : memref<128x96xf32, #tpu.memory_space<vmem>>, vector<1x16xf32>,
        %swap3A_430 = vector.shape_cast %swap3A_429 : vector<1x16xf32> to vector<16xf32>
        %swap3A_431 = vector.shape_cast %get3A_426 : vector<16xf32> to vector<1x16xf32>
        tpu.vector_store %arg19[%swap3A_427, %swap3A_428], %swap3A_431 {strides = array<i32>} : memref<128x96xf32, #tpu.memory_space<vmem>>, vector<1x16xf32>,
        %get3A_432 = arith.index_cast %add3A_404 : i32 to index
        %get3A_433 = arith.constant 48 : index
        %get3A_434 = tpu.vector_load %arg15[%get3A_432, %get3A_433] {strides = array<i32>} : memref<128x128xf32, #tpu.memory_space<vmem>>, vector<1x16xf32>,
        %get3A_435 = vector.shape_cast %get3A_434 : vector<1x16xf32> to vector<16xf32>
        %swap3A_436 = arith.index_cast %add3A_404 : i32 to index
        %swap3A_437 = arith.constant 48 : index
        %swap3A_438 = tpu.vector_load %arg19[%swap3A_436, %swap3A_437] {strides = array<i32>} : memref<128x96xf32, #tpu.memory_space<vmem>>, vector<1x16xf32>,
        %swap3A_439 = vector.shape_cast %swap3A_438 : vector<1x16xf32> to vector<16xf32>
        %swap3A_440 = vector.shape_cast %get3A_435 : vector<16xf32> to vector<1x16xf32>
        tpu.vector_store %arg19[%swap3A_436, %swap3A_437], %swap3A_440 {strides = array<i32>} : memref<128x96xf32, #tpu.memory_space<vmem>>, vector<1x16xf32>,
        %mul3A_441 = arith.constant 8 : i32
        %mul3A_442 = arith.muli %scan3A_202, %mul3A_441 : i32
        %add3A_443 = arith.constant 6 : i32
        %add3A_444 = arith.addi %mul3A_442, %add3A_443 : i32
        %get3A_445 = arith.index_cast %add3A_444 : i32 to index
        %get3A_446 = arith.constant 0 : index
        %get3A_447 = tpu.vector_load %arg15[%get3A_445, %get3A_446] {strides = array<i32>} : memref<128x128xf32, #tpu.memory_space<vmem>>, vector<1x16xf32>,
        %get3A_448 = vector.shape_cast %get3A_447 : vector<1x16xf32> to vector<16xf32>
        %swap3A_449 = arith.index_cast %add3A_444 : i32 to index
        %swap3A_450 = arith.constant 0 : index
        %swap3A_451 = tpu.vector_load %arg19[%swap3A_449, %swap3A_450] {strides = array<i32>} : memref<128x96xf32, #tpu.memory_space<vmem>>, vector<1x16xf32>,
        %swap3A_452 = vector.shape_cast %swap3A_451 : vector<1x16xf32> to vector<16xf32>
        %swap3A_453 = vector.shape_cast %get3A_448 : vector<16xf32> to vector<1x16xf32>
        tpu.vector_store %arg19[%swap3A_449, %swap3A_450], %swap3A_453 {strides = array<i32>} : memref<128x96xf32, #tpu.memory_space<vmem>>, vector<1x16xf32>,
        %get3A_454 = arith.index_cast %add3A_444 : i32 to index
        %get3A_455 = arith.constant 16 : index
        %get3A_456 = tpu.vector_load %arg15[%get3A_454, %get3A_455] {strides = array<i32>} : memref<128x128xf32, #tpu.memory_space<vmem>>, vector<1x16xf32>,
        %get3A_457 = vector.shape_cast %get3A_456 : vector<1x16xf32> to vector<16xf32>
        %swap3A_458 = arith.index_cast %add3A_444 : i32 to index
        %swap3A_459 = arith.constant 16 : index
        %swap3A_460 = tpu.vector_load %arg19[%swap3A_458, %swap3A_459] {strides = array<i32>} : memref<128x96xf32, #tpu.memory_space<vmem>>, vector<1x16xf32>,
        %swap3A_461 = vector.shape_cast %swap3A_460 : vector<1x16xf32> to vector<16xf32>
        %swap3A_462 = vector.shape_cast %get3A_457 : vector<16xf32> to vector<1x16xf32>
        tpu.vector_store %arg19[%swap3A_458, %swap3A_459], %swap3A_462 {strides = array<i32>} : memref<128x96xf32, #tpu.memory_space<vmem>>, vector<1x16xf32>,
        %get3A_463 = arith.index_cast %add3A_444 : i32 to index
        %get3A_464 = arith.constant 32 : index
        %get3A_465 = tpu.vector_load %arg15[%get3A_463, %get3A_464] {strides = array<i32>} : memref<128x128xf32, #tpu.memory_space<vmem>>, vector<1x16xf32>,
        %get3A_466 = vector.shape_cast %get3A_465 : vector<1x16xf32> to vector<16xf32>
        %swap3A_467 = arith.index_cast %add3A_444 : i32 to index
        %swap3A_468 = arith.constant 32 : index
        %swap3A_469 = tpu.vector_load %arg19[%swap3A_467, %swap3A_468] {strides = array<i32>} : memref<128x96xf32, #tpu.memory_space<vmem>>, vector<1x16xf32>,
        %swap3A_470 = vector.shape_cast %swap3A_469 : vector<1x16xf32> to vector<16xf32>
        %swap3A_471 = vector.shape_cast %get3A_466 : vector<16xf32> to vector<1x16xf32>
        tpu.vector_store %arg19[%swap3A_467, %swap3A_468], %swap3A_471 {strides = array<i32>} : memref<128x96xf32, #tpu.memory_space<vmem>>, vector<1x16xf32>,
        %get3A_472 = arith.index_cast %add3A_444 : i32 to index
        %get3A_473 = arith.constant 48 : index
        %get3A_474 = tpu.vector_load %arg15[%get3A_472, %get3A_473] {strides = array<i32>} : memref<128x128xf32, #tpu.memory_space<vmem>>, vector<1x16xf32>,
        %get3A_475 = vector.shape_cast %get3A_474 : vector<1x16xf32> to vector<16xf32>
        %swap3A_476 = arith.index_cast %add3A_444 : i32 to index
        %swap3A_477 = arith.constant 48 : index
        %swap3A_478 = tpu.vector_load %arg19[%swap3A_476, %swap3A_477] {strides = array<i32>} : memref<128x96xf32, #tpu.memory_space<vmem>>, vector<1x16xf32>,
        %swap3A_479 = vector.shape_cast %swap3A_478 : vector<1x16xf32> to vector<16xf32>
        %swap3A_480 = vector.shape_cast %get3A_475 : vector<16xf32> to vector<1x16xf32>
        tpu.vector_store %arg19[%swap3A_476, %swap3A_477], %swap3A_480 {strides = array<i32>} : memref<128x96xf32, #tpu.memory_space<vmem>>, vector<1x16xf32>,
        %mul3A_481 = arith.constant 8 : i32
        %mul3A_482 = arith.muli %scan3A_202, %mul3A_481 : i32
        %add3A_483 = arith.constant 7 : i32
        %add3A_484 = arith.addi %mul3A_482, %add3A_483 : i32
        %get3A_485 = arith.index_cast %add3A_484 : i32 to index
        %get3A_486 = arith.constant 0 : index
        %get3A_487 = tpu.vector_load %arg15[%get3A_485, %get3A_486] {strides = array<i32>} : memref<128x128xf32, #tpu.memory_space<vmem>>, vector<1x16xf32>,
        %get3A_488 = vector.shape_cast %get3A_487 : vector<1x16xf32> to vector<16xf32>
        %swap3A_489 = arith.index_cast %add3A_484 : i32 to index
        %swap3A_490 = arith.constant 0 : index
        %swap3A_491 = tpu.vector_load %arg19[%swap3A_489, %swap3A_490] {strides = array<i32>} : memref<128x96xf32, #tpu.memory_space<vmem>>, vector<1x16xf32>,
        %swap3A_492 = vector.shape_cast %swap3A_491 : vector<1x16xf32> to vector<16xf32>
        %swap3A_493 = vector.shape_cast %get3A_488 : vector<16xf32> to vector<1x16xf32>
        tpu.vector_store %arg19[%swap3A_489, %swap3A_490], %swap3A_493 {strides = array<i32>} : memref<128x96xf32, #tpu.memory_space<vmem>>, vector<1x16xf32>,
        %get3A_494 = arith.index_cast %add3A_484 : i32 to index
        %get3A_495 = arith.constant 16 : index
        %get3A_496 = tpu.vector_load %arg15[%get3A_494, %get3A_495] {strides = array<i32>} : memref<128x128xf32, #tpu.memory_space<vmem>>, vector<1x16xf32>,
        %get3A_497 = vector.shape_cast %get3A_496 : vector<1x16xf32> to vector<16xf32>
        %swap3A_498 = arith.index_cast %add3A_484 : i32 to index
        %swap3A_499 = arith.constant 16 : index
        %swap3A_500 = tpu.vector_load %arg19[%swap3A_498, %swap3A_499] {strides = array<i32>} : memref<128x96xf32, #tpu.memory_space<vmem>>, vector<1x16xf32>,
        %swap3A_501 = vector.shape_cast %swap3A_500 : vector<1x16xf32> to vector<16xf32>
        %swap3A_502 = vector.shape_cast %get3A_497 : vector<16xf32> to vector<1x16xf32>
        tpu.vector_store %arg19[%swap3A_498, %swap3A_499], %swap3A_502 {strides = array<i32>} : memref<128x96xf32, #tpu.memory_space<vmem>>, vector<1x16xf32>,
        %get3A_503 = arith.index_cast %add3A_484 : i32 to index
        %get3A_504 = arith.constant 32 : index
        %get3A_505 = tpu.vector_load %arg15[%get3A_503, %get3A_504] {strides = array<i32>} : memref<128x128xf32, #tpu.memory_space<vmem>>, vector<1x16xf32>,
        %get3A_506 = vector.shape_cast %get3A_505 : vector<1x16xf32> to vector<16xf32>
        %swap3A_507 = arith.index_cast %add3A_484 : i32 to index
        %swap3A_508 = arith.constant 32 : index
        %swap3A_509 = tpu.vector_load %arg19[%swap3A_507, %swap3A_508] {strides = array<i32>} : memref<128x96xf32, #tpu.memory_space<vmem>>, vector<1x16xf32>,
        %swap3A_510 = vector.shape_cast %swap3A_509 : vector<1x16xf32> to vector<16xf32>
        %swap3A_511 = vector.shape_cast %get3A_506 : vector<16xf32> to vector<1x16xf32>
        tpu.vector_store %arg19[%swap3A_507, %swap3A_508], %swap3A_511 {strides = array<i32>} : memref<128x96xf32, #tpu.memory_space<vmem>>, vector<1x16xf32>,
        %get3A_512 = arith.index_cast %add3A_484 : i32 to index
        %get3A_513 = arith.constant 48 : index
        %get3A_514 = tpu.vector_load %arg15[%get3A_512, %get3A_513] {strides = array<i32>} : memref<128x128xf32, #tpu.memory_space<vmem>>, vector<1x16xf32>,
        %get3A_515 = vector.shape_cast %get3A_514 : vector<1x16xf32> to vector<16xf32>
        %swap3A_516 = arith.index_cast %add3A_484 : i32 to index
        %swap3A_517 = arith.constant 48 : index
        %swap3A_518 = tpu.vector_load %arg19[%swap3A_516, %swap3A_517] {strides = array<i32>} : memref<128x96xf32, #tpu.memory_space<vmem>>, vector<1x16xf32>,
        %swap3A_519 = vector.shape_cast %swap3A_518 : vector<1x16xf32> to vector<16xf32>
        %swap3A_520 = vector.shape_cast %get3A_515 : vector<16xf32> to vector<1x16xf32>
        tpu.vector_store %arg19[%swap3A_516, %swap3A_517], %swap3A_520 {strides = array<i32>} : memref<128x96xf32, #tpu.memory_space<vmem>>, vector<1x16xf32>,
      }
      %scan3A_136 = arith.constant 16 : i32
      %add3A_137 = arith.addi %mul3A_2, %mul3A_93 : i32
      %mul3A_138 = arith.constant 128 : i32
      %mul3A_139 = arith.muli %add3A_137, %mul3A_138 : i32
      %dma_start3A_140 = arith.constant 0 : i32
      %dma_start3A_141 = tpu.memref_slice %arg8[%mul3A_139, %dma_start3A_140] : memref<819200x96xf32, #tpu.memory_space<hbm>> -> memref<128x96xf32, #tpu.memory_space<hbm>>
      %dma_start3A_142 = arith.constant 0 : i32
      %dma_start3A_143 = tpu.memref_slice %arg8[%mul3A_139, %dma_start3A_142] : memref<819200x96xf32, #tpu.memory_space<hbm>> -> memref<128x96xf32, #tpu.memory_space<hbm>>
      tpu.enqueue_dma source(%arg19 : memref<128x96xf32, #tpu.memory_space<vmem>>) target(%dma_start3A_143 : memref<128x96xf32, #tpu.memory_space<hbm>>) target_semaphore(%arg28 : memref<!tpu.dma_semaphore, #tpu.memory_space<semaphore_mem>>)
      %mul3A_144 = arith.constant 2 : i32
      %mul3A_145 = arith.muli %mul3A_144, %scan3A_91 : i32
      %add3A_146 = arith.constant 1 : i32
      %add3A_147 = arith.addi %mul3A_145, %add3A_146 : i32
      %ge3A_148 = arith.constant 2 : i32
      %ge3A_149 = arith.cmpi sge, %add3A_147, %ge3A_148 : i32
      %convert_element_type3A_150 = arith.extui %ge3A_149 : i1 to i32
      %cond3A_151 = arith.constant 0 : i32
      %cond3A_152 = arith.cmpi ne, %convert_element_type3A_150, %cond3A_151 : i32
      scf.if %cond3A_152 {
        %sub3A = arith.constant 2 : i32
        %sub3A_202 = arith.subi %add3A_147, %sub3A : i32
        %add3A_203 = arith.addi %mul3A_2, %sub3A_202 : i32
        %mul3A_204 = arith.constant 128 : i32
        %mul3A_205 = arith.muli %add3A_203, %mul3A_204 : i32
        %dma_wait3A_206 = arith.constant 0 : i32
        %dma_wait3A_207 = tpu.memref_slice %arg8[%mul3A_205, %dma_wait3A_206] : memref<819200x96xf32, #tpu.memory_space<hbm>> -> memref<128x96xf32, #tpu.memory_space<hbm>>
        %dma_wait3A_208 = arith.constant 0 : i32
        %dma_wait3A_209 = tpu.memref_slice %arg8[%mul3A_205, %dma_wait3A_208] : memref<819200x96xf32, #tpu.memory_space<hbm>> -> memref<128x96xf32, #tpu.memory_space<hbm>>
        tpu.wait_dma2 semaphore(%arg29 : memref<!tpu.dma_semaphore, #tpu.memory_space<semaphore_mem>>) src(%arg20 : memref<128x96xf32, #tpu.memory_space<vmem>>) dst(%dma_wait3A_209 : memref<128x96xf32, #tpu.memory_space<hbm>>)
      } else {
      }
      %dma_wait3A_153 = arith.constant 0 : i32
      %dma_wait3A_154 = arith.constant 0 : i32
      %dma_wait3A_155 = tpu.memref_slice %arg5[%dma_wait3A_153, %dma_wait3A_154] : memref<100000x128xf32, #tpu.memory_space<hbm>> -> memref<100000x128xf32, #tpu.memory_space<hbm>>
      tpu.wait_indirect_dma semaphore(%arg26 : memref<!tpu.dma_semaphore, #tpu.memory_space<semaphore_mem>>) src(%dma_wait3A_155 : memref<100000x128xf32, #tpu.memory_space<hbm>>) dst(%arg16 : memref<128x128xf32, #tpu.memory_space<vmem>>)
      %dma_wait3A_156 = arith.constant 0 : i32
      %dma_wait3A_157 = arith.constant 0 : i32
      %dma_wait3A_158 = tpu.memref_slice %arg21[%dma_wait3A_156, %dma_wait3A_157] : memref<512x128xf32, #tpu.memory_space<vmem_shared>> -> memref<512x128xf32, #tpu.memory_space<vmem_shared>>
      tpu.wait_indirect_dma semaphore(%arg27 : memref<!tpu.dma_semaphore, #tpu.memory_space<semaphore_mem>>) src(%dma_wait3A_158 : memref<512x128xf32, #tpu.memory_space<vmem_shared>>) dst(%arg17 : memref<128x128xf32, #tpu.memory_space<vmem>>)
      %dma_wait3A_159 = arith.constant 0 : i32
      %dma_wait3A_160 = arith.constant 0 : i32
      %dma_wait3A_161 = tpu.memref_slice %arg22[%dma_wait3A_159, %dma_wait3A_160] : memref<512x128xf32, #tpu.memory_space<vmem_shared>> -> memref<512x128xf32, #tpu.memory_space<vmem_shared>>
      tpu.wait_indirect_dma semaphore(%arg27 : memref<!tpu.dma_semaphore, #tpu.memory_space<semaphore_mem>>) src(%dma_wait3A_161 : memref<512x128xf32, #tpu.memory_space<vmem_shared>>) dst(%arg18 : memref<128x128xf32, #tpu.memory_space<vmem>>)
      %add3A_162 = arith.constant 1 : i32
      %add3A_163 = arith.addi %add3A_147, %add3A_162 : i32
      %lt3A_164 = arith.constant 200 : i32
      %lt3A_165 = arith.cmpi slt, %add3A_163, %lt3A_164 : i32
      %convert_element_type3A_166 = arith.extui %lt3A_165 : i1 to i32
      %cond3A_167 = arith.constant 0 : i32
      %cond3A_168 = arith.cmpi ne, %convert_element_type3A_166, %cond3A_167 : i32
      scf.if %cond3A_168 {
        %add3A_202 = arith.constant 1 : i32
        %add3A_203 = arith.addi %add3A_147, %add3A_202 : i32
        %add3A_204 = arith.addi %mul3A_2, %add3A_203 : i32
        %dma_wait3A_205 = arith.constant 0 : i32
        %dma_wait3A_206 = tpu.memref_slice %arg2[%add3A_204, %dma_wait3A_205] : memref<6400x128xi32, #tpu.memory_space<hbm>> -> memref<1x128xi32, #tpu.memory_space<hbm>>
        %dma_wait3A_207 = tpu.memref_squeeze %dma_wait3A_206 : memref<1x128xi32, #tpu.memory_space<hbm>> -> memref<128xi32, #tpu.memory_space<hbm>>
        %dma_wait3A_208 = arith.constant 0 : i32
        %dma_wait3A_209 = tpu.memref_slice %arg2[%add3A_204, %dma_wait3A_208] : memref<6400x128xi32, #tpu.memory_space<hbm>> -> memref<1x128xi32, #tpu.memory_space<hbm>>
        %dma_wait3A_210 = tpu.memref_squeeze %dma_wait3A_209 : memref<1x128xi32, #tpu.memory_space<hbm>> -> memref<128xi32, #tpu.memory_space<hbm>>
        tpu.wait_dma2 semaphore(%arg23 : memref<!tpu.dma_semaphore, #tpu.memory_space<semaphore_mem>>) src(%dma_wait3A_210 : memref<128xi32, #tpu.memory_space<hbm>>) dst(%arg9 : memref<128xi32, #tpu.memory_space<vmem>>)
        %dma_wait3A_211 = arith.constant 0 : i32
        %dma_wait3A_212 = tpu.memref_slice %arg3[%add3A_204, %dma_wait3A_211] : memref<6400x128xi32, #tpu.memory_space<hbm>> -> memref<1x128xi32, #tpu.memory_space<hbm>>
        %dma_wait3A_213 = tpu.memref_squeeze %dma_wait3A_212 : memref<1x128xi32, #tpu.memory_space<hbm>> -> memref<128xi32, #tpu.memory_space<hbm>>
        %dma_wait3A_214 = arith.constant 0 : i32
        %dma_wait3A_215 = tpu.memref_slice %arg3[%add3A_204, %dma_wait3A_214] : memref<6400x128xi32, #tpu.memory_space<hbm>> -> memref<1x128xi32, #tpu.memory_space<hbm>>
        %dma_wait3A_216 = tpu.memref_squeeze %dma_wait3A_215 : memref<1x128xi32, #tpu.memory_space<hbm>> -> memref<128xi32, #tpu.memory_space<hbm>>
        tpu.wait_dma2 semaphore(%arg23 : memref<!tpu.dma_semaphore, #tpu.memory_space<semaphore_mem>>) src(%dma_wait3A_216 : memref<128xi32, #tpu.memory_space<hbm>>) dst(%arg11 : memref<128xi32, #tpu.memory_space<vmem>>)
        %dma_wait3A_217 = arith.constant 0 : i32
        %dma_wait3A_218 = tpu.memref_slice %arg4[%add3A_204, %dma_wait3A_217] : memref<6400x128xi32, #tpu.memory_space<hbm>> -> memref<1x128xi32, #tpu.memory_space<hbm>>
        %dma_wait3A_219 = tpu.memref_squeeze %dma_wait3A_218 : memref<1x128xi32, #tpu.memory_space<hbm>> -> memref<128xi32, #tpu.memory_space<hbm>>
        %dma_wait3A_220 = arith.constant 0 : i32
        %dma_wait3A_221 = tpu.memref_slice %arg4[%add3A_204, %dma_wait3A_220] : memref<6400x128xi32, #tpu.memory_space<hbm>> -> memref<1x128xi32, #tpu.memory_space<hbm>>
        %dma_wait3A_222 = tpu.memref_squeeze %dma_wait3A_221 : memref<1x128xi32, #tpu.memory_space<hbm>> -> memref<128xi32, #tpu.memory_space<hbm>>
        tpu.wait_dma2 semaphore(%arg23 : memref<!tpu.dma_semaphore, #tpu.memory_space<semaphore_mem>>) src(%dma_wait3A_222 : memref<128xi32, #tpu.memory_space<hbm>>) dst(%arg13 : memref<128xi32, #tpu.memory_space<vmem>>)
        %add3A_223 = arith.constant 1 : i32
        %add3A_224 = arith.addi %add3A_147, %add3A_223 : i32
        %dma_start3A_225 = arith.constant 0 : i32
        %dma_start3A_226 = arith.constant 0 : i32
        %dma_start3A_227 = tpu.memref_slice %arg5[%dma_start3A_225, %dma_start3A_226] : memref<100000x128xf32, #tpu.memory_space<hbm>> -> memref<100000x128xf32, #tpu.memory_space<hbm>>
        tpu.enqueue_indirect_dma source(%dma_start3A_227 : memref<100000x128xf32, #tpu.memory_space<hbm>>) target(%arg15 : memref<128x128xf32, #tpu.memory_space<vmem>>) offsets(%arg9 : memref<128xi32, #tpu.memory_space<vmem>>) semaphore(%arg25 : memref<!tpu.dma_semaphore, #tpu.memory_space<semaphore_mem>>)
      } else {
      }
      %add3A_169 = arith.constant 2 : i32
      %add3A_170 = arith.addi %add3A_147, %add3A_169 : i32
      %lt3A_171 = arith.constant 200 : i32
      %lt3A_172 = arith.cmpi slt, %add3A_170, %lt3A_171 : i32
      %convert_element_type3A_173 = arith.extui %lt3A_172 : i1 to i32
      %cond3A_174 = arith.constant 0 : i32
      %cond3A_175 = arith.cmpi ne, %convert_element_type3A_173, %cond3A_174 : i32
      scf.if %cond3A_175 {
        %add3A_202 = arith.constant 2 : i32
        %add3A_203 = arith.addi %add3A_147, %add3A_202 : i32
        %add3A_204 = arith.addi %mul3A_2, %add3A_203 : i32
        %dma_start3A_205 = arith.constant 0 : i32
        %dma_start3A_206 = tpu.memref_slice %arg2[%add3A_204, %dma_start3A_205] : memref<6400x128xi32, #tpu.memory_space<hbm>> -> memref<1x128xi32, #tpu.memory_space<hbm>>
        %dma_start3A_207 = tpu.memref_squeeze %dma_start3A_206 : memref<1x128xi32, #tpu.memory_space<hbm>> -> memref<128xi32, #tpu.memory_space<hbm>>
        %dma_start3A_208 = arith.constant 0 : i32
        %dma_start3A_209 = tpu.memref_slice %arg2[%add3A_204, %dma_start3A_208] : memref<6400x128xi32, #tpu.memory_space<hbm>> -> memref<1x128xi32, #tpu.memory_space<hbm>>
        %dma_start3A_210 = tpu.memref_squeeze %dma_start3A_209 : memref<1x128xi32, #tpu.memory_space<hbm>> -> memref<128xi32, #tpu.memory_space<hbm>>
        tpu.enqueue_dma source(%dma_start3A_210 : memref<128xi32, #tpu.memory_space<hbm>>) target(%arg10 : memref<128xi32, #tpu.memory_space<vmem>>) target_semaphore(%arg24 : memref<!tpu.dma_semaphore, #tpu.memory_space<semaphore_mem>>)
        %dma_start3A_211 = arith.constant 0 : i32
        %dma_start3A_212 = tpu.memref_slice %arg3[%add3A_204, %dma_start3A_211] : memref<6400x128xi32, #tpu.memory_space<hbm>> -> memref<1x128xi32, #tpu.memory_space<hbm>>
        %dma_start3A_213 = tpu.memref_squeeze %dma_start3A_212 : memref<1x128xi32, #tpu.memory_space<hbm>> -> memref<128xi32, #tpu.memory_space<hbm>>
        %dma_start3A_214 = arith.constant 0 : i32
        %dma_start3A_215 = tpu.memref_slice %arg3[%add3A_204, %dma_start3A_214] : memref<6400x128xi32, #tpu.memory_space<hbm>> -> memref<1x128xi32, #tpu.memory_space<hbm>>
        %dma_start3A_216 = tpu.memref_squeeze %dma_start3A_215 : memref<1x128xi32, #tpu.memory_space<hbm>> -> memref<128xi32, #tpu.memory_space<hbm>>
        tpu.enqueue_dma source(%dma_start3A_216 : memref<128xi32, #tpu.memory_space<hbm>>) target(%arg12 : memref<128xi32, #tpu.memory_space<vmem>>) target_semaphore(%arg24 : memref<!tpu.dma_semaphore, #tpu.memory_space<semaphore_mem>>)
        %dma_start3A_217 = arith.constant 0 : i32
        %dma_start3A_218 = tpu.memref_slice %arg4[%add3A_204, %dma_start3A_217] : memref<6400x128xi32, #tpu.memory_space<hbm>> -> memref<1x128xi32, #tpu.memory_space<hbm>>
        %dma_start3A_219 = tpu.memref_squeeze %dma_start3A_218 : memref<1x128xi32, #tpu.memory_space<hbm>> -> memref<128xi32, #tpu.memory_space<hbm>>
        %dma_start3A_220 = arith.constant 0 : i32
        %dma_start3A_221 = tpu.memref_slice %arg4[%add3A_204, %dma_start3A_220] : memref<6400x128xi32, #tpu.memory_space<hbm>> -> memref<1x128xi32, #tpu.memory_space<hbm>>
        %dma_start3A_222 = tpu.memref_squeeze %dma_start3A_221 : memref<1x128xi32, #tpu.memory_space<hbm>> -> memref<128xi32, #tpu.memory_space<hbm>>
        tpu.enqueue_dma source(%dma_start3A_222 : memref<128xi32, #tpu.memory_space<hbm>>) target(%arg14 : memref<128xi32, #tpu.memory_space<vmem>>) target_semaphore(%arg24 : memref<!tpu.dma_semaphore, #tpu.memory_space<semaphore_mem>>)
      } else {
      }
      %scan3A_176 = arith.constant 0 : i32
      %scan3A_177 = arith.constant 0 : i32
      %scan3A_178 = arith.constant 16 : i32
      %scan3A_179 = arith.addi %scan3A_177, %scan3A_178 : i32
      %scan3A_180 = arith.constant 1 : i32
      scf.for %scan3A_202 = %scan3A_177 to %scan3A_179 step %scan3A_180  : i32 {
        %mul3A_203 = arith.constant 8 : i32
        %mul3A_204 = arith.muli %scan3A_202, %mul3A_203 : i32
        %add3A_205 = arith.constant 0 : i32
        %add3A_206 = arith.addi %mul3A_204, %add3A_205 : i32
        %get3A = arith.index_cast %add3A_206 : i32 to index
        %get3A_207 = arith.constant 0 : index
        %get3A_208 = tpu.vector_load %arg17[%get3A, %get3A_207] {strides = array<i32>} : memref<128x128xf32, #tpu.memory_space<vmem>>, vector<1x16xf32>,
        %get3A_209 = vector.shape_cast %get3A_208 : vector<1x16xf32> to vector<16xf32>
        %swap3A = arith.index_cast %add3A_206 : i32 to index
        %swap3A_210 = arith.constant 64 : index
        %swap3A_211 = tpu.vector_load %arg20[%swap3A, %swap3A_210] {strides = array<i32>} : memref<128x96xf32, #tpu.memory_space<vmem>>, vector<1x16xf32>,
        %swap3A_212 = vector.shape_cast %swap3A_211 : vector<1x16xf32> to vector<16xf32>
        %swap3A_213 = vector.shape_cast %get3A_209 : vector<16xf32> to vector<1x16xf32>
        tpu.vector_store %arg20[%swap3A, %swap3A_210], %swap3A_213 {strides = array<i32>} : memref<128x96xf32, #tpu.memory_space<vmem>>, vector<1x16xf32>,
        %get3A_214 = arith.index_cast %add3A_206 : i32 to index
        %get3A_215 = arith.constant 0 : index
        %get3A_216 = tpu.vector_load %arg18[%get3A_214, %get3A_215] {strides = array<i32>} : memref<128x128xf32, #tpu.memory_space<vmem>>, vector<1x16xf32>,
        %get3A_217 = vector.shape_cast %get3A_216 : vector<1x16xf32> to vector<16xf32>
        %swap3A_218 = arith.index_cast %add3A_206 : i32 to index
        %swap3A_219 = arith.constant 80 : index
        %swap3A_220 = tpu.vector_load %arg20[%swap3A_218, %swap3A_219] {strides = array<i32>} : memref<128x96xf32, #tpu.memory_space<vmem>>, vector<1x16xf32>,
        %swap3A_221 = vector.shape_cast %swap3A_220 : vector<1x16xf32> to vector<16xf32>
        %swap3A_222 = vector.shape_cast %get3A_217 : vector<16xf32> to vector<1x16xf32>
        tpu.vector_store %arg20[%swap3A_218, %swap3A_219], %swap3A_222 {strides = array<i32>} : memref<128x96xf32, #tpu.memory_space<vmem>>, vector<1x16xf32>,
        %mul3A_223 = arith.constant 8 : i32
        %mul3A_224 = arith.muli %scan3A_202, %mul3A_223 : i32
        %add3A_225 = arith.constant 1 : i32
        %add3A_226 = arith.addi %mul3A_224, %add3A_225 : i32
        %get3A_227 = arith.index_cast %add3A_226 : i32 to index
        %get3A_228 = arith.constant 0 : index
        %get3A_229 = tpu.vector_load %arg17[%get3A_227, %get3A_228] {strides = array<i32>} : memref<128x128xf32, #tpu.memory_space<vmem>>, vector<1x16xf32>,
        %get3A_230 = vector.shape_cast %get3A_229 : vector<1x16xf32> to vector<16xf32>
        %swap3A_231 = arith.index_cast %add3A_226 : i32 to index
        %swap3A_232 = arith.constant 64 : index
        %swap3A_233 = tpu.vector_load %arg20[%swap3A_231, %swap3A_232] {strides = array<i32>} : memref<128x96xf32, #tpu.memory_space<vmem>>, vector<1x16xf32>,
        %swap3A_234 = vector.shape_cast %swap3A_233 : vector<1x16xf32> to vector<16xf32>
        %swap3A_235 = vector.shape_cast %get3A_230 : vector<16xf32> to vector<1x16xf32>
        tpu.vector_store %arg20[%swap3A_231, %swap3A_232], %swap3A_235 {strides = array<i32>} : memref<128x96xf32, #tpu.memory_space<vmem>>, vector<1x16xf32>,
        %get3A_236 = arith.index_cast %add3A_226 : i32 to index
        %get3A_237 = arith.constant 0 : index
        %get3A_238 = tpu.vector_load %arg18[%get3A_236, %get3A_237] {strides = array<i32>} : memref<128x128xf32, #tpu.memory_space<vmem>>, vector<1x16xf32>,
        %get3A_239 = vector.shape_cast %get3A_238 : vector<1x16xf32> to vector<16xf32>
        %swap3A_240 = arith.index_cast %add3A_226 : i32 to index
        %swap3A_241 = arith.constant 80 : index
        %swap3A_242 = tpu.vector_load %arg20[%swap3A_240, %swap3A_241] {strides = array<i32>} : memref<128x96xf32, #tpu.memory_space<vmem>>, vector<1x16xf32>,
        %swap3A_243 = vector.shape_cast %swap3A_242 : vector<1x16xf32> to vector<16xf32>
        %swap3A_244 = vector.shape_cast %get3A_239 : vector<16xf32> to vector<1x16xf32>
        tpu.vector_store %arg20[%swap3A_240, %swap3A_241], %swap3A_244 {strides = array<i32>} : memref<128x96xf32, #tpu.memory_space<vmem>>, vector<1x16xf32>,
        %mul3A_245 = arith.constant 8 : i32
        %mul3A_246 = arith.muli %scan3A_202, %mul3A_245 : i32
        %add3A_247 = arith.constant 2 : i32
        %add3A_248 = arith.addi %mul3A_246, %add3A_247 : i32
        %get3A_249 = arith.index_cast %add3A_248 : i32 to index
        %get3A_250 = arith.constant 0 : index
        %get3A_251 = tpu.vector_load %arg17[%get3A_249, %get3A_250] {strides = array<i32>} : memref<128x128xf32, #tpu.memory_space<vmem>>, vector<1x16xf32>,
        %get3A_252 = vector.shape_cast %get3A_251 : vector<1x16xf32> to vector<16xf32>
        %swap3A_253 = arith.index_cast %add3A_248 : i32 to index
        %swap3A_254 = arith.constant 64 : index
        %swap3A_255 = tpu.vector_load %arg20[%swap3A_253, %swap3A_254] {strides = array<i32>} : memref<128x96xf32, #tpu.memory_space<vmem>>, vector<1x16xf32>,
        %swap3A_256 = vector.shape_cast %swap3A_255 : vector<1x16xf32> to vector<16xf32>
        %swap3A_257 = vector.shape_cast %get3A_252 : vector<16xf32> to vector<1x16xf32>
        tpu.vector_store %arg20[%swap3A_253, %swap3A_254], %swap3A_257 {strides = array<i32>} : memref<128x96xf32, #tpu.memory_space<vmem>>, vector<1x16xf32>,
        %get3A_258 = arith.index_cast %add3A_248 : i32 to index
        %get3A_259 = arith.constant 0 : index
        %get3A_260 = tpu.vector_load %arg18[%get3A_258, %get3A_259] {strides = array<i32>} : memref<128x128xf32, #tpu.memory_space<vmem>>, vector<1x16xf32>,
        %get3A_261 = vector.shape_cast %get3A_260 : vector<1x16xf32> to vector<16xf32>
        %swap3A_262 = arith.index_cast %add3A_248 : i32 to index
        %swap3A_263 = arith.constant 80 : index
        %swap3A_264 = tpu.vector_load %arg20[%swap3A_262, %swap3A_263] {strides = array<i32>} : memref<128x96xf32, #tpu.memory_space<vmem>>, vector<1x16xf32>,
        %swap3A_265 = vector.shape_cast %swap3A_264 : vector<1x16xf32> to vector<16xf32>
        %swap3A_266 = vector.shape_cast %get3A_261 : vector<16xf32> to vector<1x16xf32>
        tpu.vector_store %arg20[%swap3A_262, %swap3A_263], %swap3A_266 {strides = array<i32>} : memref<128x96xf32, #tpu.memory_space<vmem>>, vector<1x16xf32>,
        %mul3A_267 = arith.constant 8 : i32
        %mul3A_268 = arith.muli %scan3A_202, %mul3A_267 : i32
        %add3A_269 = arith.constant 3 : i32
        %add3A_270 = arith.addi %mul3A_268, %add3A_269 : i32
        %get3A_271 = arith.index_cast %add3A_270 : i32 to index
        %get3A_272 = arith.constant 0 : index
        %get3A_273 = tpu.vector_load %arg17[%get3A_271, %get3A_272] {strides = array<i32>} : memref<128x128xf32, #tpu.memory_space<vmem>>, vector<1x16xf32>,
        %get3A_274 = vector.shape_cast %get3A_273 : vector<1x16xf32> to vector<16xf32>
        %swap3A_275 = arith.index_cast %add3A_270 : i32 to index
        %swap3A_276 = arith.constant 64 : index
        %swap3A_277 = tpu.vector_load %arg20[%swap3A_275, %swap3A_276] {strides = array<i32>} : memref<128x96xf32, #tpu.memory_space<vmem>>, vector<1x16xf32>,
        %swap3A_278 = vector.shape_cast %swap3A_277 : vector<1x16xf32> to vector<16xf32>
        %swap3A_279 = vector.shape_cast %get3A_274 : vector<16xf32> to vector<1x16xf32>
        tpu.vector_store %arg20[%swap3A_275, %swap3A_276], %swap3A_279 {strides = array<i32>} : memref<128x96xf32, #tpu.memory_space<vmem>>, vector<1x16xf32>,
        %get3A_280 = arith.index_cast %add3A_270 : i32 to index
        %get3A_281 = arith.constant 0 : index
        %get3A_282 = tpu.vector_load %arg18[%get3A_280, %get3A_281] {strides = array<i32>} : memref<128x128xf32, #tpu.memory_space<vmem>>, vector<1x16xf32>,
        %get3A_283 = vector.shape_cast %get3A_282 : vector<1x16xf32> to vector<16xf32>
        %swap3A_284 = arith.index_cast %add3A_270 : i32 to index
        %swap3A_285 = arith.constant 80 : index
        %swap3A_286 = tpu.vector_load %arg20[%swap3A_284, %swap3A_285] {strides = array<i32>} : memref<128x96xf32, #tpu.memory_space<vmem>>, vector<1x16xf32>,
        %swap3A_287 = vector.shape_cast %swap3A_286 : vector<1x16xf32> to vector<16xf32>
        %swap3A_288 = vector.shape_cast %get3A_283 : vector<16xf32> to vector<1x16xf32>
        tpu.vector_store %arg20[%swap3A_284, %swap3A_285], %swap3A_288 {strides = array<i32>} : memref<128x96xf32, #tpu.memory_space<vmem>>, vector<1x16xf32>,
        %mul3A_289 = arith.constant 8 : i32
        %mul3A_290 = arith.muli %scan3A_202, %mul3A_289 : i32
        %add3A_291 = arith.constant 4 : i32
        %add3A_292 = arith.addi %mul3A_290, %add3A_291 : i32
        %get3A_293 = arith.index_cast %add3A_292 : i32 to index
        %get3A_294 = arith.constant 0 : index
        %get3A_295 = tpu.vector_load %arg17[%get3A_293, %get3A_294] {strides = array<i32>} : memref<128x128xf32, #tpu.memory_space<vmem>>, vector<1x16xf32>,
        %get3A_296 = vector.shape_cast %get3A_295 : vector<1x16xf32> to vector<16xf32>
        %swap3A_297 = arith.index_cast %add3A_292 : i32 to index
        %swap3A_298 = arith.constant 64 : index
        %swap3A_299 = tpu.vector_load %arg20[%swap3A_297, %swap3A_298] {strides = array<i32>} : memref<128x96xf32, #tpu.memory_space<vmem>>, vector<1x16xf32>,
        %swap3A_300 = vector.shape_cast %swap3A_299 : vector<1x16xf32> to vector<16xf32>
        %swap3A_301 = vector.shape_cast %get3A_296 : vector<16xf32> to vector<1x16xf32>
        tpu.vector_store %arg20[%swap3A_297, %swap3A_298], %swap3A_301 {strides = array<i32>} : memref<128x96xf32, #tpu.memory_space<vmem>>, vector<1x16xf32>,
        %get3A_302 = arith.index_cast %add3A_292 : i32 to index
        %get3A_303 = arith.constant 0 : index
        %get3A_304 = tpu.vector_load %arg18[%get3A_302, %get3A_303] {strides = array<i32>} : memref<128x128xf32, #tpu.memory_space<vmem>>, vector<1x16xf32>,
        %get3A_305 = vector.shape_cast %get3A_304 : vector<1x16xf32> to vector<16xf32>
        %swap3A_306 = arith.index_cast %add3A_292 : i32 to index
        %swap3A_307 = arith.constant 80 : index
        %swap3A_308 = tpu.vector_load %arg20[%swap3A_306, %swap3A_307] {strides = array<i32>} : memref<128x96xf32, #tpu.memory_space<vmem>>, vector<1x16xf32>,
        %swap3A_309 = vector.shape_cast %swap3A_308 : vector<1x16xf32> to vector<16xf32>
        %swap3A_310 = vector.shape_cast %get3A_305 : vector<16xf32> to vector<1x16xf32>
        tpu.vector_store %arg20[%swap3A_306, %swap3A_307], %swap3A_310 {strides = array<i32>} : memref<128x96xf32, #tpu.memory_space<vmem>>, vector<1x16xf32>,
        %mul3A_311 = arith.constant 8 : i32
        %mul3A_312 = arith.muli %scan3A_202, %mul3A_311 : i32
        %add3A_313 = arith.constant 5 : i32
        %add3A_314 = arith.addi %mul3A_312, %add3A_313 : i32
        %get3A_315 = arith.index_cast %add3A_314 : i32 to index
        %get3A_316 = arith.constant 0 : index
        %get3A_317 = tpu.vector_load %arg17[%get3A_315, %get3A_316] {strides = array<i32>} : memref<128x128xf32, #tpu.memory_space<vmem>>, vector<1x16xf32>,
        %get3A_318 = vector.shape_cast %get3A_317 : vector<1x16xf32> to vector<16xf32>
        %swap3A_319 = arith.index_cast %add3A_314 : i32 to index
        %swap3A_320 = arith.constant 64 : index
        %swap3A_321 = tpu.vector_load %arg20[%swap3A_319, %swap3A_320] {strides = array<i32>} : memref<128x96xf32, #tpu.memory_space<vmem>>, vector<1x16xf32>,
        %swap3A_322 = vector.shape_cast %swap3A_321 : vector<1x16xf32> to vector<16xf32>
        %swap3A_323 = vector.shape_cast %get3A_318 : vector<16xf32> to vector<1x16xf32>
        tpu.vector_store %arg20[%swap3A_319, %swap3A_320], %swap3A_323 {strides = array<i32>} : memref<128x96xf32, #tpu.memory_space<vmem>>, vector<1x16xf32>,
        %get3A_324 = arith.index_cast %add3A_314 : i32 to index
        %get3A_325 = arith.constant 0 : index
        %get3A_326 = tpu.vector_load %arg18[%get3A_324, %get3A_325] {strides = array<i32>} : memref<128x128xf32, #tpu.memory_space<vmem>>, vector<1x16xf32>,
        %get3A_327 = vector.shape_cast %get3A_326 : vector<1x16xf32> to vector<16xf32>
        %swap3A_328 = arith.index_cast %add3A_314 : i32 to index
        %swap3A_329 = arith.constant 80 : index
        %swap3A_330 = tpu.vector_load %arg20[%swap3A_328, %swap3A_329] {strides = array<i32>} : memref<128x96xf32, #tpu.memory_space<vmem>>, vector<1x16xf32>,
        %swap3A_331 = vector.shape_cast %swap3A_330 : vector<1x16xf32> to vector<16xf32>
        %swap3A_332 = vector.shape_cast %get3A_327 : vector<16xf32> to vector<1x16xf32>
        tpu.vector_store %arg20[%swap3A_328, %swap3A_329], %swap3A_332 {strides = array<i32>} : memref<128x96xf32, #tpu.memory_space<vmem>>, vector<1x16xf32>,
        %mul3A_333 = arith.constant 8 : i32
        %mul3A_334 = arith.muli %scan3A_202, %mul3A_333 : i32
        %add3A_335 = arith.constant 6 : i32
        %add3A_336 = arith.addi %mul3A_334, %add3A_335 : i32
        %get3A_337 = arith.index_cast %add3A_336 : i32 to index
        %get3A_338 = arith.constant 0 : index
        %get3A_339 = tpu.vector_load %arg17[%get3A_337, %get3A_338] {strides = array<i32>} : memref<128x128xf32, #tpu.memory_space<vmem>>, vector<1x16xf32>,
        %get3A_340 = vector.shape_cast %get3A_339 : vector<1x16xf32> to vector<16xf32>
        %swap3A_341 = arith.index_cast %add3A_336 : i32 to index
        %swap3A_342 = arith.constant 64 : index
        %swap3A_343 = tpu.vector_load %arg20[%swap3A_341, %swap3A_342] {strides = array<i32>} : memref<128x96xf32, #tpu.memory_space<vmem>>, vector<1x16xf32>,
        %swap3A_344 = vector.shape_cast %swap3A_343 : vector<1x16xf32> to vector<16xf32>
        %swap3A_345 = vector.shape_cast %get3A_340 : vector<16xf32> to vector<1x16xf32>
        tpu.vector_store %arg20[%swap3A_341, %swap3A_342], %swap3A_345 {strides = array<i32>} : memref<128x96xf32, #tpu.memory_space<vmem>>, vector<1x16xf32>,
        %get3A_346 = arith.index_cast %add3A_336 : i32 to index
        %get3A_347 = arith.constant 0 : index
        %get3A_348 = tpu.vector_load %arg18[%get3A_346, %get3A_347] {strides = array<i32>} : memref<128x128xf32, #tpu.memory_space<vmem>>, vector<1x16xf32>,
        %get3A_349 = vector.shape_cast %get3A_348 : vector<1x16xf32> to vector<16xf32>
        %swap3A_350 = arith.index_cast %add3A_336 : i32 to index
        %swap3A_351 = arith.constant 80 : index
        %swap3A_352 = tpu.vector_load %arg20[%swap3A_350, %swap3A_351] {strides = array<i32>} : memref<128x96xf32, #tpu.memory_space<vmem>>, vector<1x16xf32>,
        %swap3A_353 = vector.shape_cast %swap3A_352 : vector<1x16xf32> to vector<16xf32>
        %swap3A_354 = vector.shape_cast %get3A_349 : vector<16xf32> to vector<1x16xf32>
        tpu.vector_store %arg20[%swap3A_350, %swap3A_351], %swap3A_354 {strides = array<i32>} : memref<128x96xf32, #tpu.memory_space<vmem>>, vector<1x16xf32>,
        %mul3A_355 = arith.constant 8 : i32
        %mul3A_356 = arith.muli %scan3A_202, %mul3A_355 : i32
        %add3A_357 = arith.constant 7 : i32
        %add3A_358 = arith.addi %mul3A_356, %add3A_357 : i32
        %get3A_359 = arith.index_cast %add3A_358 : i32 to index
        %get3A_360 = arith.constant 0 : index
        %get3A_361 = tpu.vector_load %arg17[%get3A_359, %get3A_360] {strides = array<i32>} : memref<128x128xf32, #tpu.memory_space<vmem>>, vector<1x16xf32>,
        %get3A_362 = vector.shape_cast %get3A_361 : vector<1x16xf32> to vector<16xf32>
        %swap3A_363 = arith.index_cast %add3A_358 : i32 to index
        %swap3A_364 = arith.constant 64 : index
        %swap3A_365 = tpu.vector_load %arg20[%swap3A_363, %swap3A_364] {strides = array<i32>} : memref<128x96xf32, #tpu.memory_space<vmem>>, vector<1x16xf32>,
        %swap3A_366 = vector.shape_cast %swap3A_365 : vector<1x16xf32> to vector<16xf32>
        %swap3A_367 = vector.shape_cast %get3A_362 : vector<16xf32> to vector<1x16xf32>
        tpu.vector_store %arg20[%swap3A_363, %swap3A_364], %swap3A_367 {strides = array<i32>} : memref<128x96xf32, #tpu.memory_space<vmem>>, vector<1x16xf32>,
        %get3A_368 = arith.index_cast %add3A_358 : i32 to index
        %get3A_369 = arith.constant 0 : index
        %get3A_370 = tpu.vector_load %arg18[%get3A_368, %get3A_369] {strides = array<i32>} : memref<128x128xf32, #tpu.memory_space<vmem>>, vector<1x16xf32>,
        %get3A_371 = vector.shape_cast %get3A_370 : vector<1x16xf32> to vector<16xf32>
        %swap3A_372 = arith.index_cast %add3A_358 : i32 to index
        %swap3A_373 = arith.constant 80 : index
        %swap3A_374 = tpu.vector_load %arg20[%swap3A_372, %swap3A_373] {strides = array<i32>} : memref<128x96xf32, #tpu.memory_space<vmem>>, vector<1x16xf32>,
        %swap3A_375 = vector.shape_cast %swap3A_374 : vector<1x16xf32> to vector<16xf32>
        %swap3A_376 = vector.shape_cast %get3A_371 : vector<16xf32> to vector<1x16xf32>
        tpu.vector_store %arg20[%swap3A_372, %swap3A_373], %swap3A_376 {strides = array<i32>} : memref<128x96xf32, #tpu.memory_space<vmem>>, vector<1x16xf32>,
      }
      %scan3A_181 = arith.constant 16 : i32
      %add3A_182 = arith.constant 1 : i32
      %add3A_183 = arith.addi %add3A_147, %add3A_182 : i32
      %lt3A_184 = arith.constant 200 : i32
      %lt3A_185 = arith.cmpi slt, %add3A_183, %lt3A_184 : i32
      %convert_element_type3A_186 = arith.extui %lt3A_185 : i1 to i32
      %cond3A_187 = arith.constant 0 : i32
      %cond3A_188 = arith.cmpi ne, %convert_element_type3A_186, %cond3A_187 : i32
      scf.if %cond3A_188 {
        %add3A_202 = arith.constant 1 : i32
        %add3A_203 = arith.addi %add3A_147, %add3A_202 : i32
        %dma_start3A_204 = arith.constant 0 : i32
        %dma_start3A_205 = arith.constant 0 : i32
        %dma_start3A_206 = tpu.memref_slice %arg21[%dma_start3A_204, %dma_start3A_205] : memref<512x128xf32, #tpu.memory_space<vmem_shared>> -> memref<512x128xf32, #tpu.memory_space<vmem_shared>>
        tpu.enqueue_indirect_dma source(%dma_start3A_206 : memref<512x128xf32, #tpu.memory_space<vmem_shared>>) target(%arg17 : memref<128x128xf32, #tpu.memory_space<vmem>>) offsets(%arg11 : memref<128xi32, #tpu.memory_space<vmem>>) semaphore(%arg27 : memref<!tpu.dma_semaphore, #tpu.memory_space<semaphore_mem>>)
        %dma_start3A_207 = arith.constant 0 : i32
        %dma_start3A_208 = arith.constant 0 : i32
        %dma_start3A_209 = tpu.memref_slice %arg22[%dma_start3A_207, %dma_start3A_208] : memref<512x128xf32, #tpu.memory_space<vmem_shared>> -> memref<512x128xf32, #tpu.memory_space<vmem_shared>>
        tpu.enqueue_indirect_dma source(%dma_start3A_209 : memref<512x128xf32, #tpu.memory_space<vmem_shared>>) target(%arg18 : memref<128x128xf32, #tpu.memory_space<vmem>>) offsets(%arg13 : memref<128xi32, #tpu.memory_space<vmem>>) semaphore(%arg27 : memref<!tpu.dma_semaphore, #tpu.memory_space<semaphore_mem>>)
      } else {
      }
      %scan3A_189 = arith.constant 0 : i32
      %scan3A_190 = arith.constant 0 : i32
      %scan3A_191 = arith.constant 16 : i32
      %scan3A_192 = arith.addi %scan3A_190, %scan3A_191 : i32
      %scan3A_193 = arith.constant 1 : i32
      scf.for %scan3A_202 = %scan3A_190 to %scan3A_192 step %scan3A_193  : i32 {
        %mul3A_203 = arith.constant 8 : i32
        %mul3A_204 = arith.muli %scan3A_202, %mul3A_203 : i32
        %add3A_205 = arith.constant 0 : i32
        %add3A_206 = arith.addi %mul3A_204, %add3A_205 : i32
        %get3A = arith.index_cast %add3A_206 : i32 to index
        %get3A_207 = arith.constant 0 : index
        %get3A_208 = tpu.vector_load %arg16[%get3A, %get3A_207] {strides = array<i32>} : memref<128x128xf32, #tpu.memory_space<vmem>>, vector<1x16xf32>,
        %get3A_209 = vector.shape_cast %get3A_208 : vector<1x16xf32> to vector<16xf32>
        %swap3A = arith.index_cast %add3A_206 : i32 to index
        %swap3A_210 = arith.constant 0 : index
        %swap3A_211 = tpu.vector_load %arg20[%swap3A, %swap3A_210] {strides = array<i32>} : memref<128x96xf32, #tpu.memory_space<vmem>>, vector<1x16xf32>,
        %swap3A_212 = vector.shape_cast %swap3A_211 : vector<1x16xf32> to vector<16xf32>
        %swap3A_213 = vector.shape_cast %get3A_209 : vector<16xf32> to vector<1x16xf32>
        tpu.vector_store %arg20[%swap3A, %swap3A_210], %swap3A_213 {strides = array<i32>} : memref<128x96xf32, #tpu.memory_space<vmem>>, vector<1x16xf32>,
        %get3A_214 = arith.index_cast %add3A_206 : i32 to index
        %get3A_215 = arith.constant 16 : index
        %get3A_216 = tpu.vector_load %arg16[%get3A_214, %get3A_215] {strides = array<i32>} : memref<128x128xf32, #tpu.memory_space<vmem>>, vector<1x16xf32>,
        %get3A_217 = vector.shape_cast %get3A_216 : vector<1x16xf32> to vector<16xf32>
        %swap3A_218 = arith.index_cast %add3A_206 : i32 to index
        %swap3A_219 = arith.constant 16 : index
        %swap3A_220 = tpu.vector_load %arg20[%swap3A_218, %swap3A_219] {strides = array<i32>} : memref<128x96xf32, #tpu.memory_space<vmem>>, vector<1x16xf32>,
        %swap3A_221 = vector.shape_cast %swap3A_220 : vector<1x16xf32> to vector<16xf32>
        %swap3A_222 = vector.shape_cast %get3A_217 : vector<16xf32> to vector<1x16xf32>
        tpu.vector_store %arg20[%swap3A_218, %swap3A_219], %swap3A_222 {strides = array<i32>} : memref<128x96xf32, #tpu.memory_space<vmem>>, vector<1x16xf32>,
        %get3A_223 = arith.index_cast %add3A_206 : i32 to index
        %get3A_224 = arith.constant 32 : index
        %get3A_225 = tpu.vector_load %arg16[%get3A_223, %get3A_224] {strides = array<i32>} : memref<128x128xf32, #tpu.memory_space<vmem>>, vector<1x16xf32>,
        %get3A_226 = vector.shape_cast %get3A_225 : vector<1x16xf32> to vector<16xf32>
        %swap3A_227 = arith.index_cast %add3A_206 : i32 to index
        %swap3A_228 = arith.constant 32 : index
        %swap3A_229 = tpu.vector_load %arg20[%swap3A_227, %swap3A_228] {strides = array<i32>} : memref<128x96xf32, #tpu.memory_space<vmem>>, vector<1x16xf32>,
        %swap3A_230 = vector.shape_cast %swap3A_229 : vector<1x16xf32> to vector<16xf32>
        %swap3A_231 = vector.shape_cast %get3A_226 : vector<16xf32> to vector<1x16xf32>
        tpu.vector_store %arg20[%swap3A_227, %swap3A_228], %swap3A_231 {strides = array<i32>} : memref<128x96xf32, #tpu.memory_space<vmem>>, vector<1x16xf32>,
        %get3A_232 = arith.index_cast %add3A_206 : i32 to index
        %get3A_233 = arith.constant 48 : index
        %get3A_234 = tpu.vector_load %arg16[%get3A_232, %get3A_233] {strides = array<i32>} : memref<128x128xf32, #tpu.memory_space<vmem>>, vector<1x16xf32>,
        %get3A_235 = vector.shape_cast %get3A_234 : vector<1x16xf32> to vector<16xf32>
        %swap3A_236 = arith.index_cast %add3A_206 : i32 to index
        %swap3A_237 = arith.constant 48 : index
        %swap3A_238 = tpu.vector_load %arg20[%swap3A_236, %swap3A_237] {strides = array<i32>} : memref<128x96xf32, #tpu.memory_space<vmem>>, vector<1x16xf32>,
        %swap3A_239 = vector.shape_cast %swap3A_238 : vector<1x16xf32> to vector<16xf32>
        %swap3A_240 = vector.shape_cast %get3A_235 : vector<16xf32> to vector<1x16xf32>
        tpu.vector_store %arg20[%swap3A_236, %swap3A_237], %swap3A_240 {strides = array<i32>} : memref<128x96xf32, #tpu.memory_space<vmem>>, vector<1x16xf32>,
        %mul3A_241 = arith.constant 8 : i32
        %mul3A_242 = arith.muli %scan3A_202, %mul3A_241 : i32
        %add3A_243 = arith.constant 1 : i32
        %add3A_244 = arith.addi %mul3A_242, %add3A_243 : i32
        %get3A_245 = arith.index_cast %add3A_244 : i32 to index
        %get3A_246 = arith.constant 0 : index
        %get3A_247 = tpu.vector_load %arg16[%get3A_245, %get3A_246] {strides = array<i32>} : memref<128x128xf32, #tpu.memory_space<vmem>>, vector<1x16xf32>,
        %get3A_248 = vector.shape_cast %get3A_247 : vector<1x16xf32> to vector<16xf32>
        %swap3A_249 = arith.index_cast %add3A_244 : i32 to index
        %swap3A_250 = arith.constant 0 : index
        %swap3A_251 = tpu.vector_load %arg20[%swap3A_249, %swap3A_250] {strides = array<i32>} : memref<128x96xf32, #tpu.memory_space<vmem>>, vector<1x16xf32>,
        %swap3A_252 = vector.shape_cast %swap3A_251 : vector<1x16xf32> to vector<16xf32>
        %swap3A_253 = vector.shape_cast %get3A_248 : vector<16xf32> to vector<1x16xf32>
        tpu.vector_store %arg20[%swap3A_249, %swap3A_250], %swap3A_253 {strides = array<i32>} : memref<128x96xf32, #tpu.memory_space<vmem>>, vector<1x16xf32>,
        %get3A_254 = arith.index_cast %add3A_244 : i32 to index
        %get3A_255 = arith.constant 16 : index
        %get3A_256 = tpu.vector_load %arg16[%get3A_254, %get3A_255] {strides = array<i32>} : memref<128x128xf32, #tpu.memory_space<vmem>>, vector<1x16xf32>,
        %get3A_257 = vector.shape_cast %get3A_256 : vector<1x16xf32> to vector<16xf32>
        %swap3A_258 = arith.index_cast %add3A_244 : i32 to index
        %swap3A_259 = arith.constant 16 : index
        %swap3A_260 = tpu.vector_load %arg20[%swap3A_258, %swap3A_259] {strides = array<i32>} : memref<128x96xf32, #tpu.memory_space<vmem>>, vector<1x16xf32>,
        %swap3A_261 = vector.shape_cast %swap3A_260 : vector<1x16xf32> to vector<16xf32>
        %swap3A_262 = vector.shape_cast %get3A_257 : vector<16xf32> to vector<1x16xf32>
        tpu.vector_store %arg20[%swap3A_258, %swap3A_259], %swap3A_262 {strides = array<i32>} : memref<128x96xf32, #tpu.memory_space<vmem>>, vector<1x16xf32>,
        %get3A_263 = arith.index_cast %add3A_244 : i32 to index
        %get3A_264 = arith.constant 32 : index
        %get3A_265 = tpu.vector_load %arg16[%get3A_263, %get3A_264] {strides = array<i32>} : memref<128x128xf32, #tpu.memory_space<vmem>>, vector<1x16xf32>,
        %get3A_266 = vector.shape_cast %get3A_265 : vector<1x16xf32> to vector<16xf32>
        %swap3A_267 = arith.index_cast %add3A_244 : i32 to index
        %swap3A_268 = arith.constant 32 : index
        %swap3A_269 = tpu.vector_load %arg20[%swap3A_267, %swap3A_268] {strides = array<i32>} : memref<128x96xf32, #tpu.memory_space<vmem>>, vector<1x16xf32>,
        %swap3A_270 = vector.shape_cast %swap3A_269 : vector<1x16xf32> to vector<16xf32>
        %swap3A_271 = vector.shape_cast %get3A_266 : vector<16xf32> to vector<1x16xf32>
        tpu.vector_store %arg20[%swap3A_267, %swap3A_268], %swap3A_271 {strides = array<i32>} : memref<128x96xf32, #tpu.memory_space<vmem>>, vector<1x16xf32>,
        %get3A_272 = arith.index_cast %add3A_244 : i32 to index
        %get3A_273 = arith.constant 48 : index
        %get3A_274 = tpu.vector_load %arg16[%get3A_272, %get3A_273] {strides = array<i32>} : memref<128x128xf32, #tpu.memory_space<vmem>>, vector<1x16xf32>,
        %get3A_275 = vector.shape_cast %get3A_274 : vector<1x16xf32> to vector<16xf32>
        %swap3A_276 = arith.index_cast %add3A_244 : i32 to index
        %swap3A_277 = arith.constant 48 : index
        %swap3A_278 = tpu.vector_load %arg20[%swap3A_276, %swap3A_277] {strides = array<i32>} : memref<128x96xf32, #tpu.memory_space<vmem>>, vector<1x16xf32>,
        %swap3A_279 = vector.shape_cast %swap3A_278 : vector<1x16xf32> to vector<16xf32>
        %swap3A_280 = vector.shape_cast %get3A_275 : vector<16xf32> to vector<1x16xf32>
        tpu.vector_store %arg20[%swap3A_276, %swap3A_277], %swap3A_280 {strides = array<i32>} : memref<128x96xf32, #tpu.memory_space<vmem>>, vector<1x16xf32>,
        %mul3A_281 = arith.constant 8 : i32
        %mul3A_282 = arith.muli %scan3A_202, %mul3A_281 : i32
        %add3A_283 = arith.constant 2 : i32
        %add3A_284 = arith.addi %mul3A_282, %add3A_283 : i32
        %get3A_285 = arith.index_cast %add3A_284 : i32 to index
        %get3A_286 = arith.constant 0 : index
        %get3A_287 = tpu.vector_load %arg16[%get3A_285, %get3A_286] {strides = array<i32>} : memref<128x128xf32, #tpu.memory_space<vmem>>, vector<1x16xf32>,
        %get3A_288 = vector.shape_cast %get3A_287 : vector<1x16xf32> to vector<16xf32>
        %swap3A_289 = arith.index_cast %add3A_284 : i32 to index
        %swap3A_290 = arith.constant 0 : index
        %swap3A_291 = tpu.vector_load %arg20[%swap3A_289, %swap3A_290] {strides = array<i32>} : memref<128x96xf32, #tpu.memory_space<vmem>>, vector<1x16xf32>,
        %swap3A_292 = vector.shape_cast %swap3A_291 : vector<1x16xf32> to vector<16xf32>
        %swap3A_293 = vector.shape_cast %get3A_288 : vector<16xf32> to vector<1x16xf32>
        tpu.vector_store %arg20[%swap3A_289, %swap3A_290], %swap3A_293 {strides = array<i32>} : memref<128x96xf32, #tpu.memory_space<vmem>>, vector<1x16xf32>,
        %get3A_294 = arith.index_cast %add3A_284 : i32 to index
        %get3A_295 = arith.constant 16 : index
        %get3A_296 = tpu.vector_load %arg16[%get3A_294, %get3A_295] {strides = array<i32>} : memref<128x128xf32, #tpu.memory_space<vmem>>, vector<1x16xf32>,
        %get3A_297 = vector.shape_cast %get3A_296 : vector<1x16xf32> to vector<16xf32>
        %swap3A_298 = arith.index_cast %add3A_284 : i32 to index
        %swap3A_299 = arith.constant 16 : index
        %swap3A_300 = tpu.vector_load %arg20[%swap3A_298, %swap3A_299] {strides = array<i32>} : memref<128x96xf32, #tpu.memory_space<vmem>>, vector<1x16xf32>,
        %swap3A_301 = vector.shape_cast %swap3A_300 : vector<1x16xf32> to vector<16xf32>
        %swap3A_302 = vector.shape_cast %get3A_297 : vector<16xf32> to vector<1x16xf32>
        tpu.vector_store %arg20[%swap3A_298, %swap3A_299], %swap3A_302 {strides = array<i32>} : memref<128x96xf32, #tpu.memory_space<vmem>>, vector<1x16xf32>,
        %get3A_303 = arith.index_cast %add3A_284 : i32 to index
        %get3A_304 = arith.constant 32 : index
        %get3A_305 = tpu.vector_load %arg16[%get3A_303, %get3A_304] {strides = array<i32>} : memref<128x128xf32, #tpu.memory_space<vmem>>, vector<1x16xf32>,
        %get3A_306 = vector.shape_cast %get3A_305 : vector<1x16xf32> to vector<16xf32>
        %swap3A_307 = arith.index_cast %add3A_284 : i32 to index
        %swap3A_308 = arith.constant 32 : index
        %swap3A_309 = tpu.vector_load %arg20[%swap3A_307, %swap3A_308] {strides = array<i32>} : memref<128x96xf32, #tpu.memory_space<vmem>>, vector<1x16xf32>,
        %swap3A_310 = vector.shape_cast %swap3A_309 : vector<1x16xf32> to vector<16xf32>
        %swap3A_311 = vector.shape_cast %get3A_306 : vector<16xf32> to vector<1x16xf32>
        tpu.vector_store %arg20[%swap3A_307, %swap3A_308], %swap3A_311 {strides = array<i32>} : memref<128x96xf32, #tpu.memory_space<vmem>>, vector<1x16xf32>,
        %get3A_312 = arith.index_cast %add3A_284 : i32 to index
        %get3A_313 = arith.constant 48 : index
        %get3A_314 = tpu.vector_load %arg16[%get3A_312, %get3A_313] {strides = array<i32>} : memref<128x128xf32, #tpu.memory_space<vmem>>, vector<1x16xf32>,
        %get3A_315 = vector.shape_cast %get3A_314 : vector<1x16xf32> to vector<16xf32>
        %swap3A_316 = arith.index_cast %add3A_284 : i32 to index
        %swap3A_317 = arith.constant 48 : index
        %swap3A_318 = tpu.vector_load %arg20[%swap3A_316, %swap3A_317] {strides = array<i32>} : memref<128x96xf32, #tpu.memory_space<vmem>>, vector<1x16xf32>,
        %swap3A_319 = vector.shape_cast %swap3A_318 : vector<1x16xf32> to vector<16xf32>
        %swap3A_320 = vector.shape_cast %get3A_315 : vector<16xf32> to vector<1x16xf32>
        tpu.vector_store %arg20[%swap3A_316, %swap3A_317], %swap3A_320 {strides = array<i32>} : memref<128x96xf32, #tpu.memory_space<vmem>>, vector<1x16xf32>,
        %mul3A_321 = arith.constant 8 : i32
        %mul3A_322 = arith.muli %scan3A_202, %mul3A_321 : i32
        %add3A_323 = arith.constant 3 : i32
        %add3A_324 = arith.addi %mul3A_322, %add3A_323 : i32
        %get3A_325 = arith.index_cast %add3A_324 : i32 to index
        %get3A_326 = arith.constant 0 : index
        %get3A_327 = tpu.vector_load %arg16[%get3A_325, %get3A_326] {strides = array<i32>} : memref<128x128xf32, #tpu.memory_space<vmem>>, vector<1x16xf32>,
        %get3A_328 = vector.shape_cast %get3A_327 : vector<1x16xf32> to vector<16xf32>
        %swap3A_329 = arith.index_cast %add3A_324 : i32 to index
        %swap3A_330 = arith.constant 0 : index
        %swap3A_331 = tpu.vector_load %arg20[%swap3A_329, %swap3A_330] {strides = array<i32>} : memref<128x96xf32, #tpu.memory_space<vmem>>, vector<1x16xf32>,
        %swap3A_332 = vector.shape_cast %swap3A_331 : vector<1x16xf32> to vector<16xf32>
        %swap3A_333 = vector.shape_cast %get3A_328 : vector<16xf32> to vector<1x16xf32>
        tpu.vector_store %arg20[%swap3A_329, %swap3A_330], %swap3A_333 {strides = array<i32>} : memref<128x96xf32, #tpu.memory_space<vmem>>, vector<1x16xf32>,
        %get3A_334 = arith.index_cast %add3A_324 : i32 to index
        %get3A_335 = arith.constant 16 : index
        %get3A_336 = tpu.vector_load %arg16[%get3A_334, %get3A_335] {strides = array<i32>} : memref<128x128xf32, #tpu.memory_space<vmem>>, vector<1x16xf32>,
        %get3A_337 = vector.shape_cast %get3A_336 : vector<1x16xf32> to vector<16xf32>
        %swap3A_338 = arith.index_cast %add3A_324 : i32 to index
        %swap3A_339 = arith.constant 16 : index
        %swap3A_340 = tpu.vector_load %arg20[%swap3A_338, %swap3A_339] {strides = array<i32>} : memref<128x96xf32, #tpu.memory_space<vmem>>, vector<1x16xf32>,
        %swap3A_341 = vector.shape_cast %swap3A_340 : vector<1x16xf32> to vector<16xf32>
        %swap3A_342 = vector.shape_cast %get3A_337 : vector<16xf32> to vector<1x16xf32>
        tpu.vector_store %arg20[%swap3A_338, %swap3A_339], %swap3A_342 {strides = array<i32>} : memref<128x96xf32, #tpu.memory_space<vmem>>, vector<1x16xf32>,
        %get3A_343 = arith.index_cast %add3A_324 : i32 to index
        %get3A_344 = arith.constant 32 : index
        %get3A_345 = tpu.vector_load %arg16[%get3A_343, %get3A_344] {strides = array<i32>} : memref<128x128xf32, #tpu.memory_space<vmem>>, vector<1x16xf32>,
        %get3A_346 = vector.shape_cast %get3A_345 : vector<1x16xf32> to vector<16xf32>
        %swap3A_347 = arith.index_cast %add3A_324 : i32 to index
        %swap3A_348 = arith.constant 32 : index
        %swap3A_349 = tpu.vector_load %arg20[%swap3A_347, %swap3A_348] {strides = array<i32>} : memref<128x96xf32, #tpu.memory_space<vmem>>, vector<1x16xf32>,
        %swap3A_350 = vector.shape_cast %swap3A_349 : vector<1x16xf32> to vector<16xf32>
        %swap3A_351 = vector.shape_cast %get3A_346 : vector<16xf32> to vector<1x16xf32>
        tpu.vector_store %arg20[%swap3A_347, %swap3A_348], %swap3A_351 {strides = array<i32>} : memref<128x96xf32, #tpu.memory_space<vmem>>, vector<1x16xf32>,
        %get3A_352 = arith.index_cast %add3A_324 : i32 to index
        %get3A_353 = arith.constant 48 : index
        %get3A_354 = tpu.vector_load %arg16[%get3A_352, %get3A_353] {strides = array<i32>} : memref<128x128xf32, #tpu.memory_space<vmem>>, vector<1x16xf32>,
        %get3A_355 = vector.shape_cast %get3A_354 : vector<1x16xf32> to vector<16xf32>
        %swap3A_356 = arith.index_cast %add3A_324 : i32 to index
        %swap3A_357 = arith.constant 48 : index
        %swap3A_358 = tpu.vector_load %arg20[%swap3A_356, %swap3A_357] {strides = array<i32>} : memref<128x96xf32, #tpu.memory_space<vmem>>, vector<1x16xf32>,
        %swap3A_359 = vector.shape_cast %swap3A_358 : vector<1x16xf32> to vector<16xf32>
        %swap3A_360 = vector.shape_cast %get3A_355 : vector<16xf32> to vector<1x16xf32>
        tpu.vector_store %arg20[%swap3A_356, %swap3A_357], %swap3A_360 {strides = array<i32>} : memref<128x96xf32, #tpu.memory_space<vmem>>, vector<1x16xf32>,
        %mul3A_361 = arith.constant 8 : i32
        %mul3A_362 = arith.muli %scan3A_202, %mul3A_361 : i32
        %add3A_363 = arith.constant 4 : i32
        %add3A_364 = arith.addi %mul3A_362, %add3A_363 : i32
        %get3A_365 = arith.index_cast %add3A_364 : i32 to index
        %get3A_366 = arith.constant 0 : index
        %get3A_367 = tpu.vector_load %arg16[%get3A_365, %get3A_366] {strides = array<i32>} : memref<128x128xf32, #tpu.memory_space<vmem>>, vector<1x16xf32>,
        %get3A_368 = vector.shape_cast %get3A_367 : vector<1x16xf32> to vector<16xf32>
        %swap3A_369 = arith.index_cast %add3A_364 : i32 to index
        %swap3A_370 = arith.constant 0 : index
        %swap3A_371 = tpu.vector_load %arg20[%swap3A_369, %swap3A_370] {strides = array<i32>} : memref<128x96xf32, #tpu.memory_space<vmem>>, vector<1x16xf32>,
        %swap3A_372 = vector.shape_cast %swap3A_371 : vector<1x16xf32> to vector<16xf32>
        %swap3A_373 = vector.shape_cast %get3A_368 : vector<16xf32> to vector<1x16xf32>
        tpu.vector_store %arg20[%swap3A_369, %swap3A_370], %swap3A_373 {strides = array<i32>} : memref<128x96xf32, #tpu.memory_space<vmem>>, vector<1x16xf32>,
        %get3A_374 = arith.index_cast %add3A_364 : i32 to index
        %get3A_375 = arith.constant 16 : index
        %get3A_376 = tpu.vector_load %arg16[%get3A_374, %get3A_375] {strides = array<i32>} : memref<128x128xf32, #tpu.memory_space<vmem>>, vector<1x16xf32>,
        %get3A_377 = vector.shape_cast %get3A_376 : vector<1x16xf32> to vector<16xf32>
        %swap3A_378 = arith.index_cast %add3A_364 : i32 to index
        %swap3A_379 = arith.constant 16 : index
        %swap3A_380 = tpu.vector_load %arg20[%swap3A_378, %swap3A_379] {strides = array<i32>} : memref<128x96xf32, #tpu.memory_space<vmem>>, vector<1x16xf32>,
        %swap3A_381 = vector.shape_cast %swap3A_380 : vector<1x16xf32> to vector<16xf32>
        %swap3A_382 = vector.shape_cast %get3A_377 : vector<16xf32> to vector<1x16xf32>
        tpu.vector_store %arg20[%swap3A_378, %swap3A_379], %swap3A_382 {strides = array<i32>} : memref<128x96xf32, #tpu.memory_space<vmem>>, vector<1x16xf32>,
        %get3A_383 = arith.index_cast %add3A_364 : i32 to index
        %get3A_384 = arith.constant 32 : index
        %get3A_385 = tpu.vector_load %arg16[%get3A_383, %get3A_384] {strides = array<i32>} : memref<128x128xf32, #tpu.memory_space<vmem>>, vector<1x16xf32>,
        %get3A_386 = vector.shape_cast %get3A_385 : vector<1x16xf32> to vector<16xf32>
        %swap3A_387 = arith.index_cast %add3A_364 : i32 to index
        %swap3A_388 = arith.constant 32 : index
        %swap3A_389 = tpu.vector_load %arg20[%swap3A_387, %swap3A_388] {strides = array<i32>} : memref<128x96xf32, #tpu.memory_space<vmem>>, vector<1x16xf32>,
        %swap3A_390 = vector.shape_cast %swap3A_389 : vector<1x16xf32> to vector<16xf32>
        %swap3A_391 = vector.shape_cast %get3A_386 : vector<16xf32> to vector<1x16xf32>
        tpu.vector_store %arg20[%swap3A_387, %swap3A_388], %swap3A_391 {strides = array<i32>} : memref<128x96xf32, #tpu.memory_space<vmem>>, vector<1x16xf32>,
        %get3A_392 = arith.index_cast %add3A_364 : i32 to index
        %get3A_393 = arith.constant 48 : index
        %get3A_394 = tpu.vector_load %arg16[%get3A_392, %get3A_393] {strides = array<i32>} : memref<128x128xf32, #tpu.memory_space<vmem>>, vector<1x16xf32>,
        %get3A_395 = vector.shape_cast %get3A_394 : vector<1x16xf32> to vector<16xf32>
        %swap3A_396 = arith.index_cast %add3A_364 : i32 to index
        %swap3A_397 = arith.constant 48 : index
        %swap3A_398 = tpu.vector_load %arg20[%swap3A_396, %swap3A_397] {strides = array<i32>} : memref<128x96xf32, #tpu.memory_space<vmem>>, vector<1x16xf32>,
        %swap3A_399 = vector.shape_cast %swap3A_398 : vector<1x16xf32> to vector<16xf32>
        %swap3A_400 = vector.shape_cast %get3A_395 : vector<16xf32> to vector<1x16xf32>
        tpu.vector_store %arg20[%swap3A_396, %swap3A_397], %swap3A_400 {strides = array<i32>} : memref<128x96xf32, #tpu.memory_space<vmem>>, vector<1x16xf32>,
        %mul3A_401 = arith.constant 8 : i32
        %mul3A_402 = arith.muli %scan3A_202, %mul3A_401 : i32
        %add3A_403 = arith.constant 5 : i32
        %add3A_404 = arith.addi %mul3A_402, %add3A_403 : i32
        %get3A_405 = arith.index_cast %add3A_404 : i32 to index
        %get3A_406 = arith.constant 0 : index
        %get3A_407 = tpu.vector_load %arg16[%get3A_405, %get3A_406] {strides = array<i32>} : memref<128x128xf32, #tpu.memory_space<vmem>>, vector<1x16xf32>,
        %get3A_408 = vector.shape_cast %get3A_407 : vector<1x16xf32> to vector<16xf32>
        %swap3A_409 = arith.index_cast %add3A_404 : i32 to index
        %swap3A_410 = arith.constant 0 : index
        %swap3A_411 = tpu.vector_load %arg20[%swap3A_409, %swap3A_410] {strides = array<i32>} : memref<128x96xf32, #tpu.memory_space<vmem>>, vector<1x16xf32>,
        %swap3A_412 = vector.shape_cast %swap3A_411 : vector<1x16xf32> to vector<16xf32>
        %swap3A_413 = vector.shape_cast %get3A_408 : vector<16xf32> to vector<1x16xf32>
        tpu.vector_store %arg20[%swap3A_409, %swap3A_410], %swap3A_413 {strides = array<i32>} : memref<128x96xf32, #tpu.memory_space<vmem>>, vector<1x16xf32>,
        %get3A_414 = arith.index_cast %add3A_404 : i32 to index
        %get3A_415 = arith.constant 16 : index
        %get3A_416 = tpu.vector_load %arg16[%get3A_414, %get3A_415] {strides = array<i32>} : memref<128x128xf32, #tpu.memory_space<vmem>>, vector<1x16xf32>,
        %get3A_417 = vector.shape_cast %get3A_416 : vector<1x16xf32> to vector<16xf32>
        %swap3A_418 = arith.index_cast %add3A_404 : i32 to index
        %swap3A_419 = arith.constant 16 : index
        %swap3A_420 = tpu.vector_load %arg20[%swap3A_418, %swap3A_419] {strides = array<i32>} : memref<128x96xf32, #tpu.memory_space<vmem>>, vector<1x16xf32>,
        %swap3A_421 = vector.shape_cast %swap3A_420 : vector<1x16xf32> to vector<16xf32>
        %swap3A_422 = vector.shape_cast %get3A_417 : vector<16xf32> to vector<1x16xf32>
        tpu.vector_store %arg20[%swap3A_418, %swap3A_419], %swap3A_422 {strides = array<i32>} : memref<128x96xf32, #tpu.memory_space<vmem>>, vector<1x16xf32>,
        %get3A_423 = arith.index_cast %add3A_404 : i32 to index
        %get3A_424 = arith.constant 32 : index
        %get3A_425 = tpu.vector_load %arg16[%get3A_423, %get3A_424] {strides = array<i32>} : memref<128x128xf32, #tpu.memory_space<vmem>>, vector<1x16xf32>,
        %get3A_426 = vector.shape_cast %get3A_425 : vector<1x16xf32> to vector<16xf32>
        %swap3A_427 = arith.index_cast %add3A_404 : i32 to index
        %swap3A_428 = arith.constant 32 : index
        %swap3A_429 = tpu.vector_load %arg20[%swap3A_427, %swap3A_428] {strides = array<i32>} : memref<128x96xf32, #tpu.memory_space<vmem>>, vector<1x16xf32>,
        %swap3A_430 = vector.shape_cast %swap3A_429 : vector<1x16xf32> to vector<16xf32>
        %swap3A_431 = vector.shape_cast %get3A_426 : vector<16xf32> to vector<1x16xf32>
        tpu.vector_store %arg20[%swap3A_427, %swap3A_428], %swap3A_431 {strides = array<i32>} : memref<128x96xf32, #tpu.memory_space<vmem>>, vector<1x16xf32>,
        %get3A_432 = arith.index_cast %add3A_404 : i32 to index
        %get3A_433 = arith.constant 48 : index
        %get3A_434 = tpu.vector_load %arg16[%get3A_432, %get3A_433] {strides = array<i32>} : memref<128x128xf32, #tpu.memory_space<vmem>>, vector<1x16xf32>,
        %get3A_435 = vector.shape_cast %get3A_434 : vector<1x16xf32> to vector<16xf32>
        %swap3A_436 = arith.index_cast %add3A_404 : i32 to index
        %swap3A_437 = arith.constant 48 : index
        %swap3A_438 = tpu.vector_load %arg20[%swap3A_436, %swap3A_437] {strides = array<i32>} : memref<128x96xf32, #tpu.memory_space<vmem>>, vector<1x16xf32>,
        %swap3A_439 = vector.shape_cast %swap3A_438 : vector<1x16xf32> to vector<16xf32>
        %swap3A_440 = vector.shape_cast %get3A_435 : vector<16xf32> to vector<1x16xf32>
        tpu.vector_store %arg20[%swap3A_436, %swap3A_437], %swap3A_440 {strides = array<i32>} : memref<128x96xf32, #tpu.memory_space<vmem>>, vector<1x16xf32>,
        %mul3A_441 = arith.constant 8 : i32
        %mul3A_442 = arith.muli %scan3A_202, %mul3A_441 : i32
        %add3A_443 = arith.constant 6 : i32
        %add3A_444 = arith.addi %mul3A_442, %add3A_443 : i32
        %get3A_445 = arith.index_cast %add3A_444 : i32 to index
        %get3A_446 = arith.constant 0 : index
        %get3A_447 = tpu.vector_load %arg16[%get3A_445, %get3A_446] {strides = array<i32>} : memref<128x128xf32, #tpu.memory_space<vmem>>, vector<1x16xf32>,
        %get3A_448 = vector.shape_cast %get3A_447 : vector<1x16xf32> to vector<16xf32>
        %swap3A_449 = arith.index_cast %add3A_444 : i32 to index
        %swap3A_450 = arith.constant 0 : index
        %swap3A_451 = tpu.vector_load %arg20[%swap3A_449, %swap3A_450] {strides = array<i32>} : memref<128x96xf32, #tpu.memory_space<vmem>>, vector<1x16xf32>,
        %swap3A_452 = vector.shape_cast %swap3A_451 : vector<1x16xf32> to vector<16xf32>
        %swap3A_453 = vector.shape_cast %get3A_448 : vector<16xf32> to vector<1x16xf32>
        tpu.vector_store %arg20[%swap3A_449, %swap3A_450], %swap3A_453 {strides = array<i32>} : memref<128x96xf32, #tpu.memory_space<vmem>>, vector<1x16xf32>,
        %get3A_454 = arith.index_cast %add3A_444 : i32 to index
        %get3A_455 = arith.constant 16 : index
        %get3A_456 = tpu.vector_load %arg16[%get3A_454, %get3A_455] {strides = array<i32>} : memref<128x128xf32, #tpu.memory_space<vmem>>, vector<1x16xf32>,
        %get3A_457 = vector.shape_cast %get3A_456 : vector<1x16xf32> to vector<16xf32>
        %swap3A_458 = arith.index_cast %add3A_444 : i32 to index
        %swap3A_459 = arith.constant 16 : index
        %swap3A_460 = tpu.vector_load %arg20[%swap3A_458, %swap3A_459] {strides = array<i32>} : memref<128x96xf32, #tpu.memory_space<vmem>>, vector<1x16xf32>,
        %swap3A_461 = vector.shape_cast %swap3A_460 : vector<1x16xf32> to vector<16xf32>
        %swap3A_462 = vector.shape_cast %get3A_457 : vector<16xf32> to vector<1x16xf32>
        tpu.vector_store %arg20[%swap3A_458, %swap3A_459], %swap3A_462 {strides = array<i32>} : memref<128x96xf32, #tpu.memory_space<vmem>>, vector<1x16xf32>,
        %get3A_463 = arith.index_cast %add3A_444 : i32 to index
        %get3A_464 = arith.constant 32 : index
        %get3A_465 = tpu.vector_load %arg16[%get3A_463, %get3A_464] {strides = array<i32>} : memref<128x128xf32, #tpu.memory_space<vmem>>, vector<1x16xf32>,
        %get3A_466 = vector.shape_cast %get3A_465 : vector<1x16xf32> to vector<16xf32>
        %swap3A_467 = arith.index_cast %add3A_444 : i32 to index
        %swap3A_468 = arith.constant 32 : index
        %swap3A_469 = tpu.vector_load %arg20[%swap3A_467, %swap3A_468] {strides = array<i32>} : memref<128x96xf32, #tpu.memory_space<vmem>>, vector<1x16xf32>,
        %swap3A_470 = vector.shape_cast %swap3A_469 : vector<1x16xf32> to vector<16xf32>
        %swap3A_471 = vector.shape_cast %get3A_466 : vector<16xf32> to vector<1x16xf32>
        tpu.vector_store %arg20[%swap3A_467, %swap3A_468], %swap3A_471 {strides = array<i32>} : memref<128x96xf32, #tpu.memory_space<vmem>>, vector<1x16xf32>,
        %get3A_472 = arith.index_cast %add3A_444 : i32 to index
        %get3A_473 = arith.constant 48 : index
        %get3A_474 = tpu.vector_load %arg16[%get3A_472, %get3A_473] {strides = array<i32>} : memref<128x128xf32, #tpu.memory_space<vmem>>, vector<1x16xf32>,
        %get3A_475 = vector.shape_cast %get3A_474 : vector<1x16xf32> to vector<16xf32>
        %swap3A_476 = arith.index_cast %add3A_444 : i32 to index
        %swap3A_477 = arith.constant 48 : index
        %swap3A_478 = tpu.vector_load %arg20[%swap3A_476, %swap3A_477] {strides = array<i32>} : memref<128x96xf32, #tpu.memory_space<vmem>>, vector<1x16xf32>,
        %swap3A_479 = vector.shape_cast %swap3A_478 : vector<1x16xf32> to vector<16xf32>
        %swap3A_480 = vector.shape_cast %get3A_475 : vector<16xf32> to vector<1x16xf32>
        tpu.vector_store %arg20[%swap3A_476, %swap3A_477], %swap3A_480 {strides = array<i32>} : memref<128x96xf32, #tpu.memory_space<vmem>>, vector<1x16xf32>,
        %mul3A_481 = arith.constant 8 : i32
        %mul3A_482 = arith.muli %scan3A_202, %mul3A_481 : i32
        %add3A_483 = arith.constant 7 : i32
        %add3A_484 = arith.addi %mul3A_482, %add3A_483 : i32
        %get3A_485 = arith.index_cast %add3A_484 : i32 to index
        %get3A_486 = arith.constant 0 : index
        %get3A_487 = tpu.vector_load %arg16[%get3A_485, %get3A_486] {strides = array<i32>} : memref<128x128xf32, #tpu.memory_space<vmem>>, vector<1x16xf32>,
        %get3A_488 = vector.shape_cast %get3A_487 : vector<1x16xf32> to vector<16xf32>
        %swap3A_489 = arith.index_cast %add3A_484 : i32 to index
        %swap3A_490 = arith.constant 0 : index
        %swap3A_491 = tpu.vector_load %arg20[%swap3A_489, %swap3A_490] {strides = array<i32>} : memref<128x96xf32, #tpu.memory_space<vmem>>, vector<1x16xf32>,
        %swap3A_492 = vector.shape_cast %swap3A_491 : vector<1x16xf32> to vector<16xf32>
        %swap3A_493 = vector.shape_cast %get3A_488 : vector<16xf32> to vector<1x16xf32>
        tpu.vector_store %arg20[%swap3A_489, %swap3A_490], %swap3A_493 {strides = array<i32>} : memref<128x96xf32, #tpu.memory_space<vmem>>, vector<1x16xf32>,
        %get3A_494 = arith.index_cast %add3A_484 : i32 to index
        %get3A_495 = arith.constant 16 : index
        %get3A_496 = tpu.vector_load %arg16[%get3A_494, %get3A_495] {strides = array<i32>} : memref<128x128xf32, #tpu.memory_space<vmem>>, vector<1x16xf32>,
        %get3A_497 = vector.shape_cast %get3A_496 : vector<1x16xf32> to vector<16xf32>
        %swap3A_498 = arith.index_cast %add3A_484 : i32 to index
        %swap3A_499 = arith.constant 16 : index
        %swap3A_500 = tpu.vector_load %arg20[%swap3A_498, %swap3A_499] {strides = array<i32>} : memref<128x96xf32, #tpu.memory_space<vmem>>, vector<1x16xf32>,
        %swap3A_501 = vector.shape_cast %swap3A_500 : vector<1x16xf32> to vector<16xf32>
        %swap3A_502 = vector.shape_cast %get3A_497 : vector<16xf32> to vector<1x16xf32>
        tpu.vector_store %arg20[%swap3A_498, %swap3A_499], %swap3A_502 {strides = array<i32>} : memref<128x96xf32, #tpu.memory_space<vmem>>, vector<1x16xf32>,
        %get3A_503 = arith.index_cast %add3A_484 : i32 to index
        %get3A_504 = arith.constant 32 : index
        %get3A_505 = tpu.vector_load %arg16[%get3A_503, %get3A_504] {strides = array<i32>} : memref<128x128xf32, #tpu.memory_space<vmem>>, vector<1x16xf32>,
        %get3A_506 = vector.shape_cast %get3A_505 : vector<1x16xf32> to vector<16xf32>
        %swap3A_507 = arith.index_cast %add3A_484 : i32 to index
        %swap3A_508 = arith.constant 32 : index
        %swap3A_509 = tpu.vector_load %arg20[%swap3A_507, %swap3A_508] {strides = array<i32>} : memref<128x96xf32, #tpu.memory_space<vmem>>, vector<1x16xf32>,
        %swap3A_510 = vector.shape_cast %swap3A_509 : vector<1x16xf32> to vector<16xf32>
        %swap3A_511 = vector.shape_cast %get3A_506 : vector<16xf32> to vector<1x16xf32>
        tpu.vector_store %arg20[%swap3A_507, %swap3A_508], %swap3A_511 {strides = array<i32>} : memref<128x96xf32, #tpu.memory_space<vmem>>, vector<1x16xf32>,
        %get3A_512 = arith.index_cast %add3A_484 : i32 to index
        %get3A_513 = arith.constant 48 : index
        %get3A_514 = tpu.vector_load %arg16[%get3A_512, %get3A_513] {strides = array<i32>} : memref<128x128xf32, #tpu.memory_space<vmem>>, vector<1x16xf32>,
        %get3A_515 = vector.shape_cast %get3A_514 : vector<1x16xf32> to vector<16xf32>
        %swap3A_516 = arith.index_cast %add3A_484 : i32 to index
        %swap3A_517 = arith.constant 48 : index
        %swap3A_518 = tpu.vector_load %arg20[%swap3A_516, %swap3A_517] {strides = array<i32>} : memref<128x96xf32, #tpu.memory_space<vmem>>, vector<1x16xf32>,
        %swap3A_519 = vector.shape_cast %swap3A_518 : vector<1x16xf32> to vector<16xf32>
        %swap3A_520 = vector.shape_cast %get3A_515 : vector<16xf32> to vector<1x16xf32>
        tpu.vector_store %arg20[%swap3A_516, %swap3A_517], %swap3A_520 {strides = array<i32>} : memref<128x96xf32, #tpu.memory_space<vmem>>, vector<1x16xf32>,
      }
      %scan3A_194 = arith.constant 16 : i32
      %add3A_195 = arith.addi %mul3A_2, %add3A_147 : i32
      %mul3A_196 = arith.constant 128 : i32
      %mul3A_197 = arith.muli %add3A_195, %mul3A_196 : i32
      %dma_start3A_198 = arith.constant 0 : i32
      %dma_start3A_199 = tpu.memref_slice %arg8[%mul3A_197, %dma_start3A_198] : memref<819200x96xf32, #tpu.memory_space<hbm>> -> memref<128x96xf32, #tpu.memory_space<hbm>>
      %dma_start3A_200 = arith.constant 0 : i32
      %dma_start3A_201 = tpu.memref_slice %arg8[%mul3A_197, %dma_start3A_200] : memref<819200x96xf32, #tpu.memory_space<hbm>> -> memref<128x96xf32, #tpu.memory_space<hbm>>
      tpu.enqueue_dma source(%arg20 : memref<128x96xf32, #tpu.memory_space<vmem>>) target(%dma_start3A_201 : memref<128x96xf32, #tpu.memory_space<hbm>>) target_semaphore(%arg29 : memref<!tpu.dma_semaphore, #tpu.memory_space<semaphore_mem>>)
    }
    %scan3A_74 = arith.constant 100 : i32
    %add3A_75 = arith.constant 198 : i32
    %add3A_76 = arith.addi %mul3A_2, %add3A_75 : i32
    %mul3A_77 = arith.constant 128 : i32
    %mul3A_78 = arith.muli %add3A_76, %mul3A_77 : i32
    %dma_wait3A_79 = arith.constant 0 : i32
    %dma_wait3A_80 = tpu.memref_slice %arg8[%mul3A_78, %dma_wait3A_79] : memref<819200x96xf32, #tpu.memory_space<hbm>> -> memref<128x96xf32, #tpu.memory_space<hbm>>
    %dma_wait3A_81 = arith.constant 0 : i32
    %dma_wait3A_82 = tpu.memref_slice %arg8[%mul3A_78, %dma_wait3A_81] : memref<819200x96xf32, #tpu.memory_space<hbm>> -> memref<128x96xf32, #tpu.memory_space<hbm>>
    tpu.wait_dma2 semaphore(%arg28 : memref<!tpu.dma_semaphore, #tpu.memory_space<semaphore_mem>>) src(%arg19 : memref<128x96xf32, #tpu.memory_space<vmem>>) dst(%dma_wait3A_82 : memref<128x96xf32, #tpu.memory_space<hbm>>)
    %add3A_83 = arith.constant 199 : i32
    %add3A_84 = arith.addi %mul3A_2, %add3A_83 : i32
    %mul3A_85 = arith.constant 128 : i32
    %mul3A_86 = arith.muli %add3A_84, %mul3A_85 : i32
    %dma_wait3A_87 = arith.constant 0 : i32
    %dma_wait3A_88 = tpu.memref_slice %arg8[%mul3A_86, %dma_wait3A_87] : memref<819200x96xf32, #tpu.memory_space<hbm>> -> memref<128x96xf32, #tpu.memory_space<hbm>>
    %dma_wait3A_89 = arith.constant 0 : i32
    %dma_wait3A_90 = tpu.memref_slice %arg8[%mul3A_86, %dma_wait3A_89] : memref<819200x96xf32, #tpu.memory_space<hbm>> -> memref<128x96xf32, #tpu.memory_space<hbm>>
    tpu.wait_dma2 semaphore(%arg29 : memref<!tpu.dma_semaphore, #tpu.memory_space<semaphore_mem>>) src(%arg20 : memref<128x96xf32, #tpu.memory_space<vmem>>) dst(%dma_wait3A_90 : memref<128x96xf32, #tpu.memory_space<hbm>>)
    return
  }
}

</mosaic_0001>

<sc_bundles>
// kernel: kernel.3.cloned.1.call-start
scs
__scs_entry_jumppad:
0x0: {  	(pc) =	sbr.rel $0x88, $3  }
0x1: {  	(tag) =	ssettag $0x0;
	lr =	simm.s32 $0x1  }
0x2: {  	[smem:$0x3F9B] =	sst lr;
	_ =	strace $0xD0000000  }
0x3: {  	_ = 	snop  }
0x4: {  	_ = 	snop  }
0x5: {  	_ = 	snop  }
0x6: {  	_ = 	snop  }
0x7: {  	_ = 	snop  }
__scs_overlays_trampoline_lowered:
0x8: {  	[smem:$0x3FAA] =	sst s0  }
0x9: {  	[smem:$0x3FAB] =	sst s1  }
0xa: {  	[smem:$0x3FAC] =	sst s2  }
0xb: {  	[smem:$0x3FAD] =	sst s3  }
0xc: {  	[smem:$0x3FAE] =	sst s4  }
0xd: {  	[smem:$0x3FAF] =	sst s5  }
0xe: {  	[smem:$0x3FB0] =	sst s6  }
0xf: {  	[smem:$0x3FB1] =	sst s7  }
0x10: {  	[smem:$0x3FB2] =	sst s8  }
0x11: {  	[smem:$0x3FB3] =	sst s9;
	s0 =	simm.s32 @!p0 $0x0  }
0x12: {  	s1 =	sld [smem:$0x3F99];
	s0 =	simm.s32 @p0 $0x1  }
0x13: {  	[smem:$0x3FB4] =	sst s0;
	s0 =	simm.s32 @!p1 $0x0  }
0x14: {  	s2 =	sld [smem:$0x3F98];
	s0 =	simm.s32 @p1 $0x1  }
0x15: {  	[smem:$0x3FB5] =	sst s0;
	s0 =	simm.s32 @!p2 $0x0  }
0x16: {  	s3 =	sld [smem:$0x3FDB];
	s0 =	simm.s32 @p2 $0x1  }
0x17: {  	s4 =	simm.s32 $0x1BF5;
	[smem:$0x3FB7] =	sst s0  }
0x18: {  	s0 =	sld [smem:$0x3F9A];
	_ =	swait.ge [sflag:s4], $0x0  }
0x19: {  	s7 =	sld [smem:$0x3F9B]  }
0x1a: {  	s8 =	sadd.s32 $0xFFFFE003, lr  }
0x1b: {  	s9 =	sadd.s32 $0xFFFFFEF7, lr;
	s5 =	simm.s32 $0xFFFFFFFF;
	p2 =	slt.u32 s8, $0xFFFFF086  }
0x1c: {  	p1 =	slt.u32 s9, $0xF7A;
	s5 =	simm.s32 @!p2 $0x0  }
0x1d: {  	s5 =	simm.s32 @p1 $0x1;
	p0 =	seq.s32 s7, s2  }
0x1e: {  	s7 =	smul.u32 @!p0 $0xF7A, s2;
	p2 =	seq.s32 @!p0 s5, $0x0  }
0x1f: {  	s9 =	smul.u32 $0xF7A, s1;
	s8 =	simm.s32 @!p0 $0x1BF5;
	p2 =	por !p2, p0  }
0x20: {  	[sflag:s8] =	ssyncset.s32 @!p0 $0xFFFFF086;
	s6 =	sadd.s32 @!p0 s3, s7;
	s7 =	simm.s32 @!p0 $0x108  }
0x21: {  	s3 =	sadd.s32 s3, s9;
	s6 =	sadd.s32 @!p0 $0x88, s6;
	s7 =	simm.s32 @p2 $0x1082  }
0x22: {  	[simem:s7], [sflag:s8] =	dma.local @!p0 [hbm:s6], $0xF7A  }
0x23: {  	s9 =	sor.u32 $0xD0000000, s2;
	s6 =	simm.s32 $0x108;
	_ =	swait.ge @!p0 [sflag:s8], $0x0  }
0x24: {  	s3 =	sadd.s32 $0x88, s3;
	s6 =	simm.s32 @!p1 $0x1082;
	[sflag:s4] =	ssyncset.s32 $0xFFFFF086  }
0x25: {  	[simem:s6], [sflag:s4] =	dma.local [hbm:s3], $0xF7A  }
0x26: {  	[smem:$0x3F9B] =	sst s1;
	(tag) =	ssettag s2;
	_ =	strace s9  }
0x27: {  	s1 =	sld [smem:$0x3FAB]  }
0x28: {  	s2 =	sld [smem:$0x3FAC]  }
0x29: {  	s4 =	sld [smem:$0x3FAE]  }
0x2a: {  	p0 =	seq.s32 s5, $0x0;
	s5 =	sld [smem:$0x3FAF]  }
0x2b: {  	s6 =	sld [smem:$0x3FB0]  }
0x2c: {  	s7 =	sld [smem:$0x3FB1]  }
0x2d: {  	s3 =	simm.s32 $0x108;
	s8 =	sld [smem:$0x3FB2]  }
0x2e: {  	s3 =	simm.s32 @!p0 $0x1082;
	s9 =	sld [smem:$0x3FB3]  }
0x2f: {  	lr =	sadd.s32 s0, s3;
	s0 =	sld [smem:$0x3FAA]  }
0x30: {  	s3 =	sld [smem:$0x3FAD]  }
0x31: {  	[smem:$0x3FB6] =	sst s10  }
0x32: {  	s10 =	sld [smem:$0x3FB4];
	_ =	sdelay $0x3  }
0x33: {  	p0 =	seq.s32 s10, $0x1;
	s10 =	sld [smem:$0x3FB6];
	_ =	sdelay $0x3  }
0x34: {  	[smem:$0x3FB6] =	sst s10  }
0x35: {  	s10 =	sld [smem:$0x3FB5];
	_ =	sdelay $0x3  }
0x36: {  	p1 =	seq.s32 s10, $0x1;
	s10 =	sld [smem:$0x3FB6];
	_ =	sdelay $0x3  }
0x37: {  	[smem:$0x3FB6] =	sst s10  }
0x38: {  	s10 =	sld [smem:$0x3FB7]  }
0x39: {  	_ = 	snop;
	(pc) =	sbr.ind lr, $3  }
0x3a: {  	_ = 	snop  }
0x3b: {  	_ = 	snop  }
0x3c: {  	p2 =	seq.s32 s10, $0x1;
	s10 =	sld [smem:$0x3FB6]  }
0x3d: {  	_ =	shalt  }
0x3e: {  	_ =	shalt  }
0x3f: {  	_ =	shalt  }
0x40: {  	_ =	shalt  }
0x41: {  	_ =	shalt  }
0x42: {  	_ =	shalt  }
0x43: {  	_ =	shalt  }
0x44: {  	_ =	shalt  }
0x45: {  	_ =	shalt  }
0x46: {  	_ =	shalt  }
0x47: {  	_ =	shalt  }
0x48: {  	_ =	shalt  }
0x49: {  	_ =	shalt  }
0x4a: {  	_ =	shalt  }
0x4b: {  	_ =	shalt  }
0x4c: {  	_ =	shalt  }
0x4d: {  	_ =	shalt  }
0x4e: {  	_ =	shalt  }
0x4f: {  	_ =	shalt  }
0x50: {  	_ =	shalt  }
0x51: {  	_ =	shalt  }
0x52: {  	_ =	shalt  }
0x53: {  	_ =	shalt  }
0x54: {  	_ =	shalt  }
0x55: {  	_ =	shalt  }
0x56: {  	_ =	shalt  }
0x57: {  	_ =	shalt  }
0x58: {  	_ =	shalt  }
0x59: {  	_ =	shalt  }
0x5a: {  	_ =	shalt  }
0x5b: {  	_ =	shalt  }
0x5c: {  	_ =	shalt  }
0x5d: {  	_ =	shalt  }
0x5e: {  	_ =	shalt  }
0x5f: {  	_ =	shalt  }
0x60: {  	_ =	shalt  }
0x61: {  	_ =	shalt  }
0x62: {  	_ =	shalt  }
0x63: {  	_ =	shalt  }
0x64: {  	_ =	shalt  }
0x65: {  	_ =	shalt  }
0x66: {  	_ =	shalt  }
0x67: {  	_ =	shalt  }
0x68: {  	_ =	shalt  }
0x69: {  	_ =	shalt  }
0x6a: {  	_ =	shalt  }
0x6b: {  	_ =	shalt  }
0x6c: {  	_ =	shalt  }
0x6d: {  	_ =	shalt  }
0x6e: {  	_ =	shalt  }
0x6f: {  	_ =	shalt  }
0x70: {  	_ =	shalt  }
0x71: {  	_ =	shalt  }
0x72: {  	_ =	shalt  }
0x73: {  	_ =	shalt  }
0x74: {  	_ =	shalt  }
0x75: {  	_ =	shalt  }
0x76: {  	_ =	shalt  }
0x77: {  	_ =	shalt  }
0x78: {  	_ =	shalt  }
0x79: {  	_ =	shalt  }
0x7a: {  	_ =	shalt  }
0x7b: {  	_ =	shalt  }
0x7c: {  	_ =	shalt  }
0x7d: {  	_ =	shalt  }
0x7e: {  	_ =	shalt  }
0x7f: {  	_ =	shalt  }
0x80: {  	_ =	shalt  }
0x81: {  	_ =	shalt  }
0x82: {  	_ =	shalt  }
0x83: {  	_ =	shalt  }
0x84: {  	_ =	shalt  }
0x85: {  	_ =	shalt  }
0x86: {  	_ =	shalt  }
0x87: {  	_ =	shalt  }
.Lfunc_end0:
.L_simem_size_0:
called_computation.1_lowered:
.L_overlay_start_0:
0x88: {  	s2 =	sld [smem:$0x3FD9]  }
0x89: {  	s3 =	sld [smem:$0x3FFE];
	_ =	sdelay $0x1  }
0x8a: {  	s1 =	srdreg.scid  }
0x8b: {  	s0 =	sand.u32 $0x1, s1  }
0x8c: {  	s16 =	sshll.u32 s0, $0xA;
	s2 =	sadd.s32 s3, s2  }
0x8d: {  	s2 =	sadd.s32 s2, s16  }
0x8e: {  	[smem:$0x3FC2] =	sst s2  }
0x8f: {  	_ = 	snop  }
0x90: {  	(tm) =	ssettm $0x1  }
0x91: {  	s17 =	sld [smem:$0x3FFB];
	_ =	sdelay $0x3  }
0x92: {  	_ =	strace s17  }
0x93: {  	s2 =	sld [smem:$0x3FFC];
	_ =	sdelay $0x3  }
0x94: {  	_ =	strace s2  }
0x95: {  	s2 =	sld [smem:$0x3FFD];
	_ =	sdelay $0x3  }
0x96: {  	_ =	strace s2  }
0x97: {  	_ =	strace $0x8FFFFFFF  }
0x98: {  	s18 =	sld [smem:$0x3FDB];
	_ =	sdelay $0x1  }
0x99: {  	s19 =	simm.s32 $_scs_section_size  }
0x9a: {  	s4 =	simm.s32 $_size__tile_overlayer_lowered;
	s5 =	simm.s32 $_tile_overlayer_lowered  }
0x9b: {  	s22 =	simm.s32 $0x1BFF;
	s21 =	sshll.u32 s5, $0x1;
	s2 =	sadd.s32 s19, s18  }
0x9c: {  	s6 =	simm.s32 $0x0;
	s20 =	sshll.u32 s4, $0x1;
	s4 =	sadd.s32 s21, s2  }
0x9d: {  	[timem:s6], [sflag:s22] =	dma.local [hbm:s4], s20  }
0x9e: {  	_ =	swait.ge [sflag:s22], s20  }
0x9f: {  	s3 =	ssub.s32 $0x0, s20;
	[sflag:s22] =	ssyncset.done $0x0  }
0xa0: {  	[sflag:s22] =	ssyncadd.s32 s3;
	_ =	sdelay $0x1  }
0xa1: {  	s23 =	simm.s32 $0x1B8B  }
0xa2: {  	_ =	swait.ge [sflag:s23], $0x1  }
0xa3: {  	[sflag:s23] =	ssyncset.done $0x0  }
0xa4: {  	s25 =	simm.s32 $0x1B8E;
	s24 =	sld [smem:$0x3FFE];
	[sflag:s23] =	ssyncadd.s32 $0xFFFFFFFF  }
0xa5: {  	s26 =	simm.s32 $execute0_lowered;
	[smem:$0x3FD2] =	sst s25  }
0xa6: {  	s4 =	sshll.u32 s26, $0x1;
	_ =	strace $0x80000046;
	[dreg:$0x1] =	wrdreg $0xFFFFFFFF  }
0xa7: {  	s28 =	simm.s32 $_size_execute0_lowered;
	s2 =	sadd.s32 s2, s4;
	[dreg:$0x0] =	wrdreg $0x0  }
0xa8: {  	s4 =	sshll.u32 s28, $0x1;
	[dreg:$0x2] =	wrdreg s2  }
0xa9: {  	[dreg:$0x3] =	wrdreg s4  }
0xaa: {  	[dreg:$0x4] =	wrdreg $0xC0  }
0xab: {  	_ =	task [dreg:s6], $0x5FFFF  }
0xac: {  	[dreg:$0x1] =	wrdreg $0xFFFFFFFF  }
0xad: {  	[dreg:$0x0] =	wrdreg $0x60  }
0xae: {  	[dreg:$0x2] =	wrdreg s24  }
0xaf: {  	[dreg:$0x3] =	wrdreg $0x183000  }
0xb0: {  	[dreg:$0x4] =	wrdreg $0x193000  }
0xb1: {  	[dreg:$0x5] =	wrdreg $0x9  }
0xb2: {  	_ =	task.clear_ibuf [dreg:s6], $0x6FFFF;
	_ =	strace $0x90000046  }
0xb3: {  	s29 =	simm.s32 $0x9;
	_ =	strace $0x80000048  }
0xb4: {  	_ =	swait.ge [sflag:s29], $0x1  }
0xb5: {  	[sflag:s29] =	ssyncadd.s32 $0xFFFFFFFF  }
0xb6: {  	_ =	strace $0x90000048  }
0xb7: {  	_ =	sfence  }
0xb8: {  	s30 =	sld [smem:$0x0];
	_ =	sdelay $0x2  }
0xb9: {  	s31 =	sshll.u32 s1, $0xD;
	s1 =	sshrl.u32 s1, $0x2  }
0xba: {  	s3 =	sand.u32 $0x4000, s31;
	s1 =	sadd.s32 s1, s30  }
0xbb: {  	s0 =	sor.u32 s3, s0;
	s1 =	sshll.u32 s1, $0x11  }
0xbc: {  	s0 =	sor.u32 s1, s0  }
0xbd: {  	s0 =	sadd.s32 $0x8F2B, s0  }
0xbe: {  	[sflag:s0] =	ssyncadd.remote.s32 $0x1  }
0xbf: {  	_ =	sfence.sel $0xFFFF  }
0xc0: {  	[dreg:$0x0] =	wrdreg $0xFFFFFFFF;
	(pc) =	sbr.abs _section_cstart, $3  }
0xc1: {  	[dreg:$0x1] =	wrdreg $0xFFFFFFFF  }
0xc2: {  	_ =	task.clear_ibuf [dreg:s6], $0x2FFFF;
	_ =	strace $0x9FFFFFFF  }
0xc3: {  	(tm) =	ssettm $0x7FFFFFFF  }
tec
execute0_lowered:
.L_overlay_start_1:
0x0: {  	(tag) =	ssettag $0x1  }
0x1: {  	s0 =	rddreg [dreg:$0x0]  }
0x2: {  	s1 =	rddreg [dreg:$0x1]  }
0x3: {  	s2 =	rddreg [dreg:$0x2]  }
0x4: {  	s3 =	simm.s32 $0x0;
	s4 =	srdreg.scid;
	s12 =	stileid.u32  }
0x5: {  	s28 =	simm.s32 $0x80;
	s29 =	simm.s32 $0x180;
	s30 =	simm.s32 $0x280  }
0x6: {  	s31 =	simm.s32 $0x1;
	[smem:$0x7FF] =	sst s3;
	s5 =	sadd.s32 $0x4C00, s0  }
0x7: {  	s6 =	sadd.s32 $0x1DC00, s0;
	s7 =	sadd.s32 $0x36C00, s0;
	s8 =	sadd.s32 $0x4FC00, s0  }
0x8: {  	s4 =	sand.u32 $0x1, s4;
	s9 =	sshll.u32 s12, $0x1;
	s10 =	sadd.s32 $0xC00, s0  }
0x9: {  	s14 =	sadd.s32 $0x2C00, s0;
	s11 =	sadd.s32 $0x1D6600, s0;
	s17 =	sshll.u32 s12, $0x6  }
0xa: {  	s25 =	sshrl.u32 s1, $0x3;
	_ =	strace $0x80000047;
	[dreg:$0x4] =	wrdreg s10  }
0xb: {  	s26 =	sshrl.u32 s2, $0x3;
	s13 =	ssub.s32 $0x2, s4;
	[dreg:$0x5] =	wrdreg s14  }
0xc: {  	s4 =	sor.u32 s4, s9;
	s18 =	sor.u32 $0x1C08, s17;
	[dreg:$0xe] =	wrdreg s25  }
0xd: {  	[dreg:$0xf] =	wrdreg s26;
	s9 =	simm.s32 $0x3;
	s10 =	simm.s32 $0x5  }
0xe: {  	s25 =	simm.s32 $0x2;
	s26 =	simm.s32 $0x4300;
	s14 =	smul.u32 $0xC80, s4  }
0xf: {  	s15 =	sshrl.u32 s13, $0x1;
	s12 =	smul.u32 $0xC8, s4;
	[dreg:$0x6] =	wrdreg s18  }
0x10: {  	s16 =	ssub.s32 s13, s15;
	s15 =	simm.s32 $0x4;
	s19 =	sadd.s32 s5, s14  }
0x11: {  	s20 =	sadd.s32 s6, s14;
	s21 =	sadd.s32 s7, s14;
	[dreg:$0x7] =	wrdreg s19  }
0x12: {  	s22 =	sor.u32 $0x10, s14;
	s0 =	smax.u32 s16, $0x1;
	[dreg:$0x8] =	wrdreg s20  }
0x13: {  	s14 =	simm.s32 $0x10300;
	s16 =	simm.s32 $0x14300;
	[dreg:$0x9] =	wrdreg s21  }
0x14: {  	s23 =	sadd.s32 s5, s22;
	s24 =	sadd.s32 s6, s22;
	[dreg:$0xd] =	wrdreg s0  }
0x15: {  	s4 =	sadd.s32 s7, s22;
	s20 =	sor.u32 $0x1, s12;
	[dreg:$0xa] =	wrdreg s23  }
0x16: {  	s0 =	simm.s32 $0xC300;
	s19 =	simm.s32 $0x0;
	[dreg:$0xb] =	wrdreg s24  }
0x17: {  	[dreg:$0xc] =	wrdreg s4;
	s23 =	simm.s32 $0x8;
	s4 =	simm.s32 $0x8300  }
.LBB2_1:
0x18: {  	s13 =	rddreg [dreg:$0x4]  }
0x19: {  	s17 =	rddreg [dreg:$0x6]  }
0x1a: {  	s18 =	rddreg [dreg:$0xe]  }
0x1b: {  	[spmem:s18], [sflag:s17] =	dma.local [hbm:s13], $0x2000  }
0x1c: {  	_ =	swait.ge [sflag:s23], $0x2000  }
0x1d: {  	[sflag:s23] =	ssyncset.done $0x0;
	s22 =	rddreg [dreg:$0x5]  }
0x1e: {  	s24 =	rddreg [dreg:$0xf];
	[sflag:s23] =	ssyncadd.s32 $0xFFFFE000  }
0x1f: {  	[spmem:s24], [sflag:s17] =	dma.local [hbm:s22], $0x2000  }
0x20: {  	_ =	swait.ge [sflag:s23], $0x2000  }
0x21: {  	[sflag:s23] =	ssyncset.done $0x0  }
0x22: {  	s18 =	rddreg [dreg:$0x7];
	[sflag:s23] =	ssyncadd.s32 $0xFFFFE000  }
0x23: {  	[tilespmem:s3], [sflag:$0x1] =	stream.linear.gather [hbm4b:s18+s3], $0x80, $0x38;
	[tilespmem:$0x1A300] =	vst v63  }
0x24: {  	s17 =	simm.s32 $0x100;
	s21 =	rddreg [dreg:$0x8]  }
0x25: {  	[tilespmem:s17], [sflag:$0x1] =	stream.linear.gather [hbm4b:s21+s3], $0x80, $0x38;
	[tilespmem:$0x1A300] =	vst v63  }
0x26: {  	s22 =	rddreg [dreg:$0x9];
	s18 =	simm.s32 $0x200  }
0x27: {  	[tilespmem:s18], [sflag:$0x1] =	stream.linear.gather [hbm4b:s22+s3], $0x80, $0x38;
	[tilespmem:$0x1A300] =	vst v63  }
0x28: {  	s24 =	rddreg [dreg:$0xa]  }
0x29: {  	[tilespmem:s28], [sflag:$0x2] =	stream.linear.gather [hbm4b:s24+s3], $0x80, $0x38;
	[tilespmem:$0x1A300] =	vst v63  }
0x2a: {  	s21 =	rddreg [dreg:$0xb]  }
0x2b: {  	[tilespmem:s29], [sflag:$0x2] =	stream.linear.gather [hbm4b:s21+s3], $0x80, $0x38;
	[tilespmem:$0x1A300] =	vst v63  }
0x2c: {  	s22 =	rddreg [dreg:$0xc]  }
0x2d: {  	[tilespmem:s30], [sflag:$0x2] =	stream.linear.gather [hbm4b:s22+s3], $0x80, $0x38;
	[tilespmem:$0x1A300] =	vst v63  }
0x2e: {  	_ =	swait.ge [sflag:s31], $0x80  }
0x2f: {  	[sflag:s31] =	ssyncset.done $0x0  }
0x30: {  	[sflag:s31] =	ssyncadd.s32 $0xFFFFFF80  }
0x31: {  	_ =	swait.ge [sflag:s31], $0x80  }
0x32: {  	[sflag:s31] =	ssyncset.done $0x0  }
0x33: {  	[sflag:s31] =	ssyncadd.s32 $0xFFFFFF80  }
0x34: {  	_ =	swait.ge [sflag:s31], $0x80  }
0x35: {  	[sflag:s31] =	ssyncset.done $0x0  }
0x36: {  	s24 =	simm.s32 $0x300;
	[sflag:s31] =	ssyncadd.s32 $0xFFFFFF80  }
0x37: {  	[tilespmem:s24], [sflag:$0x3] =	stream.indirect.gather [hbm4b:s8+s28], $0x80, s3, s28, $0xb8;
	[tilespmem:$0x1A300] =	vst v63  }
0x38: {  	_ = 	snop  }
0x39: {  	[tilespmem:s4], [sflag:$0x5] =	stream.indirect.gather [spmem:s1], $0x80, s17, s28, $0xb8;
	[tilespmem:$0x1A300] =	vst v63  }
0x3a: {  	s21 =	simm.s32 $0x0  }
0x3b: {  	[tilespmem:s0], [sflag:$0x5] =	stream.indirect.gather [spmem:s2], $0x80, s18, s28, $0xb8;
	[tilespmem:$0x1A300] =	vst v63  }
.LBB2_2:
0x3c: {  	p1 =	seq.s32 s21, $0x0  }
0x3d: {  	s17 =	simm.s32 @!p1 $0x6  }
0x3e: {  	_ =	swait.ge @!p1 [sflag:s17], $0x4000  }
0x3f: {  	[sflag:s17] =	ssyncset.done @!p1 $0x0  }
0x40: {  	[sflag:s17] =	ssyncadd.s32 @!p1 $0xFFFFC000  }
0x41: {  	_ =	swait.ge [sflag:s9], $0x4000  }
0x42: {  	[sflag:s9] =	ssyncset.done $0x0  }
0x43: {  	[sflag:s9] =	ssyncadd.s32 $0xFFFFC000  }
0x44: {  	_ =	swait.ge [sflag:s10], $0x4000  }
0x45: {  	[sflag:s10] =	ssyncset.done $0x0  }
0x46: {  	[sflag:s10] =	ssyncadd.s32 $0xFFFFC000  }
0x47: {  	_ =	swait.ge [sflag:s10], $0x4000  }
0x48: {  	[sflag:s10] =	ssyncset.done $0x0  }
0x49: {  	[sflag:s10] =	ssyncadd.s32 $0xFFFFC000  }
0x4a: {  	_ =	swait.ge [sflag:s25], $0x80  }
0x4b: {  	[sflag:s25] =	ssyncset.done $0x0  }
0x4c: {  	[sflag:s25] =	ssyncadd.s32 $0xFFFFFF80  }
0x4d: {  	s22 =	sshll.u32 s21, $0x1;
	p0 =	seq.s32 s21, $0x63;
	_ =	swait.ge [sflag:s25], $0x80  }
0x4e: {  	s17 =	sadd.s32 @!p0 $0x2, s22;
	[sflag:s25] =	ssyncset.done $0x0  }
0x4f: {  	s18 =	sadd.s32 @!p0 s12, s17;
	[sflag:s25] =	ssyncadd.s32 $0xFFFFFF80  }
0x50: {  	s17 =	sshll.u32 @!p0 s17, $0x4;
	s18 =	sshll.u32 @!p0 s18, $0x4;
	_ =	swait.ge [sflag:s25], $0x80  }
0x51: {  	s17 =	sand.u32 @!p0 $0x60, s17;
	s18 =	sand.u32 @!p0 $0xFFFFF80, s18;
	[sflag:s25] =	ssyncset.done $0x0  }
0x52: {  	s17 =	sor.u32 @!p0 s17, s18;
	[sflag:s25] =	ssyncadd.s32 $0xFFFFFF80  }
0x53: {  	[tilespmem:s26], [sflag:$0x4] =	stream.indirect.gather [hbm4b:s8+s28], $0x80, s28, s28, $0xb8;
	[tilespmem:$0x1A300] =	vst v63  }
0x54: {  	s24 =	simm.s32 @!p0 $0x0;
	s18 =	sadd.s32 @!p0 s5, s17  }
0x55: {  	[tilespmem:s24], [sflag:$0x1] =	stream.linear.gather @!p0 [hbm4b:s18+s24], $0x80, $0x38;
	[tilespmem:$0x1A300] =	vst v63  }
0x56: {  	s13 =	simm.s32 @!p0 $0x100;
	s18 =	sadd.s32 @!p0 s6, s17  }
0x57: {  	[tilespmem:s13], [sflag:$0x1] =	stream.linear.gather @!p0 [hbm4b:s18+s24], $0x80, $0x38;
	[tilespmem:$0x1A300] =	vst v63  }
0x58: {  	s13 =	sadd.s32 @!p0 s7, s17;
	s17 =	simm.s32 @!p0 $0x200  }
0x59: {  	[tilespmem:s17], [sflag:$0x1] =	stream.linear.gather @!p0 [hbm4b:s13+s24], $0x80, $0x38;
	[tilespmem:$0x1A300] =	vst v63  }
0x5a: {  	s17 =	simm.s32 $0x0  }
0x5b: {  	v0 =	vld [tilespmem:s17+$0xC680]  }
0x5c: {  	v1 =	vld [tilespmem:s17+$0x8300]  }
0x5d: {  	v2 =	vld [tilespmem:s17+$0xC300]  }
0x5e: {  	v3 =	vld [tilespmem:s17+$0x8380]  }
0x5f: {  	v4 =	vld [tilespmem:s17+$0xC380]  }
0x60: {  	v5 =	vld [tilespmem:s17+$0x8400];
	[tilespmem:s17+$0x106D0] =	vst v0  }
0x61: {  	[tilespmem:s17+$0x10340] =	vst v1;
	v0 =	vld [tilespmem:s17+$0xC400]  }
0x62: {  	[tilespmem:s17+$0x10350] =	vst v2;
	v1 =	vld [tilespmem:s17+$0x8480]  }
0x63: {  	[tilespmem:s17+$0x103C0] =	vst v3;
	v2 =	vld [tilespmem:s17+$0xC480]  }
0x64: {  	[tilespmem:s17+$0x103D0] =	vst v4;
	v3 =	vld [tilespmem:s17+$0x8500]  }
0x65: {  	[tilespmem:s17+$0x10440] =	vst v5;
	v4 =	vld [tilespmem:s17+$0xC500]  }
0x66: {  	[tilespmem:s17+$0x10450] =	vst v0;
	v0 =	vld [tilespmem:s17+$0x8580]  }
0x67: {  	[tilespmem:s17+$0x104C0] =	vst v1;
	v1 =	vld [tilespmem:s17+$0xC580]  }
0x68: {  	[tilespmem:s17+$0x104D0] =	vst v2;
	v2 =	vld [tilespmem:s17+$0x8600]  }
0x69: {  	[tilespmem:s17+$0x10540] =	vst v3;
	v3 =	vld [tilespmem:s17+$0xC600]  }
0x6a: {  	s18 =	simm.s32 $0x400;
	s24 =	simm.s32 $0x2000;
	[tilespmem:s17+$0x10550] =	vst v4;
	v4 =	vld [tilespmem:s17+$0x8680]  }
.LBB2_3:
0x6b: {  	p2 =	sne.s32 s24, $0xF000;
	v5 =	vld [tilespmem:s18+$0xC680];
	[tilespmem:s17+$0x105C0] =	vst v0  }
0x6c: {  	v0 =	vld [tilespmem:s18+$0x8300];
	[tilespmem:s17+$0x105D0] =	vst v1  }
0x6d: {  	v1 =	vld [tilespmem:s18+$0xC300];
	[tilespmem:s17+$0x10640] =	vst v2  }
0x6e: {  	v2 =	vld [tilespmem:s18+$0x8380];
	[tilespmem:s17+$0x10650] =	vst v3  }
0x6f: {  	v3 =	vld [tilespmem:s18+$0xC380];
	[tilespmem:s17+$0x106C0] =	vst v4;
	s17 =	smov.u32 s18  }
0x70: {  	v4 =	vld [tilespmem:s17+$0x8400];
	[tilespmem:s17+$0x106D0] =	vst v5  }
0x71: {  	[tilespmem:s17+$0x10340] =	vst v0;
	v0 =	vld [tilespmem:s17+$0xC400]  }
0x72: {  	[tilespmem:s17+$0x10350] =	vst v1;
	v1 =	vld [tilespmem:s17+$0x8480]  }
0x73: {  	[tilespmem:s17+$0x103C0] =	vst v2;
	v2 =	vld [tilespmem:s17+$0xC480]  }
0x74: {  	[tilespmem:s17+$0x103D0] =	vst v3;
	v3 =	vld [tilespmem:s17+$0x8500]  }
0x75: {  	[tilespmem:s17+$0x10440] =	vst v4;
	v4 =	vld [tilespmem:s17+$0xC500]  }
.Ltmp0:
0x76: {  	[tilespmem:s17+$0x10450] =	vst v0;
	v0 =	vld [tilespmem:s17+$0x8580];
	(pc) =	sbr.rel @p2 .LBB2_3-.Ltmp0, $4  }
0x77: {  	[tilespmem:s17+$0x104C0] =	vst v1;
	v1 =	vld [tilespmem:s17+$0xC580]  }
0x78: {  	[tilespmem:s17+$0x104D0] =	vst v2;
	v2 =	vld [tilespmem:s17+$0x8600]  }
0x79: {  	[tilespmem:s17+$0x10540] =	vst v3;
	v3 =	vld [tilespmem:s17+$0xC600]  }
0x7a: {  	s18 =	sshra.s32 s24, $0x2;
	s24 =	sadd.s32 $0x1000, s24;
	[tilespmem:s17+$0x10550] =	vst v4;
	v4 =	vld [tilespmem:s17+$0x8680]  }
0x7b: {  	v5 =	vld [tilespmem:s18+$0xC680];
	[tilespmem:s17+$0x105C0] =	vst v0  }
0x7c: {  	v0 =	vld [tilespmem:s18+$0x8300];
	[tilespmem:s17+$0x105D0] =	vst v1  }
0x7d: {  	v1 =	vld [tilespmem:s18+$0xC300];
	[tilespmem:s17+$0x10640] =	vst v2  }
0x7e: {  	v2 =	vld [tilespmem:s18+$0x8380];
	[tilespmem:s17+$0x10650] =	vst v3  }
0x7f: {  	v3 =	vld [tilespmem:s18+$0xC380];
	[tilespmem:s17+$0x106C0] =	vst v4  }
0x80: {  	v4 =	vld [tilespmem:s18+$0x8400];
	[tilespmem:s18+$0x106D0] =	vst v5  }
0x81: {  	[tilespmem:s18+$0x10340] =	vst v0;
	v0 =	vld [tilespmem:s18+$0xC400]  }
0x82: {  	[tilespmem:s18+$0x10350] =	vst v1;
	v1 =	vld [tilespmem:s18+$0x8480]  }
0x83: {  	[tilespmem:s18+$0x103C0] =	vst v2;
	v2 =	vld [tilespmem:s18+$0xC480]  }
0x84: {  	[tilespmem:s18+$0x103D0] =	vst v3;
	v3 =	vld [tilespmem:s18+$0x8500]  }
0x85: {  	[tilespmem:s18+$0x10440] =	vst v4;
	v4 =	vld [tilespmem:s18+$0xC500]  }
0x86: {  	[tilespmem:s18+$0x10450] =	vst v0;
	v0 =	vld [tilespmem:s18+$0x8580]  }
0x87: {  	[tilespmem:s18+$0x104C0] =	vst v1;
	v1 =	vld [tilespmem:s18+$0xC580]  }
0x88: {  	[tilespmem:s18+$0x104D0] =	vst v2;
	v2 =	vld [tilespmem:s18+$0x8600]  }
0x89: {  	[tilespmem:s18+$0x10540] =	vst v3;
	v3 =	vld [tilespmem:s18+$0xC600]  }
0x8a: {  	[tilespmem:s18+$0x10550] =	vst v4;
	v4 =	vld [tilespmem:s18+$0x8680]  }
0x8b: {  	[tilespmem:s18+$0x105C0] =	vst v0  }
0x8c: {  	[tilespmem:s18+$0x105D0] =	vst v1  }
0x8d: {  	[tilespmem:s18+$0x10640] =	vst v2  }
0x8e: {  	[tilespmem:s18+$0x10650] =	vst v3  }
0x8f: {  	[tilespmem:s18+$0x106C0] =	vst v4  }
0x90: {  	[tilespmem:s4], [sflag:$0x5] =	stream.indirect.gather [spmem:s1], $0x80, s29, s28, $0xb8;
	[tilespmem:$0x1A300] =	vst v63  }
0x91: {  	s24 =	simm.s32 $0x0  }
0x92: {  	[tilespmem:s0], [sflag:$0x5] =	stream.indirect.gather [spmem:s2], $0x80, s30, s28, $0xb8;
	[tilespmem:$0x1A300] =	vst v63  }
0x93: {  	v0 =	vld [tilespmem:s24+$0x6B0]  }
0x94: {  	v1 =	vld [tilespmem:s24+$0x300]  }
0x95: {  	v2 =	vld [tilespmem:s24+$0x310]  }
0x96: {  	v3 =	vld [tilespmem:s24+$0x320]  }
0x97: {  	v4 =	vld [tilespmem:s24+$0x330]  }
0x98: {  	v5 =	vld [tilespmem:s24+$0x380];
	[tilespmem:s24+$0x106B0] =	vst v0  }
0x99: {  	[tilespmem:s24+$0x10300] =	vst v1;
	v0 =	vld [tilespmem:s24+$0x390]  }
0x9a: {  	[tilespmem:s24+$0x10310] =	vst v2;
	v1 =	vld [tilespmem:s24+$0x3A0]  }
0x9b: {  	[tilespmem:s24+$0x10320] =	vst v3;
	v2 =	vld [tilespmem:s24+$0x3B0]  }
0x9c: {  	[tilespmem:s24+$0x10330] =	vst v4;
	v3 =	vld [tilespmem:s24+$0x400]  }
0x9d: {  	[tilespmem:s24+$0x10380] =	vst v5;
	v4 =	vld [tilespmem:s24+$0x410]  }
0x9e: {  	v5 =	vld [tilespmem:s24+$0x610];
	[tilespmem:s24+$0x10390] =	vst v0  }
0x9f: {  	v0 =	vld [tilespmem:s24+$0x420];
	[tilespmem:s24+$0x103A0] =	vst v1  }
0xa0: {  	v1 =	vld [tilespmem:s24+$0x430];
	[tilespmem:s24+$0x103B0] =	vst v2  }
0xa1: {  	v2 =	vld [tilespmem:s24+$0x480];
	[tilespmem:s24+$0x10400] =	vst v3  }
0xa2: {  	v3 =	vld [tilespmem:s24+$0x490];
	[tilespmem:s24+$0x10410] =	vst v4  }
0xa3: {  	v4 =	vld [tilespmem:s24+$0x4A0];
	[tilespmem:s24+$0x10610] =	vst v5  }
0xa4: {  	[tilespmem:s24+$0x10420] =	vst v0;
	v0 =	vld [tilespmem:s24+$0x4B0]  }
0xa5: {  	[tilespmem:s24+$0x10430] =	vst v1;
	v1 =	vld [tilespmem:s24+$0x500]  }
0xa6: {  	[tilespmem:s24+$0x10480] =	vst v2;
	v2 =	vld [tilespmem:s24+$0x510]  }
0xa7: {  	[tilespmem:s24+$0x10490] =	vst v3;
	v3 =	vld [tilespmem:s24+$0x520]  }
0xa8: {  	[tilespmem:s24+$0x104A0] =	vst v4;
	v4 =	vld [tilespmem:s24+$0x530]  }
0xa9: {  	[tilespmem:s24+$0x104B0] =	vst v0;
	v0 =	vld [tilespmem:s24+$0x580]  }
0xaa: {  	[tilespmem:s24+$0x10500] =	vst v1;
	v1 =	vld [tilespmem:s24+$0x590]  }
0xab: {  	[tilespmem:s24+$0x10510] =	vst v2;
	v2 =	vld [tilespmem:s24+$0x5A0]  }
0xac: {  	[tilespmem:s24+$0x10520] =	vst v3;
	v3 =	vld [tilespmem:s24+$0x5B0]  }
0xad: {  	[tilespmem:s24+$0x10530] =	vst v4;
	v4 =	vld [tilespmem:s24+$0x600]  }
0xae: {  	[tilespmem:s24+$0x10580] =	vst v0;
	v0 =	vld [tilespmem:s24+$0x620]  }
0xaf: {  	[tilespmem:s24+$0x10590] =	vst v1;
	v1 =	vld [tilespmem:s24+$0x630]  }
0xb0: {  	[tilespmem:s24+$0x105A0] =	vst v2;
	v2 =	vld [tilespmem:s24+$0x680]  }
0xb1: {  	[tilespmem:s24+$0x105B0] =	vst v3;
	v3 =	vld [tilespmem:s24+$0x690]  }
0xb2: {  	s17 =	simm.s32 $0x2000;
	s18 =	simm.s32 $0x400;
	[tilespmem:s24+$0x10600] =	vst v4;
	v4 =	vld [tilespmem:s24+$0x6A0]  }
.LBB2_5:
0xb3: {  	p2 =	sne.s32 s17, $0xF000;
	v5 =	vld [tilespmem:s18+$0x6B0];
	[tilespmem:s24+$0x10620] =	vst v0  }
0xb4: {  	v0 =	vld [tilespmem:s18+$0x300];
	[tilespmem:s24+$0x10630] =	vst v1  }
0xb5: {  	v1 =	vld [tilespmem:s18+$0x310];
	[tilespmem:s24+$0x10680] =	vst v2  }
0xb6: {  	v2 =	vld [tilespmem:s18+$0x320];
	[tilespmem:s24+$0x10690] =	vst v3  }
0xb7: {  	v3 =	vld [tilespmem:s18+$0x330];
	[tilespmem:s24+$0x106A0] =	vst v4;
	s24 =	smov.u32 s18  }
0xb8: {  	v4 =	vld [tilespmem:s24+$0x380];
	[tilespmem:s24+$0x106B0] =	vst v5  }
0xb9: {  	[tilespmem:s24+$0x10300] =	vst v0;
	v0 =	vld [tilespmem:s24+$0x390]  }
0xba: {  	[tilespmem:s24+$0x10310] =	vst v1;
	v1 =	vld [tilespmem:s24+$0x3A0]  }
0xbb: {  	[tilespmem:s24+$0x10320] =	vst v2;
	v2 =	vld [tilespmem:s24+$0x3B0]  }
0xbc: {  	[tilespmem:s24+$0x10330] =	vst v3;
	v3 =	vld [tilespmem:s24+$0x400]  }
0xbd: {  	[tilespmem:s24+$0x10380] =	vst v4;
	v4 =	vld [tilespmem:s24+$0x410]  }
0xbe: {  	[tilespmem:s24+$0x10390] =	vst v0;
	v0 =	vld [tilespmem:s24+$0x420]  }
0xbf: {  	[tilespmem:s24+$0x103A0] =	vst v1;
	v1 =	vld [tilespmem:s24+$0x430]  }
0xc0: {  	[tilespmem:s24+$0x103B0] =	vst v2;
	v2 =	vld [tilespmem:s24+$0x480]  }
0xc1: {  	[tilespmem:s24+$0x10400] =	vst v3;
	v3 =	vld [tilespmem:s24+$0x490]  }
0xc2: {  	[tilespmem:s24+$0x10410] =	vst v4;
	v4 =	vld [tilespmem:s24+$0x4A0]  }
0xc3: {  	[tilespmem:s24+$0x10420] =	vst v0;
	v0 =	vld [tilespmem:s24+$0x4B0]  }
0xc4: {  	[tilespmem:s24+$0x10430] =	vst v1;
	v1 =	vld [tilespmem:s24+$0x500]  }
0xc5: {  	[tilespmem:s24+$0x10480] =	vst v2;
	v2 =	vld [tilespmem:s24+$0x510]  }
0xc6: {  	[tilespmem:s24+$0x10490] =	vst v3;
	v3 =	vld [tilespmem:s24+$0x520]  }
0xc7: {  	[tilespmem:s24+$0x104A0] =	vst v4;
	v4 =	vld [tilespmem:s24+$0x530]  }
0xc8: {  	[tilespmem:s24+$0x104B0] =	vst v0;
	v0 =	vld [tilespmem:s24+$0x580]  }
0xc9: {  	[tilespmem:s24+$0x10500] =	vst v1;
	v1 =	vld [tilespmem:s24+$0x590]  }
0xca: {  	[tilespmem:s24+$0x10510] =	vst v2;
	v2 =	vld [tilespmem:s24+$0x5A0]  }
0xcb: {  	[tilespmem:s24+$0x10520] =	vst v3;
	v3 =	vld [tilespmem:s24+$0x5B0]  }
0xcc: {  	[tilespmem:s24+$0x10530] =	vst v4;
	v4 =	vld [tilespmem:s24+$0x600]  }
0xcd: {  	[tilespmem:s24+$0x10580] =	vst v0;
	v5 =	vld [tilespmem:s24+$0x610]  }
.Ltmp1:
0xce: {  	[tilespmem:s24+$0x10590] =	vst v1;
	v0 =	vld [tilespmem:s24+$0x620];
	(pc) =	sbr.rel @p2 .LBB2_5-.Ltmp1, $4  }
0xcf: {  	[tilespmem:s24+$0x105A0] =	vst v2;
	v1 =	vld [tilespmem:s24+$0x630]  }
0xd0: {  	[tilespmem:s24+$0x105B0] =	vst v3;
	v2 =	vld [tilespmem:s24+$0x680]  }
0xd1: {  	[tilespmem:s24+$0x10600] =	vst v4;
	v3 =	vld [tilespmem:s24+$0x690]  }
0xd2: {  	s18 =	sshra.s32 s17, $0x2;
	s17 =	sadd.s32 $0x1000, s17;
	[tilespmem:s24+$0x10610] =	vst v5;
	v4 =	vld [tilespmem:s24+$0x6A0]  }
0xd3: {  	v5 =	vld [tilespmem:s18+$0x6B0];
	[tilespmem:s24+$0x10620] =	vst v0  }
0xd4: {  	v0 =	vld [tilespmem:s18+$0x300];
	[tilespmem:s24+$0x10630] =	vst v1  }
0xd5: {  	v1 =	vld [tilespmem:s18+$0x310];
	[tilespmem:s24+$0x10680] =	vst v2  }
0xd6: {  	v2 =	vld [tilespmem:s18+$0x320];
	[tilespmem:s24+$0x10690] =	vst v3  }
0xd7: {  	v3 =	vld [tilespmem:s18+$0x330];
	[tilespmem:s24+$0x106A0] =	vst v4  }
0xd8: {  	v4 =	vld [tilespmem:s18+$0x380];
	[tilespmem:s18+$0x106B0] =	vst v5  }
0xd9: {  	[tilespmem:s18+$0x10300] =	vst v0;
	v0 =	vld [tilespmem:s18+$0x390]  }
0xda: {  	[tilespmem:s18+$0x10310] =	vst v1;
	v1 =	vld [tilespmem:s18+$0x3A0]  }
0xdb: {  	[tilespmem:s18+$0x10320] =	vst v2;
	v2 =	vld [tilespmem:s18+$0x3B0]  }
0xdc: {  	[tilespmem:s18+$0x10330] =	vst v3;
	v3 =	vld [tilespmem:s18+$0x400]  }
0xdd: {  	[tilespmem:s18+$0x10380] =	vst v4;
	v4 =	vld [tilespmem:s18+$0x410]  }
0xde: {  	[tilespmem:s18+$0x10390] =	vst v0;
	v0 =	vld [tilespmem:s18+$0x420]  }
0xdf: {  	[tilespmem:s18+$0x103A0] =	vst v1;
	v1 =	vld [tilespmem:s18+$0x430]  }
0xe0: {  	[tilespmem:s18+$0x103B0] =	vst v2;
	v2 =	vld [tilespmem:s18+$0x480]  }
0xe1: {  	[tilespmem:s18+$0x10400] =	vst v3;
	v3 =	vld [tilespmem:s18+$0x490]  }
0xe2: {  	[tilespmem:s18+$0x10410] =	vst v4;
	v4 =	vld [tilespmem:s18+$0x4A0]  }
0xe3: {  	[tilespmem:s18+$0x10420] =	vst v0;
	v0 =	vld [tilespmem:s18+$0x4B0]  }
0xe4: {  	[tilespmem:s18+$0x10430] =	vst v1;
	v1 =	vld [tilespmem:s18+$0x500]  }
0xe5: {  	[tilespmem:s18+$0x10480] =	vst v2;
	v2 =	vld [tilespmem:s18+$0x510]  }
0xe6: {  	[tilespmem:s18+$0x10490] =	vst v3;
	v3 =	vld [tilespmem:s18+$0x520]  }
0xe7: {  	[tilespmem:s18+$0x104A0] =	vst v4;
	v4 =	vld [tilespmem:s18+$0x530]  }
0xe8: {  	[tilespmem:s18+$0x104B0] =	vst v0;
	v0 =	vld [tilespmem:s18+$0x580]  }
0xe9: {  	[tilespmem:s18+$0x10500] =	vst v1;
	v1 =	vld [tilespmem:s18+$0x590]  }
0xea: {  	[tilespmem:s18+$0x10510] =	vst v2;
	v2 =	vld [tilespmem:s18+$0x5A0]  }
0xeb: {  	[tilespmem:s18+$0x10520] =	vst v3;
	v3 =	vld [tilespmem:s18+$0x5B0]  }
0xec: {  	[tilespmem:s18+$0x10530] =	vst v4;
	v4 =	vld [tilespmem:s18+$0x600]  }
0xed: {  	[tilespmem:s18+$0x10580] =	vst v0;
	v0 =	vld [tilespmem:s18+$0x610]  }
0xee: {  	[tilespmem:s18+$0x10590] =	vst v1;
	v1 =	vld [tilespmem:s18+$0x620]  }
0xef: {  	[tilespmem:s18+$0x105A0] =	vst v2;
	v2 =	vld [tilespmem:s18+$0x630]  }
0xf0: {  	[tilespmem:s18+$0x105B0] =	vst v3;
	v3 =	vld [tilespmem:s18+$0x680]  }
0xf1: {  	[tilespmem:s18+$0x10600] =	vst v4;
	v4 =	vld [tilespmem:s18+$0x690]  }
0xf2: {  	[tilespmem:s18+$0x10610] =	vst v0;
	v0 =	vld [tilespmem:s18+$0x6A0]  }
0xf3: {  	[tilespmem:s18+$0x10620] =	vst v1  }
0xf4: {  	[tilespmem:s18+$0x10630] =	vst v2  }
0xf5: {  	s13 =	sadd.s32 s12, s22;
	[tilespmem:s18+$0x10680] =	vst v3  }
0xf6: {  	s13 =	sshll.u32 s13, $0xB;
	[tilespmem:s18+$0x10690] =	vst v4  }
0xf7: {  	s13 =	sadd.s32 s11, s13;
	[tilespmem:s18+$0x106A0] =	vst v0  }
0xf8: {  	[hbm4b:s13+s3] =	stream.linear.scatter [tilespmem:s14], [sflag:$0x6], $0x4000, $0x38;
	[tilespmem:$0x1A300] =	vst v63  }
0xf9: {  	s13 =	simm.s32 @!p1 $0x7  }
0xfa: {  	_ =	swait.ge @!p1 [sflag:s13], $0x4000  }
0xfb: {  	[sflag:s13] =	ssyncset.done @!p1 $0x0  }
0xfc: {  	[sflag:s13] =	ssyncadd.s32 @!p1 $0xFFFFC000  }
0xfd: {  	_ =	swait.ge [sflag:s15], $0x4000  }
0xfe: {  	[sflag:s15] =	ssyncset.done $0x0  }
0xff: {  	[sflag:s15] =	ssyncadd.s32 $0xFFFFC000  }
0x100: {  	_ =	swait.ge [sflag:s10], $0x4000  }
0x101: {  	[sflag:s10] =	ssyncset.done $0x0  }
0x102: {  	[sflag:s10] =	ssyncadd.s32 $0xFFFFC000  }
0x103: {  	_ =	swait.ge [sflag:s10], $0x4000  }
0x104: {  	[sflag:s10] =	ssyncset.done $0x0  }
0x105: {  	s13 =	simm.s32 @!p0 $0x1;
	[sflag:s10] =	ssyncadd.s32 $0xFFFFC000  }
0x106: {  	_ =	swait.ge @!p0 [sflag:s13], $0x80  }
0x107: {  	[sflag:s13] =	ssyncset.done @!p0 $0x0  }
0x108: {  	[sflag:s13] =	ssyncadd.s32 @!p0 $0xFFFFFF80  }
0x109: {  	_ =	swait.ge @!p0 [sflag:s13], $0x80  }
0x10a: {  	[sflag:s13] =	ssyncset.done @!p0 $0x0  }
0x10b: {  	[sflag:s13] =	ssyncadd.s32 @!p0 $0xFFFFFF80  }
0x10c: {  	_ =	swait.ge @!p0 [sflag:s13], $0x80  }
0x10d: {  	s17 =	simm.s32 @!p0 $0x0;
	[sflag:s13] =	ssyncset.done @!p0 $0x0  }
0x10e: {  	s18 =	simm.s32 @!p0 $0x300;
	[sflag:s13] =	ssyncadd.s32 @!p0 $0xFFFFFF80;
	s13 =	simm.s32 @!p0 $0x80  }
0x10f: {  	[tilespmem:s18], [sflag:$0x3] =	stream.indirect.gather @!p0 [hbm4b:s8+s13], $0x80, s17, s13, $0xb8;
	[tilespmem:$0x1A300] =	vst v63  }
0x110: {  	s18 =	sadd.s32 @!p0 $0x3, s22  }
0x111: {  	s24 =	sadd.s32 @!p0 s12, s18  }
0x112: {  	s18 =	sshll.u32 @!p0 s18, $0x4;
	s24 =	sshll.u32 @!p0 s24, $0x4  }
0x113: {  	s18 =	sand.u32 @!p0 $0x70, s18;
	s24 =	sand.u32 @!p0 $0xFFFFF80, s24  }
0x114: {  	s18 =	sor.u32 @!p0 s18, s24  }
0x115: {  	s24 =	sadd.s32 @!p0 s5, s18  }
0x116: {  	[tilespmem:s13], [sflag:$0x2] =	stream.linear.gather @!p0 [hbm4b:s24+s17], $0x80, $0x38;
	[tilespmem:$0x1A300] =	vst v63  }
0x117: {  	s13 =	sadd.s32 @!p0 s6, s18;
	s24 =	simm.s32 @!p0 $0x180  }
0x118: {  	[tilespmem:s24], [sflag:$0x2] =	stream.linear.gather @!p0 [hbm4b:s13+s17], $0x80, $0x38;
	[tilespmem:$0x1A300] =	vst v63  }
0x119: {  	s13 =	sadd.s32 @!p0 s7, s18;
	s18 =	simm.s32 @!p0 $0x280  }
0x11a: {  	[tilespmem:s18], [sflag:$0x2] =	stream.linear.gather @!p0 [hbm4b:s13+s17], $0x80, $0x38;
	[tilespmem:$0x1A300] =	vst v63  }
0x11b: {  	s17 =	simm.s32 $0x0  }
0x11c: {  	v0 =	vld [tilespmem:s17+$0xC680]  }
0x11d: {  	v1 =	vld [tilespmem:s17+$0x8300]  }
0x11e: {  	v2 =	vld [tilespmem:s17+$0xC300]  }
0x11f: {  	v3 =	vld [tilespmem:s17+$0x8380]  }
0x120: {  	v4 =	vld [tilespmem:s17+$0xC380]  }
0x121: {  	v5 =	vld [tilespmem:s17+$0x8400];
	[tilespmem:s17+$0x146D0] =	vst v0  }
0x122: {  	[tilespmem:s17+$0x14340] =	vst v1;
	v0 =	vld [tilespmem:s17+$0xC400]  }
0x123: {  	[tilespmem:s17+$0x14350] =	vst v2;
	v1 =	vld [tilespmem:s17+$0x8480]  }
0x124: {  	[tilespmem:s17+$0x143C0] =	vst v3;
	v2 =	vld [tilespmem:s17+$0xC480]  }
0x125: {  	[tilespmem:s17+$0x143D0] =	vst v4;
	v3 =	vld [tilespmem:s17+$0x8500]  }
0x126: {  	[tilespmem:s17+$0x14440] =	vst v5;
	v4 =	vld [tilespmem:s17+$0xC500]  }
0x127: {  	[tilespmem:s17+$0x14450] =	vst v0;
	v0 =	vld [tilespmem:s17+$0x8580]  }
0x128: {  	[tilespmem:s17+$0x144C0] =	vst v1;
	v1 =	vld [tilespmem:s17+$0xC580]  }
0x129: {  	[tilespmem:s17+$0x144D0] =	vst v2;
	v2 =	vld [tilespmem:s17+$0x8600]  }
0x12a: {  	[tilespmem:s17+$0x14540] =	vst v3;
	v3 =	vld [tilespmem:s17+$0xC600]  }
0x12b: {  	s24 =	simm.s32 $0x2000;
	s18 =	simm.s32 $0x400;
	[tilespmem:s17+$0x14550] =	vst v4;
	v4 =	vld [tilespmem:s17+$0x8680]  }
.LBB2_7:
0x12c: {  	p1 =	sne.s32 s24, $0xF000;
	v5 =	vld [tilespmem:s18+$0xC680];
	[tilespmem:s17+$0x145C0] =	vst v0  }
0x12d: {  	v0 =	vld [tilespmem:s18+$0x8300];
	[tilespmem:s17+$0x145D0] =	vst v1  }
0x12e: {  	v1 =	vld [tilespmem:s18+$0xC300];
	[tilespmem:s17+$0x14640] =	vst v2  }
0x12f: {  	v2 =	vld [tilespmem:s18+$0x8380];
	[tilespmem:s17+$0x14650] =	vst v3  }
0x130: {  	v3 =	vld [tilespmem:s18+$0xC380];
	[tilespmem:s17+$0x146C0] =	vst v4;
	s17 =	smov.u32 s18  }
0x131: {  	v4 =	vld [tilespmem:s17+$0x8400];
	[tilespmem:s17+$0x146D0] =	vst v5  }
0x132: {  	[tilespmem:s17+$0x14340] =	vst v0;
	v0 =	vld [tilespmem:s17+$0xC400]  }
0x133: {  	[tilespmem:s17+$0x14350] =	vst v1;
	v1 =	vld [tilespmem:s17+$0x8480]  }
0x134: {  	[tilespmem:s17+$0x143C0] =	vst v2;
	v2 =	vld [tilespmem:s17+$0xC480]  }
0x135: {  	[tilespmem:s17+$0x143D0] =	vst v3;
	v3 =	vld [tilespmem:s17+$0x8500]  }
0x136: {  	[tilespmem:s17+$0x14440] =	vst v4;
	v4 =	vld [tilespmem:s17+$0xC500]  }
.Ltmp2:
0x137: {  	[tilespmem:s17+$0x14450] =	vst v0;
	v0 =	vld [tilespmem:s17+$0x8580];
	(pc) =	sbr.rel @p1 .LBB2_7-.Ltmp2, $4  }
0x138: {  	[tilespmem:s17+$0x144C0] =	vst v1;
	v1 =	vld [tilespmem:s17+$0xC580]  }
0x139: {  	[tilespmem:s17+$0x144D0] =	vst v2;
	v2 =	vld [tilespmem:s17+$0x8600]  }
0x13a: {  	[tilespmem:s17+$0x14540] =	vst v3;
	v3 =	vld [tilespmem:s17+$0xC600]  }
0x13b: {  	s18 =	sshra.s32 s24, $0x2;
	s24 =	sadd.s32 $0x1000, s24;
	[tilespmem:s17+$0x14550] =	vst v4;
	v4 =	vld [tilespmem:s17+$0x8680]  }
0x13c: {  	v5 =	vld [tilespmem:s18+$0xC680];
	[tilespmem:s17+$0x145C0] =	vst v0  }
0x13d: {  	v0 =	vld [tilespmem:s18+$0x8300];
	[tilespmem:s17+$0x145D0] =	vst v1  }
0x13e: {  	v1 =	vld [tilespmem:s18+$0xC300];
	[tilespmem:s17+$0x14640] =	vst v2  }
0x13f: {  	v2 =	vld [tilespmem:s18+$0x8380];
	[tilespmem:s17+$0x14650] =	vst v3  }
0x140: {  	v3 =	vld [tilespmem:s18+$0xC380];
	[tilespmem:s17+$0x146C0] =	vst v4  }
0x141: {  	v4 =	vld [tilespmem:s18+$0x8400];
	[tilespmem:s18+$0x146D0] =	vst v5  }
0x142: {  	[tilespmem:s18+$0x14340] =	vst v0;
	v0 =	vld [tilespmem:s18+$0xC400]  }
0x143: {  	[tilespmem:s18+$0x14350] =	vst v1;
	v1 =	vld [tilespmem:s18+$0x8480]  }
0x144: {  	[tilespmem:s18+$0x143C0] =	vst v2;
	v2 =	vld [tilespmem:s18+$0xC480]  }
0x145: {  	[tilespmem:s18+$0x143D0] =	vst v3;
	v3 =	vld [tilespmem:s18+$0x8500]  }
0x146: {  	[tilespmem:s18+$0x14440] =	vst v4;
	v4 =	vld [tilespmem:s18+$0xC500]  }
0x147: {  	[tilespmem:s18+$0x14450] =	vst v0;
	v0 =	vld [tilespmem:s18+$0x8580]  }
0x148: {  	[tilespmem:s18+$0x144C0] =	vst v1;
	v1 =	vld [tilespmem:s18+$0xC580]  }
0x149: {  	[tilespmem:s18+$0x144D0] =	vst v2;
	v2 =	vld [tilespmem:s18+$0x8600]  }
0x14a: {  	[tilespmem:s18+$0x14540] =	vst v3;
	v3 =	vld [tilespmem:s18+$0xC600]  }
0x14b: {  	[tilespmem:s18+$0x14550] =	vst v4;
	v4 =	vld [tilespmem:s18+$0x8680]  }
0x14c: {  	[tilespmem:s18+$0x145C0] =	vst v0  }
0x14d: {  	[tilespmem:s18+$0x145D0] =	vst v1  }
0x14e: {  	[tilespmem:s18+$0x14640] =	vst v2  }
0x14f: {  	[tilespmem:s18+$0x14650] =	vst v3  }
0x150: {  	s13 =	simm.s32 @!p0 $0x80;
	s17 =	simm.s32 @!p0 $0x100;
	[tilespmem:s18+$0x146C0] =	vst v4;
	s18 =	simm.s32 @!p0 $0x8300  }
0x151: {  	[tilespmem:s18], [sflag:$0x5] =	stream.indirect.gather @!p0 [spmem:s1], $0x80, s17, s13, $0xb8;
	[tilespmem:$0x1A300] =	vst v63  }
0x152: {  	s24 =	simm.s32 $0x0;
	s17 =	simm.s32 @!p0 $0x200;
	s18 =	simm.s32 @!p0 $0xC300  }
0x153: {  	[tilespmem:s18], [sflag:$0x5] =	stream.indirect.gather @!p0 [spmem:s2], $0x80, s17, s13, $0xb8;
	[tilespmem:$0x1A300] =	vst v63  }
0x154: {  	v0 =	vld [tilespmem:s24+$0x46B0]  }
0x155: {  	v1 =	vld [tilespmem:s24+$0x4300]  }
0x156: {  	v2 =	vld [tilespmem:s24+$0x4310]  }
0x157: {  	v3 =	vld [tilespmem:s24+$0x4320]  }
0x158: {  	v4 =	vld [tilespmem:s24+$0x4330]  }
0x159: {  	v5 =	vld [tilespmem:s24+$0x4380];
	[tilespmem:s24+$0x146B0] =	vst v0  }
0x15a: {  	[tilespmem:s24+$0x14300] =	vst v1;
	v0 =	vld [tilespmem:s24+$0x4390]  }
0x15b: {  	[tilespmem:s24+$0x14310] =	vst v2;
	v1 =	vld [tilespmem:s24+$0x43A0]  }
0x15c: {  	[tilespmem:s24+$0x14320] =	vst v3;
	v2 =	vld [tilespmem:s24+$0x43B0]  }
0x15d: {  	[tilespmem:s24+$0x14330] =	vst v4;
	v3 =	vld [tilespmem:s24+$0x4400]  }
0x15e: {  	[tilespmem:s24+$0x14380] =	vst v5;
	v4 =	vld [tilespmem:s24+$0x4410]  }
0x15f: {  	v5 =	vld [tilespmem:s24+$0x4610];
	[tilespmem:s24+$0x14390] =	vst v0  }
0x160: {  	v0 =	vld [tilespmem:s24+$0x4420];
	[tilespmem:s24+$0x143A0] =	vst v1  }
0x161: {  	v1 =	vld [tilespmem:s24+$0x4430];
	[tilespmem:s24+$0x143B0] =	vst v2  }
0x162: {  	v2 =	vld [tilespmem:s24+$0x4480];
	[tilespmem:s24+$0x14400] =	vst v3  }
0x163: {  	v3 =	vld [tilespmem:s24+$0x4490];
	[tilespmem:s24+$0x14410] =	vst v4  }
0x164: {  	v4 =	vld [tilespmem:s24+$0x44A0];
	[tilespmem:s24+$0x14610] =	vst v5  }
0x165: {  	[tilespmem:s24+$0x14420] =	vst v0;
	v0 =	vld [tilespmem:s24+$0x44B0]  }
0x166: {  	[tilespmem:s24+$0x14430] =	vst v1;
	v1 =	vld [tilespmem:s24+$0x4500]  }
0x167: {  	[tilespmem:s24+$0x14480] =	vst v2;
	v2 =	vld [tilespmem:s24+$0x4510]  }
0x168: {  	[tilespmem:s24+$0x14490] =	vst v3;
	v3 =	vld [tilespmem:s24+$0x4520]  }
0x169: {  	[tilespmem:s24+$0x144A0] =	vst v4;
	v4 =	vld [tilespmem:s24+$0x4530]  }
0x16a: {  	[tilespmem:s24+$0x144B0] =	vst v0;
	v0 =	vld [tilespmem:s24+$0x4580]  }
0x16b: {  	[tilespmem:s24+$0x14500] =	vst v1;
	v1 =	vld [tilespmem:s24+$0x4590]  }
0x16c: {  	[tilespmem:s24+$0x14510] =	vst v2;
	v2 =	vld [tilespmem:s24+$0x45A0]  }
0x16d: {  	[tilespmem:s24+$0x14520] =	vst v3;
	v3 =	vld [tilespmem:s24+$0x45B0]  }
0x16e: {  	[tilespmem:s24+$0x14530] =	vst v4;
	v4 =	vld [tilespmem:s24+$0x4600]  }
0x16f: {  	[tilespmem:s24+$0x14580] =	vst v0;
	v0 =	vld [tilespmem:s24+$0x4620]  }
0x170: {  	[tilespmem:s24+$0x14590] =	vst v1;
	v1 =	vld [tilespmem:s24+$0x4630]  }
0x171: {  	[tilespmem:s24+$0x145A0] =	vst v2;
	v2 =	vld [tilespmem:s24+$0x4680]  }
0x172: {  	[tilespmem:s24+$0x145B0] =	vst v3;
	v3 =	vld [tilespmem:s24+$0x4690]  }
0x173: {  	s18 =	simm.s32 $0x400;
	s17 =	simm.s32 $0x2000;
	[tilespmem:s24+$0x14600] =	vst v4;
	v4 =	vld [tilespmem:s24+$0x46A0]  }
.LBB2_9:
0x174: {  	p0 =	sne.s32 s17, $0xF000;
	v5 =	vld [tilespmem:s18+$0x46B0];
	[tilespmem:s24+$0x14620] =	vst v0  }
0x175: {  	v0 =	vld [tilespmem:s18+$0x4300];
	[tilespmem:s24+$0x14630] =	vst v1  }
0x176: {  	v1 =	vld [tilespmem:s18+$0x4310];
	[tilespmem:s24+$0x14680] =	vst v2  }
0x177: {  	v2 =	vld [tilespmem:s18+$0x4320];
	[tilespmem:s24+$0x14690] =	vst v3  }
0x178: {  	v3 =	vld [tilespmem:s18+$0x4330];
	[tilespmem:s24+$0x146A0] =	vst v4;
	s24 =	smov.u32 s18  }
0x179: {  	v4 =	vld [tilespmem:s24+$0x4380];
	[tilespmem:s24+$0x146B0] =	vst v5  }
0x17a: {  	[tilespmem:s24+$0x14300] =	vst v0;
	v0 =	vld [tilespmem:s24+$0x4390]  }
0x17b: {  	[tilespmem:s24+$0x14310] =	vst v1;
	v1 =	vld [tilespmem:s24+$0x43A0]  }
0x17c: {  	[tilespmem:s24+$0x14320] =	vst v2;
	v2 =	vld [tilespmem:s24+$0x43B0]  }
0x17d: {  	[tilespmem:s24+$0x14330] =	vst v3;
	v3 =	vld [tilespmem:s24+$0x4400]  }
0x17e: {  	[tilespmem:s24+$0x14380] =	vst v4;
	v4 =	vld [tilespmem:s24+$0x4410]  }
0x17f: {  	[tilespmem:s24+$0x14390] =	vst v0;
	v0 =	vld [tilespmem:s24+$0x4420]  }
0x180: {  	[tilespmem:s24+$0x143A0] =	vst v1;
	v1 =	vld [tilespmem:s24+$0x4430]  }
0x181: {  	[tilespmem:s24+$0x143B0] =	vst v2;
	v2 =	vld [tilespmem:s24+$0x4480]  }
0x182: {  	[tilespmem:s24+$0x14400] =	vst v3;
	v3 =	vld [tilespmem:s24+$0x4490]  }
0x183: {  	[tilespmem:s24+$0x14410] =	vst v4;
	v4 =	vld [tilespmem:s24+$0x44A0]  }
0x184: {  	[tilespmem:s24+$0x14420] =	vst v0;
	v0 =	vld [tilespmem:s24+$0x44B0]  }
0x185: {  	[tilespmem:s24+$0x14430] =	vst v1;
	v1 =	vld [tilespmem:s24+$0x4500]  }
0x186: {  	[tilespmem:s24+$0x14480] =	vst v2;
	v2 =	vld [tilespmem:s24+$0x4510]  }
0x187: {  	[tilespmem:s24+$0x14490] =	vst v3;
	v3 =	vld [tilespmem:s24+$0x4520]  }
0x188: {  	[tilespmem:s24+$0x144A0] =	vst v4;
	v4 =	vld [tilespmem:s24+$0x4530]  }
0x189: {  	[tilespmem:s24+$0x144B0] =	vst v0;
	v0 =	vld [tilespmem:s24+$0x4580]  }
0x18a: {  	[tilespmem:s24+$0x14500] =	vst v1;
	v1 =	vld [tilespmem:s24+$0x4590]  }
0x18b: {  	[tilespmem:s24+$0x14510] =	vst v2;
	v2 =	vld [tilespmem:s24+$0x45A0]  }
0x18c: {  	[tilespmem:s24+$0x14520] =	vst v3;
	v3 =	vld [tilespmem:s24+$0x45B0]  }
0x18d: {  	[tilespmem:s24+$0x14530] =	vst v4;
	v4 =	vld [tilespmem:s24+$0x4600]  }
0x18e: {  	[tilespmem:s24+$0x14580] =	vst v0;
	v5 =	vld [tilespmem:s24+$0x4610]  }
.Ltmp3:
0x18f: {  	[tilespmem:s24+$0x14590] =	vst v1;
	v0 =	vld [tilespmem:s24+$0x4620];
	(pc) =	sbr.rel @p0 .LBB2_9-.Ltmp3, $4  }
0x190: {  	[tilespmem:s24+$0x145A0] =	vst v2;
	v1 =	vld [tilespmem:s24+$0x4630]  }
0x191: {  	[tilespmem:s24+$0x145B0] =	vst v3;
	v2 =	vld [tilespmem:s24+$0x4680]  }
0x192: {  	[tilespmem:s24+$0x14600] =	vst v4;
	v3 =	vld [tilespmem:s24+$0x4690]  }
0x193: {  	s18 =	sshra.s32 s17, $0x2;
	s17 =	sadd.s32 $0x1000, s17;
	[tilespmem:s24+$0x14610] =	vst v5;
	v4 =	vld [tilespmem:s24+$0x46A0]  }
0x194: {  	v5 =	vld [tilespmem:s18+$0x46B0];
	[tilespmem:s24+$0x14620] =	vst v0  }
0x195: {  	v0 =	vld [tilespmem:s18+$0x4300];
	[tilespmem:s24+$0x14630] =	vst v1  }
0x196: {  	v1 =	vld [tilespmem:s18+$0x4310];
	[tilespmem:s24+$0x14680] =	vst v2  }
0x197: {  	v2 =	vld [tilespmem:s18+$0x4320];
	[tilespmem:s24+$0x14690] =	vst v3  }
0x198: {  	v3 =	vld [tilespmem:s18+$0x4330];
	[tilespmem:s24+$0x146A0] =	vst v4  }
0x199: {  	v4 =	vld [tilespmem:s18+$0x4380];
	[tilespmem:s18+$0x146B0] =	vst v5  }
0x19a: {  	v38 =	vld [tilespmem:s18+$0x4390];
	[tilespmem:s18+$0x14300] =	vst v0  }
0x19b: {  	v39 =	vld [tilespmem:s18+$0x43A0];
	[tilespmem:s18+$0x14310] =	vst v1  }
0x19c: {  	v40 =	vld [tilespmem:s18+$0x43B0];
	[tilespmem:s18+$0x14320] =	vst v2  }
0x19d: {  	v41 =	vld [tilespmem:s18+$0x4400];
	[tilespmem:s18+$0x14330] =	vst v3  }
0x19e: {  	v42 =	vld [tilespmem:s18+$0x4410];
	[tilespmem:s18+$0x14380] =	vst v4  }
0x19f: {  	v43 =	vld [tilespmem:s18+$0x4420];
	[tilespmem:s18+$0x14390] =	vst v38  }
0x1a0: {  	v44 =	vld [tilespmem:s18+$0x4430];
	[tilespmem:s18+$0x143A0] =	vst v39  }
0x1a1: {  	v45 =	vld [tilespmem:s18+$0x4480];
	[tilespmem:s18+$0x143B0] =	vst v40  }
0x1a2: {  	v46 =	vld [tilespmem:s18+$0x4490];
	[tilespmem:s18+$0x14400] =	vst v41  }
0x1a3: {  	v47 =	vld [tilespmem:s18+$0x44A0];
	[tilespmem:s18+$0x14410] =	vst v42  }
0x1a4: {  	v48 =	vld [tilespmem:s18+$0x44B0];
	[tilespmem:s18+$0x14420] =	vst v43  }
0x1a5: {  	v49 =	vld [tilespmem:s18+$0x4500];
	[tilespmem:s18+$0x14430] =	vst v44  }
0x1a6: {  	v50 =	vld [tilespmem:s18+$0x4510];
	[tilespmem:s18+$0x14480] =	vst v45  }
0x1a7: {  	v51 =	vld [tilespmem:s18+$0x4520];
	[tilespmem:s18+$0x14490] =	vst v46  }
0x1a8: {  	v52 =	vld [tilespmem:s18+$0x4530];
	[tilespmem:s18+$0x144A0] =	vst v47  }
0x1a9: {  	v53 =	vld [tilespmem:s18+$0x4580];
	[tilespmem:s18+$0x144B0] =	vst v48  }
0x1aa: {  	v54 =	vld [tilespmem:s18+$0x4590];
	[tilespmem:s18+$0x14500] =	vst v49  }
0x1ab: {  	v55 =	vld [tilespmem:s18+$0x45A0];
	[tilespmem:s18+$0x14510] =	vst v50  }
0x1ac: {  	v56 =	vld [tilespmem:s18+$0x45B0];
	[tilespmem:s18+$0x14520] =	vst v51  }
0x1ad: {  	v57 =	vld [tilespmem:s18+$0x4600];
	[tilespmem:s18+$0x14530] =	vst v52  }
0x1ae: {  	v58 =	vld [tilespmem:s18+$0x4610];
	[tilespmem:s18+$0x14580] =	vst v53  }
0x1af: {  	v59 =	vld [tilespmem:s18+$0x4620];
	[tilespmem:s18+$0x14590] =	vst v54  }
0x1b0: {  	v60 =	vld [tilespmem:s18+$0x4630];
	[tilespmem:s18+$0x145A0] =	vst v55  }
0x1b1: {  	v61 =	vld [tilespmem:s18+$0x4680];
	[tilespmem:s18+$0x145B0] =	vst v56  }
0x1b2: {  	v62 =	vld [tilespmem:s18+$0x4690];
	[tilespmem:s18+$0x14600] =	vst v57  }
0x1b3: {  	s21 =	sadd.s32 $0x1, s21;
	v63 =	vld [tilespmem:s18+$0x46A0];
	[tilespmem:s18+$0x14610] =	vst v58  }
0x1b4: {  	p0 =	sne.s32 s21, $0x64;
	[tilespmem:s18+$0x14620] =	vst v59  }
.Ltmp4:
0x1b5: {  	s13 =	sadd.s32 s22, s20;
	[tilespmem:s18+$0x14630] =	vst v60;
	(pc) =	sbr.rel @p0 .LBB2_2-.Ltmp4, $4  }
0x1b6: {  	s13 =	sshll.u32 s13, $0xB;
	[tilespmem:s18+$0x14680] =	vst v61  }
0x1b7: {  	s13 =	sand.u32 $0x1FFFF800, s13;
	[tilespmem:s18+$0x14690] =	vst v62  }
0x1b8: {  	s13 =	sadd.s32 s11, s13;
	[tilespmem:s18+$0x146A0] =	vst v63  }
0x1b9: {  	[hbm4b:s13+s3] =	stream.linear.scatter [tilespmem:s16], [sflag:$0x7], $0x4000, $0x38;
	[tilespmem:$0x1A300] =	vst v63  }
0x1ba: {  	s13 =	simm.s32 $0x6  }
0x1bb: {  	_ =	swait.ge [sflag:s13], $0x4000  }
0x1bc: {  	[sflag:s13] =	ssyncset.done $0x0  }
0x1bd: {  	s17 =	simm.s32 $0x7;
	[sflag:s13] =	ssyncadd.s32 $0xFFFFC000  }
0x1be: {  	_ =	swait.ge [sflag:s17], $0x4000  }
0x1bf: {  	s19 =	sadd.s32 $0x1, s19;
	s24 =	rddreg [dreg:$0xd]  }
0x1c0: {  	p0 =	sne.s32 s19, s24  }
.Ltmp5:
0x1c1: {  	_ = 	snop;
	(pc) =	sbr.rel @p0 .LBB2_1-.Ltmp5, $3  }
0x1c2: {  	_ =	sdelay $0x1  }
0x1c3: {  	[sflag:s17] =	ssyncset.done $0x0  }
0x1c4: {  	[sflag:s17] =	ssyncadd.s32 $0xFFFFC000  }
0x1c5: {  	_ =	sfence.sel $0x180000  }
0x1c6: {  	[bflag:$0x0] =	sbarrier.arrive $0xFFFF  }
0x1c7: {  	_ =	strace $0x90000047  }
0x1c8: {  	s0 =	stileid.u32;
	[bflag:$0x2] =	sbarrier.arrive $0xFFFF  }
0x1c9: {  	p0 =	sne.s32 s0, $0x0;
	s0 =	rddreg [dreg:$0x3]  }
0x1ca: {  	s0 =	sadd.s32 @!p0 $0x100000, s0  }
0x1cb: {  	[sflag:s0] =	ssyncadd.tile.s32 @!p0 $0x1;
	_ =	shalt  }
.Lfunc_end2:
_tile_overlayer_lowered:
.L_overlay_start_2:
0x1cc: {  	(tag) =	ssettag $0x2  }
0x1cd: {  	s0 =	rddreg [dreg:$0x0];
	s2 =	stileid.u32  }
0x1ce: {  	s1 =	rddreg [dreg:$0x1];
	p0 =	sne.s32 s2, $0x0  }
0x1cf: {  	s3 =	rddreg [dreg:$0x2];
	[bflag:$0x3] =	sbarrier.arrive $0xFFFF;
	s2 =	simm.s32 @!p0 $0x1C08  }
0x1d0: {  	[timem:s3], [sflag:s2] =	dma.local @!p0 [hbm:s0], s1  }
0x1d1: {  	s0 =	simm.s32 @!p0 $0x8  }
0x1d2: {  	_ =	swait.ge @!p0 [sflag:s0], s1  }
0x1d3: {  	s1 =	ssub.s32 @!p0 $0x0, s1;
	[sflag:s0] =	ssyncset.done @!p0 $0x0  }
0x1d4: {  	[sflag:s0] =	ssyncadd.s32 @!p0 s1  }
0x1d5: {  	[bflag:$0x3] =	sbarrier.arrive $0xFFFF  }
0x1d6: {  	_ =	shalt  }

// kernel: sparse-core-data-format-call.cloned.1.call-start
scs
called_computation_lowered:
.L_overlay_start_0:
0x0: {  	s2 =	sld [smem:$0x3FD9]  }
0x1: {  	s3 =	sld [smem:$0x3FFE];
	_ =	sdelay $0x1  }
0x2: {  	s1 =	srdreg.scid  }
0x3: {  	s0 =	sand.u32 $0x1, s1  }
0x4: {  	s18 =	sshll.u32 s0, $0xA;
	s2 =	sadd.s32 s3, s2  }
0x5: {  	s2 =	sadd.s32 s2, s18  }
0x6: {  	[smem:$0x3FC2] =	sst s2  }
0x7: {  	_ = 	snop  }
0x8: {  	s2 =	sld [smem:$0x3FD0];
	(tm) =	ssettm $0x1  }
0x9: {  	s19 =	sld [smem:$0x3FFB];
	_ =	sdelay $0x3  }
0xa: {  	_ =	strace s19  }
0xb: {  	s3 =	sld [smem:$0x3FFC];
	_ =	sdelay $0x3  }
0xc: {  	_ =	strace s3  }
0xd: {  	s3 =	sld [smem:$0x3FFD];
	_ =	sdelay $0x3  }
0xe: {  	_ =	strace s3  }
0xf: {  	_ =	strace $0x8FFFFFFF  }
0x10: {  	s20 =	sld [smem:$0x3FDB];
	_ =	sdelay $0x1  }
0x11: {  	s4 =	simm.s32 $_scs_section_size  }
0x12: {  	s5 =	simm.s32 $_size__tile_overlayer_lowered;
	s6 =	simm.s32 $_tile_overlayer_lowered  }
0x13: {  	s23 =	simm.s32 $0x1BFF;
	s22 =	sshll.u32 s6, $0x1;
	s3 =	sadd.s32 s4, s20  }
0x14: {  	s7 =	simm.s32 $0x0;
	s21 =	sshll.u32 s5, $0x1;
	s5 =	sadd.s32 s22, s3  }
0x15: {  	[timem:s7], [sflag:s23] =	dma.local [hbm:s5], s21  }
0x16: {  	_ =	swait.ge [sflag:s23], s21  }
0x17: {  	s4 =	ssub.s32 $0x0, s21;
	[sflag:s23] =	ssyncset.done $0x0  }
0x18: {  	[sflag:s23] =	ssyncadd.s32 s4;
	_ =	sdelay $0x1  }
0x19: {  	s24 =	simm.s32 $0x1B8B  }
0x1a: {  	_ =	swait.ge [sflag:s24], $0x1  }
0x1b: {  	[sflag:s24] =	ssyncset.done $0x0  }
0x1c: {  	s26 =	simm.s32 $0x1B8E;
	s25 =	sld [smem:$0x3FFE];
	[sflag:s24] =	ssyncadd.s32 $0xFFFFFFFF  }
0x1d: {  	s27 =	simm.s32 $execute0_lowered;
	[smem:$0x3FD2] =	sst s26  }
0x1e: {  	s5 =	sshll.u32 s27, $0x1;
	_ =	strace $0x80000049;
	[dreg:$0x1] =	wrdreg $0xFFFFFFFF  }
0x1f: {  	s28 =	simm.s32 $_size_execute0_lowered;
	s3 =	sadd.s32 s3, s5;
	[dreg:$0x0] =	wrdreg $0x0  }
0x20: {  	s5 =	sshll.u32 s28, $0x1;
	[dreg:$0x2] =	wrdreg s3  }
0x21: {  	[dreg:$0x3] =	wrdreg s5  }
0x22: {  	[dreg:$0x4] =	wrdreg $0xC0  }
0x23: {  	_ =	task [dreg:s7], $0x5FFFF  }
0x24: {  	[dreg:$0x1] =	wrdreg $0xFFFFFFFF  }
0x25: {  	[dreg:$0x0] =	wrdreg $0x60  }
0x26: {  	[dreg:$0x2] =	wrdreg s25  }
0x27: {  	[dreg:$0x3] =	wrdreg s2  }
0x28: {  	[dreg:$0x4] =	wrdreg $0x9  }
0x29: {  	_ =	task.clear_ibuf [dreg:s7], $0x5FFFF;
	_ =	strace $0x90000049  }
0x2a: {  	s29 =	simm.s32 $0x9;
	_ =	strace $0x8000004B  }
0x2b: {  	_ =	swait.ge [sflag:s29], $0x1  }
0x2c: {  	[sflag:s29] =	ssyncadd.s32 $0xFFFFFFFF  }
0x2d: {  	_ =	strace $0x9000004B  }
0x2e: {  	_ =	sfence  }
0x2f: {  	s30 =	sld [smem:$0x0];
	_ =	sdelay $0x2  }
0x30: {  	s31 =	sshll.u32 s1, $0xD;
	s1 =	sshrl.u32 s1, $0x2  }
0x31: {  	s3 =	sand.u32 $0x4000, s31;
	s1 =	sadd.s32 s1, s30  }
0x32: {  	s0 =	sor.u32 s3, s0;
	s1 =	sshll.u32 s1, $0x11  }
0x33: {  	s0 =	sor.u32 s1, s0  }
0x34: {  	s0 =	sadd.s32 $0x8F2B, s0  }
0x35: {  	[sflag:s0] =	ssyncadd.remote.s32 $0x1  }
0x36: {  	_ =	sfence.sel $0xFFFF  }
0x37: {  	[dreg:$0x0] =	wrdreg $0xFFFFFFFF;
	(pc) =	sbr.abs _section_cstart, $3  }
0x38: {  	[dreg:$0x1] =	wrdreg $0xFFFFFFFF  }
0x39: {  	_ =	task.clear_ibuf [dreg:s7], $0x2FFFF;
	_ =	strace $0x9FFFFFFF  }
0x3a: {  	(tm) =	ssettm $0x7FFFFFFF  }
0x3b: {  	_ =	shalt  }
tec
execute0_lowered:
.L_overlay_start_1:
0x0: {  	(tag) =	ssettag $0x1  }
0x1: {  	s0 =	srdreg.scid  }
0x2: {  	s1 =	sshll.u32 s0, $0x4  }
0x3: {  	s6 =	rddreg [dreg:$0x0];
	s0 =	stileid.u32;
	s1 =	sand.u32 $0x10, s1  }
0x4: {  	s3 =	rddreg [dreg:$0x1];
	s1 =	sor.u32 s0, s1  }
0x5: {  	s5 =	simm.s32 $0x1;
	s31 =	simm.s32 $0x2;
	s2 =	sshll.u32 s1, $0x7  }
0x6: {  	s15 =	simm.s32 $0x0;
	s8 =	simm.s32 $0x8000;
	s4 =	ssub.s32 $0x1000, s2  }
0x7: {  	s14 =	simm.s32 $0x0;
	s9 =	simm.s32 $0x0;
	s30 =	sand.u32 $0xF80, s4  }
0x8: {  	s10 =	simm.s32 $0x0;
	s11 =	simm.s32 $0x0;
	p0 =	sne.s32 s30, $0x0  }
.Ltmp0:
0x9: {  	s7 =	sshrl.u32 s4, $0xC;
	s5 =	simm.s32 @!p0 $0x0;
	(pc) =	sbr.rel .LBB1_1-.Ltmp0, $4  }
0xa: {  	s13 =	simm.s32 $0x0;
	s1 =	rddreg [dreg:$0x2];
	s5 =	sadd.s32 s5, s7  }
0xb: {  	_ =	strace $0x8000004A;
	s4 =	simm.s32 $0x1;
	s5 =	smul.u32 $0xC8, s5  }
0xc: {  	s6 =	sadd.s32 $0x1D6600, s6;
	s12 =	smov.u32 s2;
	[sflag:s4] =	ssyncpa.u1 $0x0  }
0xd: {  	[sflag:s31] =	ssyncpa.u1 $0x0;
	p0 =	por $0x0, $0x0;
	s7 =	sor.u32 $0x1, s5  }
.LBB1_4:
0xe: {  	s20 =	sshra.s32 s20, $0x2;
	s28 =	sshll.u32 s10, $0x3;
	p1 =	sgt.s32 s9, $0xC7  }
0xf: {  	s21 =	smov.u32 s9;
	s23 =	sshra.s32 s9, $0x1F;
	s24 =	smov.u32 s10  }
0x10: {  	v5 =	vld [tilespmem:s17+$0xFFFFFFD0];
	[tilespmem:s18+$0x2040 ss:$0x81] =	vst.msk $0xffff, v4;
	s25 =	sshra.s32 s10, $0x1F;
	s26 =	sand.u32 $0x78, s10;
	s19 =	sadd.s32 s20, s19  }
0x11: {  	v58 =	vld [tilespmem:s17+$0xFFFFFFE0];
	[tilespmem:s18+$0x2850 ss:$0x81] =	vst.msk $0xffff, v3;
	s22 =	sshrl.u32 s28, $0xC;
	s21 =	simm.s32 @!p1 $0xC7;
	s23 =	sand.u32 s23, s9  }
0x12: {  	v59 =	vld [tilespmem:s17+$0xFFFFFFF0];
	[tilespmem:s18+$0x3060 ss:$0x81] =	vst.msk $0xffff, v2;
	p1 =	sgt.s32 s10, $0xF80;
	s29 =	sand.u32 s25, s10;
	s20 =	sand.u32 $0xC00, s28  }
0x13: {  	v60 =	vld [tilespmem:s17+$0x0];
	[tilespmem:s18+$0x0 ss:$0x81] =	vst.msk $0xffff, v0;
	s28 =	smul.u32 $0xC000, s9;
	s21 =	ssub.s32 s21, s23;
	s24 =	simm.s32 @!p1 $0xF80  }
0x14: {  	v61 =	vld [tilespmem:s17+$0x10];
	s30 =	smulhi.u32 $0x2AAAAAB, s22;
	[tilespmem:s19+$0x3870 ss:$0x81] =	vst.msk $0xffff, v1;
	s20 =	sor.u32 s26, s20;
	s31 =	ssub.s32 $0xC8, s21  }
0x15: {  	v62 =	vld [tilespmem:s17+$0x20];
	s23 =	ssub.s32 s24, s29;
	s21 =	sadd.s32 $0xFFFFFF39, s21;
	s25 =	smul.u32 $0x60, s31;
	[tilespmem:s19+$0x810 ss:$0x81] =	vst.msk $0xffff, v5  }
0x16: {  	v63 =	vld [tilespmem:s17+$0xFFFFFFC0];
	s18 =	smul.u32 $0x60, s30;
	p1 =	sgt.s32 s21, $0x0;
	s27 =	sadd.s32 $0xFFFFF080, s23;
	[tilespmem:s19+$0x1020 ss:$0x81] =	vst.msk $0xffff, v58  }
0x17: {  	s17 =	ssub.s32 $0x1000, s23;
	[tilespmem:s19+$0x1830 ss:$0x81] =	vst.msk $0xffff, v59;
	s25 =	simm.s32 @p1 $0x0;
	p1 =	sgt.s32 s27, $0x7F  }
0x18: {  	s29 =	sand.u32 $0x7, s10;
	[tilespmem:s19+$0x2040 ss:$0x81] =	vst.msk $0xffff, v60;
	s18 =	ssub.s32 s22, s18;
	s17 =	simm.s32 @p1 $0x0  }
0x19: {  	s21 =	sadd.s32 s3, s28;
	[tilespmem:s19+$0x2850 ss:$0x81] =	vst.msk $0xffff, v61;
	s18 =	sshll.u32 s18, $0x9;
	s17 =	smul.u32 s17, s25  }
0x1a: {  	s20 =	sshrl.u32 s20, $0x3;
	s30 =	sshll.u32 s29, $0x12;
	[tilespmem:s19+$0x3060 ss:$0x81] =	vst.msk $0xffff, v62;
	s18 =	sadd.s32 s18, s21  }
0x1b: {  	[tilespmem:s19+$0x0 ss:$0x81] =	vst.msk $0xffff, v63;
	s31 =	sor.u32 $0x400, s30;
	s18 =	sadd.s32 s20, s18;
	s17 =	sand.u32 $0x3FFFFFE0, s17  }
0x1c: {  	[hbm4b:s18+s31] =	stream.strided.scatter [tilespmem:s16], [sflag:$0x2], s17, s8, s31, $0x20;
	[tilespmem:$0x10100] =	vst v63  }
.LBB1_5:
0x1d: {  	p1 =	slt.u32 s13, $0x2  }
0x1e: {  	s17 =	smov.u32 s15;
	p2 =	sgt.s32 @!p1 s15, $0xC7;
	s16 =	sshra.s32 @!p1 s15, $0x1F  }
0x1f: {  	p3 =	sgt.s32 @!p1 s14, $0xF80;
	s18 =	sshra.s32 @!p1 s14, $0x1F;
	p2 =	por !p2, p1  }
0x20: {  	s15 =	sand.u32 @!p1 s16, s15;
	p3 =	por !p3, p1;
	s16 =	smov.u32 s14  }
0x21: {  	s14 =	sand.u32 @!p1 s18, s14;
	s17 =	simm.s32 @p2 $0xC7;
	s16 =	simm.s32 @p3 $0xF80  }
0x22: {  	s18 =	smov.u32 s12;
	s15 =	ssub.s32 @!p1 s17, s15;
	s14 =	ssub.s32 @!p1 s16, s14  }
0x23: {  	s16 =	sadd.s32 @!p1 $0xFFFFFF39, s15;
	s15 =	ssub.s32 @!p1 $0xC8, s15;
	s17 =	sadd.s32 @!p1 $0xFFFFF080, s14  }
0x24: {  	p2 =	sgt.s32 @!p1 s16, $0x0;
	s15 =	smul.u32 @!p1 $0x60, s15;
	p3 =	sgt.s32 @!p1 s17, $0x7F  }
0x25: {  	s14 =	ssub.s32 @!p1 $0x1000, s14;
	p2 =	por !p2, p1;
	p3 =	por !p3, p1  }
0x26: {  	s16 =	sadd.s32 $0x1, s11;
	s15 =	simm.s32 @!p2 $0x0;
	s14 =	simm.s32 @!p3 $0x0  }
0x27: {  	p2 =	sgt.s32 s16, $0xC7;
	s14 =	smul.u32 @!p1 s14, s15;
	s15 =	sadd.s32 $0x1000, s12  }
0x28: {  	s18 =	smov.u32 @p2 s15  }
0x29: {  	s16 =	simm.s32 @p2 $0x0;
	p2 =	sgt.s32 s18, $0xFFF  }
0x2a: {  	s18 =	smov.u32 @p2 s2;
	p2 =	sne.s32 s13, s7  }
.Ltmp1:
0x2b: {  	p0 =	por !p0, !p0;
	s17 =	simm.s32 @!p1 $0x2;
	(pc) =	sbr.rel @!p2 .LBB1_6-.Ltmp1, $4  }
0x2c: {  	s15 =	smov.u32 s9;
	s9 =	smov.u32 s11;
	s14 =	sand.u32 @!p1 $0x3FFFFFE0, s14  }
0x2d: {  	s11 =	smov.u32 s16;
	_ =	swait.ge @!p1 [sflag:s17], s14;
	s19 =	ssub.s32 @!p1 $0x0, s14  }
0x2e: {  	s14 =	smov.u32 s10;
	s13 =	sadd.s32 $0x1, s13;
	[sflag:s17] =	ssyncset.done @!p1 $0x0  }
0x2f: {  	s10 =	smov.u32 s12;
	s12 =	smov.u32 s18;
	[sflag:s17] =	ssyncadd.s32 @!p1 s19  }
.LBB1_1:
0x30: {  	p1 =	sge.u32 s13, s5  }
0x31: {  	s16 =	sand.u32 @!p1 $0x1FFFFFF, s11  }
0x32: {  	s17 =	smulhi.u32 @!p1 $0x147AE15, s16;
	_ =	sdelay $0x1  }
0x33: {  	s17 =	smul.u32 @!p1 $0xC8, s17  }
0x34: {  	s18 =	sxor.u32 @!p1 $0xFFFFFFFF, s13;
	s19 =	smul.u32 @!p1 $0xC80, s12  }
0x35: {  	s31 =	sadd.s32 $0xFFFFFFFF, s13;
	s18 =	sshll.u32 @!p1 s18, $0xE;
	s16 =	ssub.s32 @!p1 s16, s17  }
0x36: {  	s17 =	sand.u32 @!p1 $0x4000, s18;
	s18 =	sadd.s32 @!p1 s6, s19;
	s16 =	sshll.u32 @!p1 s16, $0x4  }
0x37: {  	s19 =	simm.s32 @!p1 $0x6400;
	s16 =	sadd.s32 @!p1 s16, s18;
	s18 =	simm.s32 @!p1 $0x80  }
0x38: {  	[tilespmem:s17], [sflag:$0x1] =	stream.strided.gather @!p1 [hbm4b:s16+s18], $0x4000, s19, s18, $0x38;
	[tilespmem:$0x10100] =	vst v63  }
0x39: {  	p1 =	sge.u32 s31, s5  }
.Ltmp2:
0x3a: {  	_ = 	snop;
	(pc) =	sbr.rel @p1 .LBB1_5-.Ltmp2, $1  }
0x3b: {  	_ =	sdelay $0x3  }
0x3c: {  	s16 =	simm.s32 $0x1  }
0x3d: {  	_ =	swait.ge [sflag:s4], $0x4000;
	s16 =	simm.s32 @!p0 $0x0  }
0x3e: {  	[sflag:s4] =	ssyncset.done $0x0;
	s17 =	sshll.u32 s16, $0xE  }
0x3f: {  	[sflag:s4] =	ssyncadd.s32 $0xFFFFC000;
	s17 =	sor.u32 $0x40, s17  }
0x40: {  	s16 =	smul.u32 $0x10200, s16;
	v0 =	vld [tilespmem:s17+$0x30]  }
0x41: {  	v1 =	vld [tilespmem:s17+$0xFFFFFFD0]  }
0x42: {  	s16 =	sshrl.u32 s16, $0x2;
	v5 =	vld [tilespmem:s17+$0xFFFFFFE0]  }
0x43: {  	v6 =	vld [tilespmem:s17+$0xFFFFFFF0];
	s19 =	sor.u32 $0x8000, s16  }
0x44: {  	s31 =	sand.u32 $0x1, s13;
	v4 =	vld [tilespmem:s17+$0x0];
	s18 =	sadd.s32 $0x0, s19  }
0x45: {  	v3 =	vld [tilespmem:s17+$0x10];
	s16 =	smul.u32 $0x10200, s31;
	[tilespmem:s18+$0x3870 ss:$0x81] =	vst.msk $0xffff, v0  }
0x46: {  	v2 =	vld [tilespmem:s17+$0x20];
	[tilespmem:s18+$0x810 ss:$0x81] =	vst.msk $0xffff, v1  }
0x47: {  	s16 =	sshrl.u32 s16, $0x2;
	v0 =	vld [tilespmem:s17+$0xFFFFFFC0];
	[tilespmem:s18+$0x1020 ss:$0x81] =	vst.msk $0xffff, v5;
	s17 =	sadd.s32 $0x80, s17  }
0x48: {  	s20 =	simm.s32 $0x4;
	s21 =	simm.s32 $0x8;
	s16 =	sor.u32 $0x8000, s16;
	[tilespmem:s18+$0x1830 ss:$0x81] =	vst.msk $0xffff, v6;
	v1 =	vld [tilespmem:s17+$0x30]  }
.LBB1_3:
0x49: {  	p1 =	sne.s32 s21, $0x1FC;
	v5 =	vld [tilespmem:s17+$0xFFFFFFD0];
	[tilespmem:s18+$0x2040 ss:$0x81] =	vst.msk $0xffff, v4  }
0x4a: {  	v6 =	vld [tilespmem:s17+$0xFFFFFFE0];
	[tilespmem:s18+$0x2850 ss:$0x81] =	vst.msk $0xffff, v3  }
0x4b: {  	s22 =	sshra.s32 s20, $0x2;
	s20 =	smov.u32 s21;
	v7 =	vld [tilespmem:s17+$0xFFFFFFF0];
	[tilespmem:s18+$0x3060 ss:$0x81] =	vst.msk $0xffff, v2  }
.Ltmp3:
0x4c: {  	v4 =	vld [tilespmem:s17+$0x0];
	[tilespmem:s18+$0x0 ss:$0x81] =	vst.msk $0xffff, v0;
	s18 =	sadd.s32 s22, s19;
	(pc) =	sbr.rel @p1 .LBB1_3-.Ltmp3, $4  }
0x4d: {  	v3 =	vld [tilespmem:s17+$0x10];
	[tilespmem:s18+$0x3870 ss:$0x81] =	vst.msk $0xffff, v1  }
0x4e: {  	[tilespmem:s18+$0x810 ss:$0x81] =	vst.msk $0xffff, v5;
	v2 =	vld [tilespmem:s17+$0x20]  }
0x4f: {  	v0 =	vld [tilespmem:s17+$0xFFFFFFC0];
	[tilespmem:s18+$0x1020 ss:$0x81] =	vst.msk $0xffff, v6;
	s17 =	sadd.s32 $0x80, s17  }
0x50: {  	s21 =	sadd.s32 $0x4, s21;
	v1 =	vld [tilespmem:s17+$0x30];
	[tilespmem:s18+$0x1830 ss:$0x81] =	vst.msk $0xffff, v7  }
.Ltmp4:
0x51: {  	_ = 	snop;
	(pc) =	sbr.rel .LBB1_4-.Ltmp4, $1  }
0x52: {  	_ =	sdelay $0x3  }
.LBB1_6:
0x53: {  	_ =	sfence.sel $0x180000  }
0x54: {  	s2 =	simm.s32 $0x1;
	[bflag:$0x0] =	sbarrier.arrive $0xFFFF  }
0x55: {  	s31 =	simm.s32 $0x2;
	[sflag:s2] =	ssyncpa.u1 $0x1  }
0x56: {  	[sflag:s31] =	ssyncpa.u1 $0x1  }
0x57: {  	p0 =	sne.s32 s0, $0x0;
	_ =	strace $0x9000004A  }
0x58: {  	s0 =	sadd.s32 @!p0 $0x100000, s1;
	[bflag:$0x2] =	sbarrier.arrive $0xFFFF  }
0x59: {  	[sflag:s0] =	ssyncadd.tile.s32 @!p0 $0x1;
	_ =	shalt  }
.Lfunc_end1:
_tile_overlayer_lowered:
.L_overlay_start_2:
0x5a: {  	(tag) =	ssettag $0x2  }
0x5b: {  	s0 =	rddreg [dreg:$0x0];
	s2 =	stileid.u32  }
0x5c: {  	s1 =	rddreg [dreg:$0x1];
	p0 =	sne.s32 s2, $0x0  }
0x5d: {  	s3 =	rddreg [dreg:$0x2];
	[bflag:$0x3] =	sbarrier.arrive $0xFFFF;
	s2 =	simm.s32 @!p0 $0x1C01  }
0x5e: {  	[timem:s3], [sflag:s2] =	dma.local @!p0 [hbm:s0], s1  }
0x5f: {  	s0 =	simm.s32 @!p0 $0x1  }
0x60: {  	_ =	swait.ge @!p0 [sflag:s0], s1  }
0x61: {  	s1 =	ssub.s32 @!p0 $0x0, s1;
	[sflag:s0] =	ssyncset.done @!p0 $0x0  }
0x62: {  	[sflag:s0] =	ssyncadd.s32 @!p0 s1  }
0x63: {  	[bflag:$0x3] =	sbarrier.arrive $0xFFFF  }
0x64: {  	_ =	shalt  }

</sc_bundles>
